<compile_context>
chip_gen: v7x
topology: tpu7x:2x2x1
jax: 0.10.2.dev20260603
libtpu: 0.0.44.dev20260713+nightly
codegen_flags: <defaults>
</compile_context>

<pallas_src>
import jax
import jax.numpy as jnp
from jax.experimental import pallas as pl
from jax.experimental.pallas import tpu as pltpu
from jax.experimental.pallas import tpu_sc as plsc

DIM = 768
DS = 16
DC = 4
E = 1536
B_SZ = 4
L = 2048
K = 614
KP = 640
Q = 32
NC = KP // Q
LT = 256
NLT = L // LT
ET = 512
NET = E // ET

_f32 = jnp.float32
_bf16 = jnp.bfloat16


def _k1_body(x_ref, nw_ref, wt_ref, b_ref, out_ref):
    xt = x_ref[0]
    ss = jnp.sum(xt * xt, axis=1, keepdims=True)
    rms = jnp.sqrt(ss) * (DIM ** -0.5)
    xn = nw_ref[...] * (xt / (rms + 1e-6))
    r = jnp.dot(xn.astype(_bf16), wt_ref[...], preferred_element_type=_f32)
    out_ref[0] = r + b_ref[...]


def _k1(x, norm_weight, W_inT, b_in):
    return pl.pallas_call(
        _k1_body,
        grid=(B_SZ, NLT),
        in_specs=[
            pl.BlockSpec((1, LT, DIM), lambda b, l: (b, l, 0)),
            pl.BlockSpec((1, DIM), lambda b, l: (0, 0)),
            pl.BlockSpec((DIM, E), lambda b, l: (0, 0)),
            pl.BlockSpec((1, E), lambda b, l: (0, 0)),
        ],
        out_specs=pl.BlockSpec((1, LT, E), lambda b, l: (b, l, 0)),
        out_shape=jax.ShapeDtypeStruct((B_SZ, L, E), _f32),
    )(x, norm_weight, W_inT, b_in)


LT2 = 512


def _k2b_body(pT_ref, prow_ref, rank_ref):
    lt = pl.program_id(1)
    p_all = pT_ref[0]
    p_tile = prow_ref[0]
    gt = (p_all > p_tile).astype(jnp.int32)
    jidx = jax.lax.broadcasted_iota(jnp.int32, (L, LT2), 0)
    lidx = lt * LT2 + jax.lax.broadcasted_iota(jnp.int32, (L, LT2), 1)
    eq_lo = ((p_all == p_tile) & (jidx < lidx)).astype(jnp.int32)
    rank_ref[0] = jnp.sum(gt + eq_lo, axis=0, keepdims=True)


def _k2b(pT, p_row):
    return pl.pallas_call(
        _k2b_body,
        grid=(B_SZ, L // LT2),
        in_specs=[
            pl.BlockSpec((1, L, 1), lambda b, l: (b, 0, 0)),
            pl.BlockSpec((1, 1, LT2), lambda b, l: (b, 0, l)),
        ],
        out_specs=pl.BlockSpec((1, 1, LT2), lambda b, l: (b, 0, l)),
        out_shape=jax.ShapeDtypeStruct((B_SZ, 1, L), jnp.int32),
    )(pT, p_row)


def _k2c_body(rank_ref, gidx_ref):
    b = pl.program_id(0)
    r = rank_ref[0]
    t = jax.lax.broadcasted_iota(jnp.int32, (KP, L), 0)
    lidx = jax.lax.broadcasted_iota(jnp.int32, (KP, L), 1)
    sel = (t == r).astype(jnp.int32)
    gidx_ref[0] = jnp.sum(sel * (lidx + b * L), axis=1, keepdims=True)


def _k2c(rank_row):
    return pl.pallas_call(
        _k2c_body,
        grid=(B_SZ,),
        in_specs=[pl.BlockSpec((1, 1, L), lambda b: (b, 0, 0))],
        out_specs=pl.BlockSpec((1, KP, 1), lambda b: (b, 0, 0)),
        out_shape=jax.ShapeDtypeStruct((B_SZ, KP, 1), jnp.int32),
    )(rank_row)


NW = 32
ROWS_G = (B_SZ * KP) // NW


def _sc_gather_body(table_hbm, idx_hbm, out_hbm, idx_v, rows_v, sem):
    wid = jax.lax.axis_index("s") * 2 + jax.lax.axis_index("c")
    base = wid * ROWS_G
    pltpu.sync_copy(idx_hbm.at[pl.ds(base, ROWS_G)], idx_v)
    pltpu.async_copy(table_hbm.at[idx_v], rows_v, sem).wait()
    pltpu.sync_copy(rows_v, out_hbm.at[pl.ds(base, ROWS_G)])


def _sc_gather(table, gidx):
    mesh = plsc.VectorSubcoreMesh(core_axis_name="c", subcore_axis_name="s")
    f = pl.kernel(
        _sc_gather_body,
        mesh=mesh,
        out_type=jax.ShapeDtypeStruct((B_SZ * KP, E), _f32),
        scratch_types=[
            pltpu.VMEM((ROWS_G,), jnp.int32),
            pltpu.VMEM((ROWS_G, E), _f32),
            pltpu.SemaphoreType.DMA,
        ],
    )
    return f(table, gidx)


def _k3_body(rank_ref, xp_ref, out_ref):
    lt = pl.program_id(1)
    r = rank_ref[0]
    t = jax.lax.broadcasted_iota(jnp.int32, (KP, LT), 0)
    oh = (t == r).astype(_bf16)
    part = jnp.dot(oh, xp_ref[0], preferred_element_type=_f32)

    @pl.when(lt == 0)
    def _():
        out_ref[0] = part.astype(_bf16)

    @pl.when(lt > 0)
    def _():
        out_ref[0] += part.astype(_bf16)


def _k3(rank_row, x_proj):
    return pl.pallas_call(
        _k3_body,
        grid=(B_SZ, NLT),
        in_specs=[
            pl.BlockSpec((1, 1, LT), lambda b, l: (b, 0, l)),
            pl.BlockSpec((1, LT, E), lambda b, l: (b, l, 0)),
        ],
        out_specs=pl.BlockSpec((1, KP, E), lambda b, l: (b, 0, 0)),
        out_shape=jax.ShapeDtypeStruct((B_SZ, KP, E), _bf16),
    )(rank_row, x_proj)


def _k4_body(xs_ref, cw_ref, sigC_ref, td_ref, w2bd_ref, tch_ref,
             wo_ref, bo_ref, out_ref, xconv_ref, outs_ref):
    e = pl.program_id(1)
    xs = xs_ref[0].astype(_f32)
    acc = cw_ref[0:1, :] * xs
    for m in range(1, DC):
        sh = jnp.concatenate([jnp.zeros((m, ET), _f32), xs[:-m, :]], axis=0)
        acc = acc + cw_ref[m:m + 1, :] * sh
    xconv_ref[...] = acc.astype(_bf16)

    xcv = xconv_ref[...]
    s_all = jnp.dot(w2bd_ref[...], xcv, preferred_element_type=_f32)
    hall = jnp.dot(tch_ref[...], s_all.astype(_bf16),
                   preferred_element_type=_f32).astype(_bf16)

    td = td_ref[...]
    for c in range(NC):
        rhs = jnp.concatenate(
            [xcv[c * Q:(c + 1) * Q, :], hall[c * DS:(c + 1) * DS, :]], axis=0)
        t = jnp.dot(td, rhs, preferred_element_type=_f32)
        o = jnp.zeros((Q, ET), _f32)
        for d in range(DS):
            o = o + sigC_ref[d:d + 1, :] * t[d * Q:(d + 1) * Q, :]
        outs_ref[c * Q:(c + 1) * Q, :] = o.astype(_bf16)

    part = jnp.dot(outs_ref[...], wo_ref[...], preferred_element_type=_f32)

    @pl.when(e == 0)
    def _():
        out_ref[0] = part + bo_ref[...]

    @pl.when(e > 0)
    def _():
        out_ref[0] += part


def _k4(xs, cwT, sigC_T, td, w2bd, tchunk, W_outT, b_out):
    return pl.pallas_call(
        _k4_body,
        grid=(B_SZ, NET),
        in_specs=[
            pl.BlockSpec((1, KP, ET), lambda b, e: (b, 0, e)),
            pl.BlockSpec((DC, ET), lambda b, e: (0, e)),
            pl.BlockSpec((DS, ET), lambda b, e: (0, e)),
            pl.BlockSpec((DS * Q, Q + DS), lambda b, e: (0, 0)),
            pl.BlockSpec((NC * DS, KP), lambda b, e: (0, 0)),
            pl.BlockSpec((NC * DS, NC * DS), lambda b, e: (0, 0)),
            pl.BlockSpec((ET, DIM), lambda b, e: (e, 0)),
            pl.BlockSpec((1, DIM), lambda b, e: (0, 0)),
        ],
        out_specs=pl.BlockSpec((1, KP, DIM), lambda b, e: (b, 0, 0)),
        out_shape=jax.ShapeDtypeStruct((B_SZ, KP, DIM), _f32),
        scratch_shapes=[pltpu.VMEM((KP, ET), _bf16), pltpu.VMEM((KP, ET), _bf16)],
    )(xs, cwT, sigC_T, td, w2bd, tchunk, W_outT, b_out)


LT6 = 2048


def _k6_body(rank_ref, xp_ref, x_ref, out_ref):
    r = rank_ref[0]
    t = jax.lax.broadcasted_iota(jnp.int32, (LT6, KP), 1)
    oh = ((r == t) & (r < K)).astype(_bf16)
    xp = xp_ref[0].astype(_bf16)
    out_ref[0] = jnp.dot(oh, xp, preferred_element_type=_f32) + x_ref[0]


def _k6(rank_col, xp_rows, x):
    return pl.pallas_call(
        _k6_body,
        grid=(B_SZ, L // LT6),
        in_specs=[
            pl.BlockSpec((1, LT6, 1), lambda b, l: (b, l, 0)),
            pl.BlockSpec((1, KP, DIM), lambda b, l: (b, 0, 0)),
            pl.BlockSpec((1, LT6, DIM), lambda b, l: (b, l, 0)),
        ],
        out_specs=pl.BlockSpec((1, LT6, DIM), lambda b, l: (b, l, 0)),
        out_shape=jax.ShapeDtypeStruct((B_SZ, L, DIM), _f32),
    )(rank_col, xp_rows, x)


def kernel(x, norm_weight, W_in, b_in, W_out, b_out, A, Bp, Cp, conv_w):
    W_inT = W_in.T.astype(_bf16)
    W_outT = W_out.T.astype(_bf16)
    nw = norm_weight.reshape(1, DIM)
    b_in2 = b_in.reshape(1, E)
    b_out2 = b_out.reshape(1, DIM)
    sigB = jax.nn.sigmoid(Bp).reshape(DS)
    sigC_T = jax.nn.sigmoid(Cp).T
    cwT = conv_w[:, 0, ::-1].T

    at = A.T
    pows = [jnp.eye(DS, dtype=_f32)]
    for _ in range(Q):
        pows.append(jnp.dot(pows[-1], at, precision=jax.lax.Precision.HIGHEST).astype(_f32))
    vrows = jnp.stack([jnp.dot(sigB, pows[m]) for m in range(Q)])
    tau = jnp.arange(Q)[:, None]
    s = jnp.arange(Q)[None, :]
    lag = tau - s
    vpad = jnp.concatenate([vrows, jnp.zeros((Q, DS), _f32)], axis=0)
    tm = vpad[jnp.where(lag >= 0, lag, Q)]
    tmat = jnp.transpose(tm, (2, 0, 1)).reshape(DS * Q, Q).astype(_bf16)
    pstack = jnp.stack([pows[t + 1] for t in range(Q)])
    dstk = jnp.transpose(pstack, (2, 0, 1)).reshape(DS * Q, DS)
    td = jnp.concatenate([tmat.astype(_f32), dstk], axis=1).astype(_bf16)
    w2 = vrows[::-1].T
    w2bd = jnp.kron(jnp.eye(NC, dtype=_f32), w2).astype(_bf16)
    pmat = pows[Q].T
    pm_pows = [jnp.eye(DS, dtype=_f32)]
    for _ in range(NC - 1):
        pm_pows.append(jnp.dot(pmat, pm_pows[-1],
                               precision=jax.lax.Precision.HIGHEST).astype(_f32))
    z16 = jnp.zeros((DS, DS), _f32)
    tchunk = jnp.block([[pm_pows[c - 1 - cp] if cp < c else z16
                         for cp in range(NC)] for c in range(NC)]).astype(_bf16)

    norm_x = jnp.linalg.norm(x, axis=-1, keepdims=True)
    rms_x = norm_x * (DIM ** -0.5)
    x_norm_sel = norm_weight * (x / (rms_x + 1e-6))
    x_proj_sel = x_norm_sel @ W_in.T + b_in
    center = x_proj_sel[:, L // 2:L // 2 + 1, :]
    xn = x_proj_sel / jnp.maximum(jnp.linalg.norm(x_proj_sel, axis=-1, keepdims=True), 1e-12)
    cn = center / jnp.maximum(jnp.linalg.norm(center, axis=-1, keepdims=True), 1e-12)
    sim = jnp.squeeze(jnp.matmul(xn, jnp.swapaxes(cn, -1, -2)), -1)
    p = jax.nn.softmax(sim, axis=-1)

    x_proj = _k1(x, nw, W_inT, b_in2)
    rank_row = _k2b(p.reshape(B_SZ, L, 1), p.reshape(B_SZ, 1, L))
    rank_col = rank_row.reshape(B_SZ, L, 1)
    gidx = _k2c(rank_row).reshape(B_SZ * KP)
    xs = _sc_gather(x_proj.reshape(B_SZ * L, E), gidx).reshape(B_SZ, KP, E)
    xp_rows = _k4(xs, cwT, sigC_T, td, w2bd, tchunk, W_outT, b_out2)
    return _k6(rank_col, xp_rows, x)

# --- scband reference (transcript-rebuilt; emitter-appended) ---
"""Pipeline reference for scband-sparse-deformable-mamba-block-39633958208119 (READ-ONLY COPY).

The authoritative reference and input builder live on the scoring server;
editing this copy changes nothing except your own understanding.
"""

import jax, jax.numpy as jnp
import numpy as np

DIM = 768
D_STATE = 16
D_CONV = 4
EXPAND = 2
EXP_DIM = DIM * EXPAND
SPARSITY = 0.3
B_SZ = 4
L = 2048


def setup_inputs(seed: int = 0) -> dict:
    key = jax.random.key(seed)
    ks = jax.random.split(key, 10)
    x = jax.random.normal(ks[0], (B_SZ, L, DIM), dtype=jnp.float32)
    norm_weight = jnp.ones((DIM,), dtype=jnp.float32)
    W_in = jax.random.normal(ks[1], (EXP_DIM, DIM), dtype=jnp.float32) * (1.0 / np.sqrt(DIM))
    b_in = jax.random.normal(ks[2], (EXP_DIM,), dtype=jnp.float32) * 0.01
    W_out = jax.random.normal(ks[3], (DIM, EXP_DIM), dtype=jnp.float32) * (1.0 / np.sqrt(EXP_DIM))
    b_out = jax.random.normal(ks[4], (DIM,), dtype=jnp.float32) * 0.01
    A = jax.random.normal(ks[5], (D_STATE, D_STATE), dtype=jnp.float32) * 0.05
    Bp = jax.random.normal(ks[6], (1, 1, D_STATE), dtype=jnp.float32) * 0.05
    Cp = jax.random.normal(ks[7], (EXP_DIM, D_STATE), dtype=jnp.float32) * 0.05
    conv_w = jax.random.normal(ks[8], (EXP_DIM, 1, D_CONV), dtype=jnp.float32) * 0.1
    return {"x": x, "norm_weight": norm_weight, "W_in": W_in, "b_in": b_in,
            "W_out": W_out, "b_out": b_out, "A": A, "Bp": Bp, "Cp": Cp, "conv_w": conv_w}


def _forward(x, norm_weight, W_in, b_in, W_out, b_out, A, Bp, Cp, conv_w):
    B, Lx, C = x.shape
    residual = x
    # RMSNorm
    norm_x = jnp.linalg.norm(x, axis=-1, keepdims=True)
    rms_x = norm_x * (C ** -0.5)
    x_norm = norm_weight * (x / (rms_x + 1e-6))
    # proj_in
    x_proj = x_norm @ W_in.T + b_in  # [B, L, E]
    center_idx = Lx // 2
    center = x_proj[:, center_idx:center_idx + 1, :]
    xn = x_proj / jnp.maximum(jnp.linalg.norm(x_proj, axis=-1, keepdims=True), 1e-12)
    cn = center / jnp.maximum(jnp.linalg.norm(center, axis=-1, keepdims=True), 1e-12)
    sim = jnp.squeeze(jnp.matmul(xn, jnp.swapaxes(cn, -1, -2)), -1)  # [B, L]
    sim = jax.nn.softmax(sim, axis=-1)
    k = max(1, int(Lx * SPARSITY))
    _, topk_idx = jax.lax.top_k(sim, k)  # [B, k]
    b_idx = jnp.arange(B)[:, None]
    x_sparse = x_proj[b_idx, topk_idx]  # [B, k, E]
    # depthwise causal-style conv (torch conv1d pad=d_conv-1 then slice [:k])
    xc = jnp.swapaxes(x_sparse, 1, 2)  # [B, E, k]
    p = D_CONV - 1
    xp = jnp.pad(xc, ((0, 0), (0, 0), (p, 0)))
    xconv = jnp.zeros_like(xc)
    for j in range(D_CONV):
        xconv = xconv + conv_w[:, 0, j][None, :, None] * xp[:, :, j:j + k]
    xconv = jnp.swapaxes(xconv, 1, 2)  # [B, k, E]
    # selective-scan style recurrence
    sigB = jax.nn.sigmoid(Bp).reshape(D_STATE)  # [d_state]
    sigC = jax.nn.sigmoid(Cp)  # [E, d_state]
    h0 = jnp.zeros((B, EXP_DIM, D_STATE), dtype=x.dtype)

    def step(h, x_t):  # x_t: [B, E]
        Bx = sigB[None, None, :] * x_t[:, :, None]  # [B, E, d_state]
        h = (jnp.matmul(h, A.T) + Bx).astype(h.dtype)
        out_t = (h * sigC[None]).sum(-1)  # [B, E]
        return h, out_t

    _, outs = jax.lax.scan(step, h0, jnp.swapaxes(xconv, 0, 1))  # [k, B, E]
    x_processed = jnp.swapaxes(outs, 0, 1)  # [B, k, E]
    x_processed = x_processed @ W_out.T + b_out  # [B, k, C]
    output = jnp.zeros((B, Lx, C), dtype=x.dtype).at[b_idx, topk_idx].set(x_processed)
    return output + residual


def reference(x, norm_weight, W_in, b_in, W_out, b_out, A, Bp, Cp, conv_w):
    return _forward(x, norm_weight, W_in, b_in, W_out, b_out, A, Bp, Cp, conv_w)

if __name__ == "__main__":
    import jax
    _d = setup_inputs()
    print(jax.jit(kernel)(*tuple(_d.values())))

</pallas_src>

<mosaic_0001>
#map = affine_map<(d0, d1) -> (0, 0)>
#map1 = affine_map<(d0, d1) -> (0)>
module attributes {stable_mosaic.version = 14 : i64} {
  func.func @_sc_gather_body(%arg0: i32, %arg1: i32, %arg2: memref<8192x1536xf32, #tpu.memory_space<hbm>>, %arg3: memref<2560xi32, #tpu.memory_space<hbm>>, %arg4: memref<2560x1536xf32, #tpu.memory_space<hbm>>, %arg5: memref<80xi32, #tpu.memory_space<vmem>>, %arg6: memref<80x1536xf32, #tpu.memory_space<vmem>>, %arg7: memref<!tpu.dma_semaphore, #tpu.memory_space<semaphore_mem>>) attributes {dimension_semantics = [#tpu.dimension_semantics<core_parallel>, #tpu.dimension_semantics<subcore_parallel>], iteration_bounds = array<i64: 2, 16>, scalar_prefetch = 0 : i64, scratch_operands = 3 : i64, tpu.core_type = #tpu.core_type<sc_vector_subcore>, window_params = [{transform_indices = #map}, {transform_indices = #map1}, {transform_indices = #map}]} {
    %mul3A = arith.constant 2 : i32
    %mul3A_0 = arith.muli %arg1, %mul3A : i32
    %add3A = arith.addi %mul3A_0, %arg0 : i32
    %mul3A_1 = arith.constant 80 : i32
    %mul3A_2 = arith.muli %add3A, %mul3A_1 : i32
    "tpu.region"() ({
      %run_scoped3A = tpu.sem_alloc : memref<!tpu.dma_semaphore, #tpu.memory_space<semaphore_mem>>
      %dma_start3A_7 = tpu.memref_slice %arg3[%mul3A_2] : memref<2560xi32, #tpu.memory_space<hbm>> -> memref<80xi32, #tpu.memory_space<hbm>>
      %dma_start3A_8 = tpu.memref_slice %arg3[%mul3A_2] : memref<2560xi32, #tpu.memory_space<hbm>> -> memref<80xi32, #tpu.memory_space<hbm>>
      tpu.enqueue_dma source(%dma_start3A_8 : memref<80xi32, #tpu.memory_space<hbm>>) target(%arg5 : memref<80xi32, #tpu.memory_space<vmem>>) target_semaphore(%run_scoped3A : memref<!tpu.dma_semaphore, #tpu.memory_space<semaphore_mem>>)
      %dma_wait3A_9 = tpu.memref_slice %arg3[%mul3A_2] : memref<2560xi32, #tpu.memory_space<hbm>> -> memref<80xi32, #tpu.memory_space<hbm>>
      %dma_wait3A_10 = tpu.memref_slice %arg3[%mul3A_2] : memref<2560xi32, #tpu.memory_space<hbm>> -> memref<80xi32, #tpu.memory_space<hbm>>
      tpu.wait_dma2 semaphore(%run_scoped3A : memref<!tpu.dma_semaphore, #tpu.memory_space<semaphore_mem>>) src(%dma_wait3A_10 : memref<80xi32, #tpu.memory_space<hbm>>) dst(%arg5 : memref<80xi32, #tpu.memory_space<vmem>>)
      tpu.yield
    }) : () -> ()
    %dma_start3A = arith.constant 0 : i32
    %dma_start3A_3 = arith.constant 0 : i32
    %dma_start3A_4 = tpu.memref_slice %arg2[%dma_start3A, %dma_start3A_3] : memref<8192x1536xf32, #tpu.memory_space<hbm>> -> memref<8192x1536xf32, #tpu.memory_space<hbm>>
    tpu.enqueue_indirect_dma source(%dma_start3A_4 : memref<8192x1536xf32, #tpu.memory_space<hbm>>) target(%arg6 : memref<80x1536xf32, #tpu.memory_space<vmem>>) offsets(%arg5 : memref<80xi32, #tpu.memory_space<vmem>>) semaphore(%arg7 : memref<!tpu.dma_semaphore, #tpu.memory_space<semaphore_mem>>)
    %dma_wait3A = arith.constant 0 : i32
    %dma_wait3A_5 = arith.constant 0 : i32
    %dma_wait3A_6 = tpu.memref_slice %arg2[%dma_wait3A, %dma_wait3A_5] : memref<8192x1536xf32, #tpu.memory_space<hbm>> -> memref<8192x1536xf32, #tpu.memory_space<hbm>>
    tpu.wait_indirect_dma semaphore(%arg7 : memref<!tpu.dma_semaphore, #tpu.memory_space<semaphore_mem>>) src(%dma_wait3A_6 : memref<8192x1536xf32, #tpu.memory_space<hbm>>) dst(%arg6 : memref<80x1536xf32, #tpu.memory_space<vmem>>)
    "tpu.region"() ({
      %run_scoped3A = tpu.sem_alloc : memref<!tpu.dma_semaphore, #tpu.memory_space<semaphore_mem>>
      %dma_start3A_7 = arith.constant 0 : i32
      %dma_start3A_8 = tpu.memref_slice %arg4[%mul3A_2, %dma_start3A_7] : memref<2560x1536xf32, #tpu.memory_space<hbm>> -> memref<80x1536xf32, #tpu.memory_space<hbm>>
      %dma_start3A_9 = arith.constant 0 : i32
      %dma_start3A_10 = tpu.memref_slice %arg4[%mul3A_2, %dma_start3A_9] : memref<2560x1536xf32, #tpu.memory_space<hbm>> -> memref<80x1536xf32, #tpu.memory_space<hbm>>
      tpu.enqueue_dma source(%arg6 : memref<80x1536xf32, #tpu.memory_space<vmem>>) target(%dma_start3A_10 : memref<80x1536xf32, #tpu.memory_space<hbm>>) target_semaphore(%run_scoped3A : memref<!tpu.dma_semaphore, #tpu.memory_space<semaphore_mem>>)
      %dma_wait3A_11 = arith.constant 0 : i32
      %dma_wait3A_12 = tpu.memref_slice %arg4[%mul3A_2, %dma_wait3A_11] : memref<2560x1536xf32, #tpu.memory_space<hbm>> -> memref<80x1536xf32, #tpu.memory_space<hbm>>
      %dma_wait3A_13 = arith.constant 0 : i32
      %dma_wait3A_14 = tpu.memref_slice %arg4[%mul3A_2, %dma_wait3A_13] : memref<2560x1536xf32, #tpu.memory_space<hbm>> -> memref<80x1536xf32, #tpu.memory_space<hbm>>
      tpu.wait_dma2 semaphore(%run_scoped3A : memref<!tpu.dma_semaphore, #tpu.memory_space<semaphore_mem>>) src(%arg6 : memref<80x1536xf32, #tpu.memory_space<vmem>>) dst(%dma_wait3A_14 : memref<80x1536xf32, #tpu.memory_space<hbm>>)
      tpu.yield
    }) : () -> ()
    return
  }
}

module attributes {stable_mosaic.version = 14 : i64} {
  func.func @_k2b_body(%arg0: i32, %arg1: i32, %arg2: memref<1x2048x1xf32, #tpu.memory_space<vmem>>, %arg3: memref<1x1x512xf32, #tpu.memory_space<vmem>>, %arg4: memref<1x1x512xi32, #tpu.memory_space<vmem>>) attributes {dimension_semantics = [#tpu.dimension_semantics<arbitrary>, #tpu.dimension_semantics<arbitrary>], iteration_bounds = array<i64: 4, 4>, scalar_prefetch = 0 : i64, scratch_operands = 0 : i64, tpu.core_type = #tpu.core_type<tc>, window_params = [{transform_indices = @transform_0, window_bounds = array<i64: 1, 2048, 1>}, {transform_indices = @transform_1, window_bounds = array<i64: 1, 1, 512>}, {transform_indices = @transform_2, window_bounds = array<i64: 1, 1, 512>}]} {
    %get3A = arith.constant 0 : index
    %get3A_0 = arith.constant 0 : index
    %get3A_1 = arith.constant 0 : index
    %get3A_2 = vector.load %arg2[%get3A, %get3A_0, %get3A_1] : memref<1x2048x1xf32, #tpu.memory_space<vmem>>, vector<1x2048x1xf32>
    %get3A_3 = vector.shape_cast %get3A_2 : vector<1x2048x1xf32> to vector<2048x1xf32>
    %get3A_4 = arith.constant 0 : index
    %get3A_5 = arith.constant 0 : index
    %get3A_6 = arith.constant 0 : index
    %get3A_7 = vector.load %arg3[%get3A_4, %get3A_5, %get3A_6] : memref<1x1x512xf32, #tpu.memory_space<vmem>>, vector<1x1x512xf32>
    %get3A_8 = vector.shape_cast %get3A_7 : vector<1x1x512xf32> to vector<1x512xf32>
    %gt3A = vector.broadcast %get3A_3 : vector<2048x1xf32> to vector<2048x512xf32>
    %gt3A_9 = vector.broadcast %get3A_8 : vector<1x512xf32> to vector<2048x512xf32>
    %gt3A_10 = arith.cmpf ogt, %gt3A, %gt3A_9 : vector<2048x512xf32>
    %convert_element_type3A = arith.extui %gt3A_10 : vector<2048x512xi1> to vector<2048x512xi32>
    %iota3A = tpu.iota {dimensions = array<i32: 0>} : vector<2048x512xi32>
    %mul3A = arith.constant 512 : i32
    %mul3A_11 = arith.muli %arg1, %mul3A : i32
    %iota3A_12 = tpu.iota {dimensions = array<i32: 1>} : vector<2048x512xi32>
    %add3A = vector.broadcast %mul3A_11 : i32 to vector<2048x512xi32>
    %add3A_13 = arith.addi %add3A, %iota3A_12 : vector<2048x512xi32>
    %eq3A = vector.broadcast %get3A_3 : vector<2048x1xf32> to vector<2048x512xf32>
    %eq3A_14 = vector.broadcast %get3A_8 : vector<1x512xf32> to vector<2048x512xf32>
    %eq3A_15 = arith.cmpf oeq, %eq3A, %eq3A_14 : vector<2048x512xf32>
    %lt3A = arith.cmpi slt, %iota3A, %add3A_13 : vector<2048x512xi32>
    %and3A = arith.andi %eq3A_15, %lt3A : vector<2048x512xi1>
    %convert_element_type3A_16 = arith.extui %and3A : vector<2048x512xi1> to vector<2048x512xi32>
    %add3A_17 = arith.addi %convert_element_type3A, %convert_element_type3A_16 : vector<2048x512xi32>
    %reduce_sum3A = arith.constant dense<0> : vector<512xi32>
    %reduce_sum3A_18 = vector.multi_reduction <add>, %add3A_17, %reduce_sum3A [0] : vector<2048x512xi32> to vector<512xi32>
    %broadcast_in_dim3A = vector.shape_cast %reduce_sum3A_18 : vector<512xi32> to vector<1x512xi32>
    %swap3A = arith.constant 0 : index
    %swap3A_19 = arith.constant 0 : index
    %swap3A_20 = arith.constant 0 : index
    %swap3A_21 = vector.load %arg4[%swap3A, %swap3A_19, %swap3A_20] : memref<1x1x512xi32, #tpu.memory_space<vmem>>, vector<1x1x512xi32>
    %swap3A_22 = vector.shape_cast %swap3A_21 : vector<1x1x512xi32> to vector<1x512xi32>
    %swap3A_23 = vector.shape_cast %broadcast_in_dim3A : vector<1x512xi32> to vector<1x1x512xi32>
    tpu.vector_store %arg4[%swap3A, %swap3A_19, %swap3A_20], %swap3A_23 {strides = array<i32>} : memref<1x1x512xi32, #tpu.memory_space<vmem>>, vector<1x1x512xi32>,
    return
  }
  func.func @transform_0(%arg0: i32, %arg1: i32) -> (i32, i32, i32) {
    %c0_i32 = arith.constant 0 : i32
    %c0_i32_0 = arith.constant 0 : i32
    %c0_i32_1 = arith.constant 0 : i32
    return %arg0, %c0_i32, %c0_i32_0 : i32, i32, i32
  }
  func.func @transform_1(%arg0: i32, %arg1: i32) -> (i32, i32, i32) {
    %c0_i32 = arith.constant 0 : i32
    %c0_i32_0 = arith.constant 0 : i32
    return %arg0, %c0_i32, %arg1 : i32, i32, i32
  }
  func.func @transform_2(%arg0: i32, %arg1: i32) -> (i32, i32, i32) {
    %c0_i32 = arith.constant 0 : i32
    %c0_i32_0 = arith.constant 0 : i32
    return %arg0, %c0_i32, %arg1 : i32, i32, i32
  }
}

module attributes {stable_mosaic.version = 14 : i64} {
  func.func @_k2c_body(%arg0: i32, %arg1: memref<1x1x2048xi32, #tpu.memory_space<vmem>>, %arg2: memref<1x640x1xi32, #tpu.memory_space<vmem>>) attributes {dimension_semantics = [#tpu.dimension_semantics<arbitrary>], iteration_bounds = array<i64: 4>, scalar_prefetch = 0 : i64, scratch_operands = 0 : i64, tpu.core_type = #tpu.core_type<tc>, window_params = [{transform_indices = @transform_0, window_bounds = array<i64: 1, 1, 2048>}, {transform_indices = @transform_1, window_bounds = array<i64: 1, 640, 1>}]} {
    %get3A = arith.constant 0 : index
    %get3A_0 = arith.constant 0 : index
    %get3A_1 = arith.constant 0 : index
    %get3A_2 = vector.load %arg1[%get3A, %get3A_0, %get3A_1] : memref<1x1x2048xi32, #tpu.memory_space<vmem>>, vector<1x1x2048xi32>
    %get3A_3 = vector.shape_cast %get3A_2 : vector<1x1x2048xi32> to vector<1x2048xi32>
    %iota3A = tpu.iota {dimensions = array<i32: 0>} : vector<640x2048xi32>
    %iota3A_4 = tpu.iota {dimensions = array<i32: 1>} : vector<640x2048xi32>
    %eq3A = vector.broadcast %get3A_3 : vector<1x2048xi32> to vector<640x2048xi32>
    %eq3A_5 = arith.cmpi eq, %iota3A, %eq3A : vector<640x2048xi32>
    %convert_element_type3A = arith.extui %eq3A_5 : vector<640x2048xi1> to vector<640x2048xi32>
    %mul3A = arith.constant 2048 : i32
    %mul3A_6 = arith.muli %arg0, %mul3A : i32
    %add3A = vector.broadcast %mul3A_6 : i32 to vector<640x2048xi32>
    %add3A_7 = arith.addi %iota3A_4, %add3A : vector<640x2048xi32>
    %mul3A_8 = arith.muli %convert_element_type3A, %add3A_7 : vector<640x2048xi32>
    %reduce_sum3A = arith.constant dense<0> : vector<640xi32>
    %reduce_sum3A_9 = vector.multi_reduction <add>, %mul3A_8, %reduce_sum3A [1] : vector<640x2048xi32> to vector<640xi32>
    %broadcast_in_dim3A = vector.shape_cast %reduce_sum3A_9 : vector<640xi32> to vector<640x1xi32>
    %swap3A = arith.constant 0 : index
    %swap3A_10 = arith.constant 0 : index
    %swap3A_11 = arith.constant 0 : index
    %swap3A_12 = vector.load %arg2[%swap3A, %swap3A_10, %swap3A_11] : memref<1x640x1xi32, #tpu.memory_space<vmem>>, vector<1x640x1xi32>
    %swap3A_13 = vector.shape_cast %swap3A_12 : vector<1x640x1xi32> to vector<640x1xi32>
    %swap3A_14 = vector.shape_cast %broadcast_in_dim3A : vector<640x1xi32> to vector<1x640x1xi32>
    tpu.vector_store %arg2[%swap3A, %swap3A_10, %swap3A_11], %swap3A_14 {strides = array<i32>} : memref<1x640x1xi32, #tpu.memory_space<vmem>>, vector<1x640x1xi32>,
    return
  }
  func.func @transform_0(%arg0: i32) -> (i32, i32, i32) {
    %c0_i32 = arith.constant 0 : i32
    %c0_i32_0 = arith.constant 0 : i32
    %c0_i32_1 = arith.constant 0 : i32
    return %arg0, %c0_i32, %c0_i32_0 : i32, i32, i32
  }
  func.func @transform_1(%arg0: i32) -> (i32, i32, i32) {
    %c0_i32 = arith.constant 0 : i32
    %c0_i32_0 = arith.constant 0 : i32
    %c0_i32_1 = arith.constant 0 : i32
    return %arg0, %c0_i32, %c0_i32_0 : i32, i32, i32
  }
}

module attributes {stable_mosaic.version = 14 : i64} {
  func.func @_k1_body(%arg0: i32, %arg1: i32, %arg2: memref<1x256x768xf32, #tpu.memory_space<vmem>>, %arg3: memref<1x768xf32, #tpu.memory_space<vmem>>, %arg4: memref<768x1536xbf16, #tpu.memory_space<vmem>>, %arg5: memref<1x1536xf32, #tpu.memory_space<vmem>>, %arg6: memref<1x256x1536xf32, #tpu.memory_space<vmem>>) attributes {dimension_semantics = [#tpu.dimension_semantics<arbitrary>, #tpu.dimension_semantics<arbitrary>], iteration_bounds = array<i64: 4, 8>, scalar_prefetch = 0 : i64, scratch_operands = 0 : i64, tpu.core_type = #tpu.core_type<tc>, window_params = [{transform_indices = @transform_0, window_bounds = array<i64: 1, 256, 768>}, {pipeline_mode = #tpu.pipeline_mode<synchronous>, transform_indices = @transform_1, window_bounds = array<i64: 1, 768>}, {pipeline_mode = #tpu.pipeline_mode<synchronous>, transform_indices = @transform_2, window_bounds = array<i64: 768, 1536>}, {pipeline_mode = #tpu.pipeline_mode<synchronous>, transform_indices = @transform_3, window_bounds = array<i64: 1, 1536>}, {transform_indices = @transform_4, window_bounds = array<i64: 1, 256, 1536>}]} {
    %get3A = arith.constant 0 : index
    %get3A_0 = arith.constant 0 : index
    %get3A_1 = arith.constant 0 : index
    %get3A_2 = vector.load %arg2[%get3A, %get3A_0, %get3A_1] : memref<1x256x768xf32, #tpu.memory_space<vmem>>, vector<1x256x768xf32>
    %get3A_3 = vector.shape_cast %get3A_2 : vector<1x256x768xf32> to vector<256x768xf32>
    %mul3A = arith.mulf %get3A_3, %get3A_3 : vector<256x768xf32>
    %reduce_sum3A = arith.constant dense<0.000000e+00> : vector<256xf32>
    %reduce_sum3A_4 = vector.multi_reduction <add>, %mul3A, %reduce_sum3A [1] : vector<256x768xf32> to vector<256xf32>
    %broadcast_in_dim3A = vector.shape_cast %reduce_sum3A_4 : vector<256xf32> to vector<256x1xf32>
    %sqrt3A = math.sqrt %broadcast_in_dim3A : vector<256x1xf32>
    %mul3A_5 = arith.constant 0.0360843912 : f32
    %mul3A_6 = vector.broadcast %mul3A_5 : f32 to vector<256x1xf32>
    %mul3A_7 = arith.mulf %sqrt3A, %mul3A_6 : vector<256x1xf32>
    %get3A_8 = arith.constant 0 : index
    %get3A_9 = arith.constant 0 : index
    %get3A_10 = vector.load %arg3[%get3A_8, %get3A_9] : memref<1x768xf32, #tpu.memory_space<vmem>>, vector<1x768xf32>
    %add3A = arith.constant 9.99999997E-7 : f32
    %add3A_11 = vector.broadcast %add3A : f32 to vector<256x1xf32>
    %add3A_12 = arith.addf %mul3A_7, %add3A_11 : vector<256x1xf32>
    %div3A = vector.broadcast %add3A_12 : vector<256x1xf32> to vector<256x768xf32>
    %div3A_13 = arith.divf %get3A_3, %div3A : vector<256x768xf32>
    %mul3A_14 = vector.broadcast %get3A_10 : vector<1x768xf32> to vector<256x768xf32>
    %mul3A_15 = arith.mulf %mul3A_14, %div3A_13 : vector<256x768xf32>
    %convert_element_type3A = arith.truncf %mul3A_15 : vector<256x768xf32> to vector<256x768xbf16>
    %get3A_16 = arith.constant 0 : index
    %get3A_17 = arith.constant 0 : index
    %get3A_18 = vector.load %arg4[%get3A_16, %get3A_17] : memref<768x1536xbf16, #tpu.memory_space<vmem>>, vector<768x1536xbf16>
    %dot_general3A = arith.constant dense<0.000000e+00> : vector<256x1536xf32>
    %dot_general3A_19 = tpu.matmul %convert_element_type3A, %get3A_18, %dot_general3A {dimension_numbers = #tpu.dot_dimension_numbers<[1], [0], [0], [1], [0, 0, 1, 1], [], []>, transpose_lhs_hint = false} : vector<256x768xbf16>, vector<768x1536xbf16>, vector<256x1536xf32> -> vector<256x1536xf32>
    %get3A_20 = arith.constant 0 : index
    %get3A_21 = arith.constant 0 : index
    %get3A_22 = vector.load %arg5[%get3A_20, %get3A_21] : memref<1x1536xf32, #tpu.memory_space<vmem>>, vector<1x1536xf32>
    %add3A_23 = vector.broadcast %get3A_22 : vector<1x1536xf32> to vector<256x1536xf32>
    %add3A_24 = arith.addf %dot_general3A_19, %add3A_23 : vector<256x1536xf32>
    %swap3A = arith.constant 0 : index
    %swap3A_25 = arith.constant 0 : index
    %swap3A_26 = arith.constant 0 : index
    %swap3A_27 = vector.load %arg6[%swap3A, %swap3A_25, %swap3A_26] : memref<1x256x1536xf32, #tpu.memory_space<vmem>>, vector<1x256x1536xf32>
    %swap3A_28 = vector.shape_cast %swap3A_27 : vector<1x256x1536xf32> to vector<256x1536xf32>
    %swap3A_29 = vector.shape_cast %add3A_24 : vector<256x1536xf32> to vector<1x256x1536xf32>
    tpu.vector_store %arg6[%swap3A, %swap3A_25, %swap3A_26], %swap3A_29 {strides = array<i32>} : memref<1x256x1536xf32, #tpu.memory_space<vmem>>, vector<1x256x1536xf32>,
    return
  }
  func.func @transform_0(%arg0: i32, %arg1: i32) -> (i32, i32, i32) {
    %c0_i32 = arith.constant 0 : i32
    %c0_i32_0 = arith.constant 0 : i32
    return %arg0, %arg1, %c0_i32 : i32, i32, i32
  }
  func.func @transform_1(%arg0: i32, %arg1: i32) -> (i32, i32) {
    %c0_i32 = arith.constant 0 : i32
    %c0_i32_0 = arith.constant 0 : i32
    %c0_i32_1 = arith.constant 0 : i32
    return %c0_i32, %c0_i32_0 : i32, i32
  }
  func.func @transform_2(%arg0: i32, %arg1: i32) -> (i32, i32) {
    %c0_i32 = arith.constant 0 : i32
    %c0_i32_0 = arith.constant 0 : i32
    %c0_i32_1 = arith.constant 0 : i32
    return %c0_i32, %c0_i32_0 : i32, i32
  }
  func.func @transform_3(%arg0: i32, %arg1: i32) -> (i32, i32) {
    %c0_i32 = arith.constant 0 : i32
    %c0_i32_0 = arith.constant 0 : i32
    %c0_i32_1 = arith.constant 0 : i32
    return %c0_i32, %c0_i32_0 : i32, i32
  }
  func.func @transform_4(%arg0: i32, %arg1: i32) -> (i32, i32, i32) {
    %c0_i32 = arith.constant 0 : i32
    %c0_i32_0 = arith.constant 0 : i32
    return %arg0, %arg1, %c0_i32 : i32, i32, i32
  }
}

module attributes {stable_mosaic.version = 14 : i64} {
  func.func @_k6_body(%arg0: i32, %arg1: i32, %arg2: memref<1x2048x1xi32, #tpu.memory_space<vmem>>, %arg3: memref<1x640x768xf32, #tpu.memory_space<vmem>>, %arg4: memref<1x2048x768xf32, #tpu.memory_space<vmem>>, %arg5: memref<1x2048x768xf32, #tpu.memory_space<vmem>>) attributes {dimension_semantics = [#tpu.dimension_semantics<arbitrary>, #tpu.dimension_semantics<arbitrary>], iteration_bounds = array<i64: 4, 1>, scalar_prefetch = 0 : i64, scratch_operands = 0 : i64, tpu.core_type = #tpu.core_type<tc>, window_params = [{transform_indices = @transform_0, window_bounds = array<i64: 1, 2048, 1>}, {transform_indices = @transform_1, window_bounds = array<i64: 1, 640, 768>}, {transform_indices = @transform_2, window_bounds = array<i64: 1, 2048, 768>}, {transform_indices = @transform_3, window_bounds = array<i64: 1, 2048, 768>}]} {
    %get3A = arith.constant 0 : index
    %get3A_0 = arith.constant 0 : index
    %get3A_1 = arith.constant 0 : index
    %get3A_2 = vector.load %arg2[%get3A, %get3A_0, %get3A_1] : memref<1x2048x1xi32, #tpu.memory_space<vmem>>, vector<1x2048x1xi32>
    %get3A_3 = vector.shape_cast %get3A_2 : vector<1x2048x1xi32> to vector<2048x1xi32>
    %iota3A = tpu.iota {dimensions = array<i32: 1>} : vector<2048x640xi32>
    %eq3A = vector.broadcast %get3A_3 : vector<2048x1xi32> to vector<2048x640xi32>
    %eq3A_4 = arith.cmpi eq, %eq3A, %iota3A : vector<2048x640xi32>
    %lt3A = arith.constant 614 : i32
    %lt3A_5 = vector.broadcast %lt3A : i32 to vector<2048x1xi32>
    %lt3A_6 = arith.cmpi slt, %get3A_3, %lt3A_5 : vector<2048x1xi32>
    %and3A = vector.broadcast %lt3A_6 : vector<2048x1xi1> to vector<2048x640xi1>
    %and3A_7 = arith.andi %eq3A_4, %and3A : vector<2048x640xi1>
    %convert_element_type3A = arith.extui %and3A_7 : vector<2048x640xi1> to vector<2048x640xi32>
    %convert_element_type3A_8 = arith.sitofp %convert_element_type3A : vector<2048x640xi32> to vector<2048x640xf32>
    %convert_element_type3A_9 = arith.truncf %convert_element_type3A_8 : vector<2048x640xf32> to vector<2048x640xbf16>
    %get3A_10 = arith.constant 0 : index
    %get3A_11 = arith.constant 0 : index
    %get3A_12 = arith.constant 0 : index
    %get3A_13 = vector.load %arg3[%get3A_10, %get3A_11, %get3A_12] : memref<1x640x768xf32, #tpu.memory_space<vmem>>, vector<1x640x768xf32>
    %get3A_14 = vector.shape_cast %get3A_13 : vector<1x640x768xf32> to vector<640x768xf32>
    %convert_element_type3A_15 = arith.truncf %get3A_14 : vector<640x768xf32> to vector<640x768xbf16>
    %dot_general3A = arith.constant dense<0.000000e+00> : vector<2048x768xf32>
    %dot_general3A_16 = tpu.matmul %convert_element_type3A_9, %convert_element_type3A_15, %dot_general3A {dimension_numbers = #tpu.dot_dimension_numbers<[1], [0], [0], [1], [0, 0, 1, 1], [], []>, transpose_lhs_hint = false} : vector<2048x640xbf16>, vector<640x768xbf16>, vector<2048x768xf32> -> vector<2048x768xf32>
    %get3A_17 = arith.constant 0 : index
    %get3A_18 = arith.constant 0 : index
    %get3A_19 = arith.constant 0 : index
    %get3A_20 = vector.load %arg4[%get3A_17, %get3A_18, %get3A_19] : memref<1x2048x768xf32, #tpu.memory_space<vmem>>, vector<1x2048x768xf32>
    %get3A_21 = vector.shape_cast %get3A_20 : vector<1x2048x768xf32> to vector<2048x768xf32>
    %add3A = arith.addf %dot_general3A_16, %get3A_21 : vector<2048x768xf32>
    %swap3A = arith.constant 0 : index
    %swap3A_22 = arith.constant 0 : index
    %swap3A_23 = arith.constant 0 : index
    %swap3A_24 = vector.load %arg5[%swap3A, %swap3A_22, %swap3A_23] : memref<1x2048x768xf32, #tpu.memory_space<vmem>>, vector<1x2048x768xf32>
    %swap3A_25 = vector.shape_cast %swap3A_24 : vector<1x2048x768xf32> to vector<2048x768xf32>
    %swap3A_26 = vector.shape_cast %add3A : vector<2048x768xf32> to vector<1x2048x768xf32>
    tpu.vector_store %arg5[%swap3A, %swap3A_22, %swap3A_23], %swap3A_26 {strides = array<i32>} : memref<1x2048x768xf32, #tpu.memory_space<vmem>>, vector<1x2048x768xf32>,
    return
  }
  func.func @transform_0(%arg0: i32, %arg1: i32) -> (i32, i32, i32) {
    %c0_i32 = arith.constant 0 : i32
    %c0_i32_0 = arith.constant 0 : i32
    return %arg0, %arg1, %c0_i32 : i32, i32, i32
  }
  func.func @transform_1(%arg0: i32, %arg1: i32) -> (i32, i32, i32) {
    %c0_i32 = arith.constant 0 : i32
    %c0_i32_0 = arith.constant 0 : i32
    %c0_i32_1 = arith.constant 0 : i32
    return %arg0, %c0_i32, %c0_i32_0 : i32, i32, i32
  }
  func.func @transform_2(%arg0: i32, %arg1: i32) -> (i32, i32, i32) {
    %c0_i32 = arith.constant 0 : i32
    %c0_i32_0 = arith.constant 0 : i32
    return %arg0, %arg1, %c0_i32 : i32, i32, i32
  }
  func.func @transform_3(%arg0: i32, %arg1: i32) -> (i32, i32, i32) {
    %c0_i32 = arith.constant 0 : i32
    %c0_i32_0 = arith.constant 0 : i32
    return %arg0, %arg1, %c0_i32 : i32, i32, i32
  }
}

module attributes {stable_mosaic.version = 14 : i64} {
  func.func @_k4_body(%arg0: i32, %arg1: i32, %arg2: memref<1x640x512xf32, #tpu.memory_space<vmem>>, %arg3: memref<4x512xf32, #tpu.memory_space<vmem>>, %arg4: memref<16x512xf32, #tpu.memory_space<vmem>>, %arg5: memref<512x48xbf16, #tpu.memory_space<vmem>>, %arg6: memref<320x640xbf16, #tpu.memory_space<vmem>>, %arg7: memref<320x320xbf16, #tpu.memory_space<vmem>>, %arg8: memref<512x768xbf16, #tpu.memory_space<vmem>>, %arg9: memref<1x768xf32, #tpu.memory_space<vmem>>, %arg10: memref<1x640x768xf32, #tpu.memory_space<vmem>>, %arg11: memref<640x512xbf16, #tpu.memory_space<vmem>>, %arg12: memref<640x512xbf16, #tpu.memory_space<vmem>>) attributes {dimension_semantics = [#tpu.dimension_semantics<arbitrary>, #tpu.dimension_semantics<arbitrary>], iteration_bounds = array<i64: 4, 3>, scalar_prefetch = 0 : i64, scratch_operands = 2 : i64, tpu.core_type = #tpu.core_type<tc>, window_params = [{transform_indices = @transform_0, window_bounds = array<i64: 1, 640, 512>}, {transform_indices = @transform_1, window_bounds = array<i64: 4, 512>}, {transform_indices = @transform_2, window_bounds = array<i64: 16, 512>}, {pipeline_mode = #tpu.pipeline_mode<synchronous>, transform_indices = @transform_3, window_bounds = array<i64: 512, 48>}, {pipeline_mode = #tpu.pipeline_mode<synchronous>, transform_indices = @transform_4, window_bounds = array<i64: 320, 640>}, {pipeline_mode = #tpu.pipeline_mode<synchronous>, transform_indices = @transform_5, window_bounds = array<i64: 320, 320>}, {transform_indices = @transform_6, window_bounds = array<i64: 512, 768>}, {pipeline_mode = #tpu.pipeline_mode<synchronous>, transform_indices = @transform_7, window_bounds = array<i64: 1, 768>}, {transform_indices = @transform_8, window_bounds = array<i64: 1, 640, 768>}]} {
    %get3A = arith.constant 0 : index
    %get3A_0 = arith.constant 0 : index
    %get3A_1 = arith.constant 0 : index
    %get3A_2 = vector.load %arg2[%get3A, %get3A_0, %get3A_1] : memref<1x640x512xf32, #tpu.memory_space<vmem>>, vector<1x640x512xf32>
    %get3A_3 = vector.shape_cast %get3A_2 : vector<1x640x512xf32> to vector<640x512xf32>
    %get3A_4 = arith.constant 0 : index
    %get3A_5 = arith.constant 0 : index
    %get3A_6 = vector.load %arg3[%get3A_4, %get3A_5] : memref<4x512xf32, #tpu.memory_space<vmem>>, vector<1x512xf32>
    %mul3A = vector.broadcast %get3A_6 : vector<1x512xf32> to vector<640x512xf32>
    %mul3A_7 = arith.mulf %mul3A, %get3A_3 : vector<640x512xf32>
    %broadcast_in_dim3A = arith.constant 0.000000e+00 : f32
    %broadcast_in_dim3A_8 = vector.broadcast %broadcast_in_dim3A : f32 to vector<1x512xf32>
    %slice3A = vector.extract_strided_slice %get3A_3 {offsets = [0, 0], sizes = [639, 512], strides = [1, 1]} : vector<640x512xf32> to vector<639x512xf32>
    %concatenate3A = tpu.concatenate %broadcast_in_dim3A_8, %slice3A in 0 : vector<1x512xf32>, vector<639x512xf32> -> vector<640x512xf32>
    %get3A_9 = arith.constant 1 : index
    %get3A_10 = arith.constant 0 : index
    %get3A_11 = vector.load %arg3[%get3A_9, %get3A_10] : memref<4x512xf32, #tpu.memory_space<vmem>>, vector<1x512xf32>
    %mul3A_12 = vector.broadcast %get3A_11 : vector<1x512xf32> to vector<640x512xf32>
    %mul3A_13 = arith.mulf %mul3A_12, %concatenate3A : vector<640x512xf32>
    %add3A = arith.addf %mul3A_7, %mul3A_13 : vector<640x512xf32>
    %broadcast_in_dim3A_14 = arith.constant 0.000000e+00 : f32
    %broadcast_in_dim3A_15 = vector.broadcast %broadcast_in_dim3A_14 : f32 to vector<2x512xf32>
    %slice3A_16 = vector.extract_strided_slice %get3A_3 {offsets = [0, 0], sizes = [638, 512], strides = [1, 1]} : vector<640x512xf32> to vector<638x512xf32>
    %concatenate3A_17 = tpu.concatenate %broadcast_in_dim3A_15, %slice3A_16 in 0 : vector<2x512xf32>, vector<638x512xf32> -> vector<640x512xf32>
    %get3A_18 = arith.constant 2 : index
    %get3A_19 = arith.constant 0 : index
    %get3A_20 = vector.load %arg3[%get3A_18, %get3A_19] : memref<4x512xf32, #tpu.memory_space<vmem>>, vector<1x512xf32>
    %mul3A_21 = vector.broadcast %get3A_20 : vector<1x512xf32> to vector<640x512xf32>
    %mul3A_22 = arith.mulf %mul3A_21, %concatenate3A_17 : vector<640x512xf32>
    %add3A_23 = arith.addf %add3A, %mul3A_22 : vector<640x512xf32>
    %broadcast_in_dim3A_24 = arith.constant 0.000000e+00 : f32
    %broadcast_in_dim3A_25 = vector.broadcast %broadcast_in_dim3A_24 : f32 to vector<3x512xf32>
    %slice3A_26 = vector.extract_strided_slice %get3A_3 {offsets = [0, 0], sizes = [637, 512], strides = [1, 1]} : vector<640x512xf32> to vector<637x512xf32>
    %concatenate3A_27 = tpu.concatenate %broadcast_in_dim3A_25, %slice3A_26 in 0 : vector<3x512xf32>, vector<637x512xf32> -> vector<640x512xf32>
    %get3A_28 = arith.constant 3 : index
    %get3A_29 = arith.constant 0 : index
    %get3A_30 = vector.load %arg3[%get3A_28, %get3A_29] : memref<4x512xf32, #tpu.memory_space<vmem>>, vector<1x512xf32>
    %mul3A_31 = vector.broadcast %get3A_30 : vector<1x512xf32> to vector<640x512xf32>
    %mul3A_32 = arith.mulf %mul3A_31, %concatenate3A_27 : vector<640x512xf32>
    %add3A_33 = arith.addf %add3A_23, %mul3A_32 : vector<640x512xf32>
    %convert_element_type3A = arith.truncf %add3A_33 : vector<640x512xf32> to vector<640x512xbf16>
    %swap3A = arith.constant 0 : index
    %swap3A_34 = arith.constant 0 : index
    %swap3A_35 = vector.load %arg11[%swap3A, %swap3A_34] : memref<640x512xbf16, #tpu.memory_space<vmem>>, vector<640x512xbf16>
    tpu.vector_store %arg11[%swap3A, %swap3A_34], %convert_element_type3A {strides = array<i32>} : memref<640x512xbf16, #tpu.memory_space<vmem>>, vector<640x512xbf16>,
    %get3A_36 = arith.constant 0 : index
    %get3A_37 = arith.constant 0 : index
    %get3A_38 = vector.load %arg11[%get3A_36, %get3A_37] : memref<640x512xbf16, #tpu.memory_space<vmem>>, vector<640x512xbf16>
    %get3A_39 = arith.constant 0 : index
    %get3A_40 = arith.constant 0 : index
    %get3A_41 = vector.load %arg6[%get3A_39, %get3A_40] : memref<320x640xbf16, #tpu.memory_space<vmem>>, vector<320x640xbf16>
    %dot_general3A = arith.constant dense<0.000000e+00> : vector<320x512xf32>
    %dot_general3A_42 = tpu.matmul %get3A_41, %get3A_38, %dot_general3A {dimension_numbers = #tpu.dot_dimension_numbers<[1], [0], [0], [1], [0, 0, 1, 1], [], []>, transpose_lhs_hint = false} : vector<320x640xbf16>, vector<640x512xbf16>, vector<320x512xf32> -> vector<320x512xf32>
    %get3A_43 = arith.constant 0 : index
    %get3A_44 = arith.constant 0 : index
    %get3A_45 = vector.load %arg7[%get3A_43, %get3A_44] : memref<320x320xbf16, #tpu.memory_space<vmem>>, vector<320x320xbf16>
    %convert_element_type3A_46 = arith.truncf %dot_general3A_42 : vector<320x512xf32> to vector<320x512xbf16>
    %dot_general3A_47 = arith.constant dense<0.000000e+00> : vector<320x512xf32>
    %dot_general3A_48 = tpu.matmul %get3A_45, %convert_element_type3A_46, %dot_general3A_47 {dimension_numbers = #tpu.dot_dimension_numbers<[1], [0], [0], [1], [0, 0, 1, 1], [], []>, transpose_lhs_hint = false} : vector<320x320xbf16>, vector<320x512xbf16>, vector<320x512xf32> -> vector<320x512xf32>
    %convert_element_type3A_49 = arith.truncf %dot_general3A_48 : vector<320x512xf32> to vector<320x512xbf16>
    %get3A_50 = arith.constant 0 : index
    %get3A_51 = arith.constant 0 : index
    %get3A_52 = vector.load %arg5[%get3A_50, %get3A_51] : memref<512x48xbf16, #tpu.memory_space<vmem>>, vector<512x48xbf16>
    %slice3A_53 = vector.extract_strided_slice %get3A_38 {offsets = [0, 0], sizes = [32, 512], strides = [1, 1]} : vector<640x512xbf16> to vector<32x512xbf16>
    %slice3A_54 = vector.extract_strided_slice %convert_element_type3A_49 {offsets = [0, 0], sizes = [16, 512], strides = [1, 1]} : vector<320x512xbf16> to vector<16x512xbf16>
    %concatenate3A_55 = tpu.concatenate %slice3A_53, %slice3A_54 in 0 : vector<32x512xbf16>, vector<16x512xbf16> -> vector<48x512xbf16>
    %dot_general3A_56 = arith.constant dense<0.000000e+00> : vector<512x512xf32>
    %dot_general3A_57 = tpu.matmul %get3A_52, %concatenate3A_55, %dot_general3A_56 {dimension_numbers = #tpu.dot_dimension_numbers<[1], [0], [0], [1], [0, 0, 1, 1], [], []>, transpose_lhs_hint = false} : vector<512x48xbf16>, vector<48x512xbf16>, vector<512x512xf32> -> vector<512x512xf32>
    %broadcast_in_dim3A_58 = arith.constant 0.000000e+00 : f32
    %broadcast_in_dim3A_59 = vector.broadcast %broadcast_in_dim3A_58 : f32 to vector<32x512xf32>
    %get3A_60 = arith.constant 0 : index
    %get3A_61 = arith.constant 0 : index
    %get3A_62 = vector.load %arg4[%get3A_60, %get3A_61] : memref<16x512xf32, #tpu.memory_space<vmem>>, vector<1x512xf32>
    %slice3A_63 = vector.extract_strided_slice %dot_general3A_57 {offsets = [0, 0], sizes = [32, 512], strides = [1, 1]} : vector<512x512xf32> to vector<32x512xf32>
    %mul3A_64 = vector.broadcast %get3A_62 : vector<1x512xf32> to vector<32x512xf32>
    %mul3A_65 = arith.mulf %mul3A_64, %slice3A_63 : vector<32x512xf32>
    %add3A_66 = arith.addf %broadcast_in_dim3A_59, %mul3A_65 : vector<32x512xf32>
    %get3A_67 = arith.constant 1 : index
    %get3A_68 = arith.constant 0 : index
    %get3A_69 = vector.load %arg4[%get3A_67, %get3A_68] : memref<16x512xf32, #tpu.memory_space<vmem>>, vector<1x512xf32>
    %slice3A_70 = vector.extract_strided_slice %dot_general3A_57 {offsets = [32, 0], sizes = [32, 512], strides = [1, 1]} : vector<512x512xf32> to vector<32x512xf32>
    %mul3A_71 = vector.broadcast %get3A_69 : vector<1x512xf32> to vector<32x512xf32>
    %mul3A_72 = arith.mulf %mul3A_71, %slice3A_70 : vector<32x512xf32>
    %add3A_73 = arith.addf %add3A_66, %mul3A_72 : vector<32x512xf32>
    %get3A_74 = arith.constant 2 : index
    %get3A_75 = arith.constant 0 : index
    %get3A_76 = vector.load %arg4[%get3A_74, %get3A_75] : memref<16x512xf32, #tpu.memory_space<vmem>>, vector<1x512xf32>
    %slice3A_77 = vector.extract_strided_slice %dot_general3A_57 {offsets = [64, 0], sizes = [32, 512], strides = [1, 1]} : vector<512x512xf32> to vector<32x512xf32>
    %mul3A_78 = vector.broadcast %get3A_76 : vector<1x512xf32> to vector<32x512xf32>
    %mul3A_79 = arith.mulf %mul3A_78, %slice3A_77 : vector<32x512xf32>
    %add3A_80 = arith.addf %add3A_73, %mul3A_79 : vector<32x512xf32>
    %get3A_81 = arith.constant 3 : index
    %get3A_82 = arith.constant 0 : index
    %get3A_83 = vector.load %arg4[%get3A_81, %get3A_82] : memref<16x512xf32, #tpu.memory_space<vmem>>, vector<1x512xf32>
    %slice3A_84 = vector.extract_strided_slice %dot_general3A_57 {offsets = [96, 0], sizes = [32, 512], strides = [1, 1]} : vector<512x512xf32> to vector<32x512xf32>
    %mul3A_85 = vector.broadcast %get3A_83 : vector<1x512xf32> to vector<32x512xf32>
    %mul3A_86 = arith.mulf %mul3A_85, %slice3A_84 : vector<32x512xf32>
    %add3A_87 = arith.addf %add3A_80, %mul3A_86 : vector<32x512xf32>
    %get3A_88 = arith.constant 4 : index
    %get3A_89 = arith.constant 0 : index
    %get3A_90 = vector.load %arg4[%get3A_88, %get3A_89] : memref<16x512xf32, #tpu.memory_space<vmem>>, vector<1x512xf32>
    %slice3A_91 = vector.extract_strided_slice %dot_general3A_57 {offsets = [128, 0], sizes = [32, 512], strides = [1, 1]} : vector<512x512xf32> to vector<32x512xf32>
    %mul3A_92 = vector.broadcast %get3A_90 : vector<1x512xf32> to vector<32x512xf32>
    %mul3A_93 = arith.mulf %mul3A_92, %slice3A_91 : vector<32x512xf32>
    %add3A_94 = arith.addf %add3A_87, %mul3A_93 : vector<32x512xf32>
    %get3A_95 = arith.constant 5 : index
    %get3A_96 = arith.constant 0 : index
    %get3A_97 = vector.load %arg4[%get3A_95, %get3A_96] : memref<16x512xf32, #tpu.memory_space<vmem>>, vector<1x512xf32>
    %slice3A_98 = vector.extract_strided_slice %dot_general3A_57 {offsets = [160, 0], sizes = [32, 512], strides = [1, 1]} : vector<512x512xf32> to vector<32x512xf32>
    %mul3A_99 = vector.broadcast %get3A_97 : vector<1x512xf32> to vector<32x512xf32>
    %mul3A_100 = arith.mulf %mul3A_99, %slice3A_98 : vector<32x512xf32>
    %add3A_101 = arith.addf %add3A_94, %mul3A_100 : vector<32x512xf32>
    %get3A_102 = arith.constant 6 : index
    %get3A_103 = arith.constant 0 : index
    %get3A_104 = vector.load %arg4[%get3A_102, %get3A_103] : memref<16x512xf32, #tpu.memory_space<vmem>>, vector<1x512xf32>
    %slice3A_105 = vector.extract_strided_slice %dot_general3A_57 {offsets = [192, 0], sizes = [32, 512], strides = [1, 1]} : vector<512x512xf32> to vector<32x512xf32>
    %mul3A_106 = vector.broadcast %get3A_104 : vector<1x512xf32> to vector<32x512xf32>
    %mul3A_107 = arith.mulf %mul3A_106, %slice3A_105 : vector<32x512xf32>
    %add3A_108 = arith.addf %add3A_101, %mul3A_107 : vector<32x512xf32>
    %get3A_109 = arith.constant 7 : index
    %get3A_110 = arith.constant 0 : index
    %get3A_111 = vector.load %arg4[%get3A_109, %get3A_110] : memref<16x512xf32, #tpu.memory_space<vmem>>, vector<1x512xf32>
    %slice3A_112 = vector.extract_strided_slice %dot_general3A_57 {offsets = [224, 0], sizes = [32, 512], strides = [1, 1]} : vector<512x512xf32> to vector<32x512xf32>
    %mul3A_113 = vector.broadcast %get3A_111 : vector<1x512xf32> to vector<32x512xf32>
    %mul3A_114 = arith.mulf %mul3A_113, %slice3A_112 : vector<32x512xf32>
    %add3A_115 = arith.addf %add3A_108, %mul3A_114 : vector<32x512xf32>
    %get3A_116 = arith.constant 8 : index
    %get3A_117 = arith.constant 0 : index
    %get3A_118 = vector.load %arg4[%get3A_116, %get3A_117] : memref<16x512xf32, #tpu.memory_space<vmem>>, vector<1x512xf32>
    %slice3A_119 = vector.extract_strided_slice %dot_general3A_57 {offsets = [256, 0], sizes = [32, 512], strides = [1, 1]} : vector<512x512xf32> to vector<32x512xf32>
    %mul3A_120 = vector.broadcast %get3A_118 : vector<1x512xf32> to vector<32x512xf32>
    %mul3A_121 = arith.mulf %mul3A_120, %slice3A_119 : vector<32x512xf32>
    %add3A_122 = arith.addf %add3A_115, %mul3A_121 : vector<32x512xf32>
    %get3A_123 = arith.constant 9 : index
    %get3A_124 = arith.constant 0 : index
    %get3A_125 = vector.load %arg4[%get3A_123, %get3A_124] : memref<16x512xf32, #tpu.memory_space<vmem>>, vector<1x512xf32>
    %slice3A_126 = vector.extract_strided_slice %dot_general3A_57 {offsets = [288, 0], sizes = [32, 512], strides = [1, 1]} : vector<512x512xf32> to vector<32x512xf32>
    %mul3A_127 = vector.broadcast %get3A_125 : vector<1x512xf32> to vector<32x512xf32>
    %mul3A_128 = arith.mulf %mul3A_127, %slice3A_126 : vector<32x512xf32>
    %add3A_129 = arith.addf %add3A_122, %mul3A_128 : vector<32x512xf32>
    %get3A_130 = arith.constant 10 : index
    %get3A_131 = arith.constant 0 : index
    %get3A_132 = vector.load %arg4[%get3A_130, %get3A_131] : memref<16x512xf32, #tpu.memory_space<vmem>>, vector<1x512xf32>
    %slice3A_133 = vector.extract_strided_slice %dot_general3A_57 {offsets = [320, 0], sizes = [32, 512], strides = [1, 1]} : vector<512x512xf32> to vector<32x512xf32>
    %mul3A_134 = vector.broadcast %get3A_132 : vector<1x512xf32> to vector<32x512xf32>
    %mul3A_135 = arith.mulf %mul3A_134, %slice3A_133 : vector<32x512xf32>
    %add3A_136 = arith.addf %add3A_129, %mul3A_135 : vector<32x512xf32>
    %get3A_137 = arith.constant 11 : index
    %get3A_138 = arith.constant 0 : index
    %get3A_139 = vector.load %arg4[%get3A_137, %get3A_138] : memref<16x512xf32, #tpu.memory_space<vmem>>, vector<1x512xf32>
    %slice3A_140 = vector.extract_strided_slice %dot_general3A_57 {offsets = [352, 0], sizes = [32, 512], strides = [1, 1]} : vector<512x512xf32> to vector<32x512xf32>
    %mul3A_141 = vector.broadcast %get3A_139 : vector<1x512xf32> to vector<32x512xf32>
    %mul3A_142 = arith.mulf %mul3A_141, %slice3A_140 : vector<32x512xf32>
    %add3A_143 = arith.addf %add3A_136, %mul3A_142 : vector<32x512xf32>
    %get3A_144 = arith.constant 12 : index
    %get3A_145 = arith.constant 0 : index
    %get3A_146 = vector.load %arg4[%get3A_144, %get3A_145] : memref<16x512xf32, #tpu.memory_space<vmem>>, vector<1x512xf32>
    %slice3A_147 = vector.extract_strided_slice %dot_general3A_57 {offsets = [384, 0], sizes = [32, 512], strides = [1, 1]} : vector<512x512xf32> to vector<32x512xf32>
    %mul3A_148 = vector.broadcast %get3A_146 : vector<1x512xf32> to vector<32x512xf32>
    %mul3A_149 = arith.mulf %mul3A_148, %slice3A_147 : vector<32x512xf32>
    %add3A_150 = arith.addf %add3A_143, %mul3A_149 : vector<32x512xf32>
    %get3A_151 = arith.constant 13 : index
    %get3A_152 = arith.constant 0 : index
    %get3A_153 = vector.load %arg4[%get3A_151, %get3A_152] : memref<16x512xf32, #tpu.memory_space<vmem>>, vector<1x512xf32>
    %slice3A_154 = vector.extract_strided_slice %dot_general3A_57 {offsets = [416, 0], sizes = [32, 512], strides = [1, 1]} : vector<512x512xf32> to vector<32x512xf32>
    %mul3A_155 = vector.broadcast %get3A_153 : vector<1x512xf32> to vector<32x512xf32>
    %mul3A_156 = arith.mulf %mul3A_155, %slice3A_154 : vector<32x512xf32>
    %add3A_157 = arith.addf %add3A_150, %mul3A_156 : vector<32x512xf32>
    %get3A_158 = arith.constant 14 : index
    %get3A_159 = arith.constant 0 : index
    %get3A_160 = vector.load %arg4[%get3A_158, %get3A_159] : memref<16x512xf32, #tpu.memory_space<vmem>>, vector<1x512xf32>
    %slice3A_161 = vector.extract_strided_slice %dot_general3A_57 {offsets = [448, 0], sizes = [32, 512], strides = [1, 1]} : vector<512x512xf32> to vector<32x512xf32>
    %mul3A_162 = vector.broadcast %get3A_160 : vector<1x512xf32> to vector<32x512xf32>
    %mul3A_163 = arith.mulf %mul3A_162, %slice3A_161 : vector<32x512xf32>
    %add3A_164 = arith.addf %add3A_157, %mul3A_163 : vector<32x512xf32>
    %get3A_165 = arith.constant 15 : index
    %get3A_166 = arith.constant 0 : index
    %get3A_167 = vector.load %arg4[%get3A_165, %get3A_166] : memref<16x512xf32, #tpu.memory_space<vmem>>, vector<1x512xf32>
    %slice3A_168 = vector.extract_strided_slice %dot_general3A_57 {offsets = [480, 0], sizes = [32, 512], strides = [1, 1]} : vector<512x512xf32> to vector<32x512xf32>
    %mul3A_169 = vector.broadcast %get3A_167 : vector<1x512xf32> to vector<32x512xf32>
    %mul3A_170 = arith.mulf %mul3A_169, %slice3A_168 : vector<32x512xf32>
    %add3A_171 = arith.addf %add3A_164, %mul3A_170 : vector<32x512xf32>
    %convert_element_type3A_172 = arith.truncf %add3A_171 : vector<32x512xf32> to vector<32x512xbf16>
    %swap3A_173 = arith.constant 0 : index
    %swap3A_174 = arith.constant 0 : index
    %swap3A_175 = vector.load %arg12[%swap3A_173, %swap3A_174] : memref<640x512xbf16, #tpu.memory_space<vmem>>, vector<32x512xbf16>
    tpu.vector_store %arg12[%swap3A_173, %swap3A_174], %convert_element_type3A_172 {strides = array<i32>} : memref<640x512xbf16, #tpu.memory_space<vmem>>, vector<32x512xbf16>,
    %slice3A_176 = vector.extract_strided_slice %get3A_38 {offsets = [32, 0], sizes = [32, 512], strides = [1, 1]} : vector<640x512xbf16> to vector<32x512xbf16>
    %slice3A_177 = vector.extract_strided_slice %convert_element_type3A_49 {offsets = [16, 0], sizes = [16, 512], strides = [1, 1]} : vector<320x512xbf16> to vector<16x512xbf16>
    %concatenate3A_178 = tpu.concatenate %slice3A_176, %slice3A_177 in 0 : vector<32x512xbf16>, vector<16x512xbf16> -> vector<48x512xbf16>
    %dot_general3A_179 = arith.constant dense<0.000000e+00> : vector<512x512xf32>
    %dot_general3A_180 = tpu.matmul %get3A_52, %concatenate3A_178, %dot_general3A_179 {dimension_numbers = #tpu.dot_dimension_numbers<[1], [0], [0], [1], [0, 0, 1, 1], [], []>, transpose_lhs_hint = false} : vector<512x48xbf16>, vector<48x512xbf16>, vector<512x512xf32> -> vector<512x512xf32>
    %broadcast_in_dim3A_181 = arith.constant 0.000000e+00 : f32
    %broadcast_in_dim3A_182 = vector.broadcast %broadcast_in_dim3A_181 : f32 to vector<32x512xf32>
    %get3A_183 = arith.constant 0 : index
    %get3A_184 = arith.constant 0 : index
    %get3A_185 = vector.load %arg4[%get3A_183, %get3A_184] : memref<16x512xf32, #tpu.memory_space<vmem>>, vector<1x512xf32>
    %slice3A_186 = vector.extract_strided_slice %dot_general3A_180 {offsets = [0, 0], sizes = [32, 512], strides = [1, 1]} : vector<512x512xf32> to vector<32x512xf32>
    %mul3A_187 = vector.broadcast %get3A_185 : vector<1x512xf32> to vector<32x512xf32>
    %mul3A_188 = arith.mulf %mul3A_187, %slice3A_186 : vector<32x512xf32>
    %add3A_189 = arith.addf %broadcast_in_dim3A_182, %mul3A_188 : vector<32x512xf32>
    %get3A_190 = arith.constant 1 : index
    %get3A_191 = arith.constant 0 : index
    %get3A_192 = vector.load %arg4[%get3A_190, %get3A_191] : memref<16x512xf32, #tpu.memory_space<vmem>>, vector<1x512xf32>
    %slice3A_193 = vector.extract_strided_slice %dot_general3A_180 {offsets = [32, 0], sizes = [32, 512], strides = [1, 1]} : vector<512x512xf32> to vector<32x512xf32>
    %mul3A_194 = vector.broadcast %get3A_192 : vector<1x512xf32> to vector<32x512xf32>
    %mul3A_195 = arith.mulf %mul3A_194, %slice3A_193 : vector<32x512xf32>
    %add3A_196 = arith.addf %add3A_189, %mul3A_195 : vector<32x512xf32>
    %get3A_197 = arith.constant 2 : index
    %get3A_198 = arith.constant 0 : index
    %get3A_199 = vector.load %arg4[%get3A_197, %get3A_198] : memref<16x512xf32, #tpu.memory_space<vmem>>, vector<1x512xf32>
    %slice3A_200 = vector.extract_strided_slice %dot_general3A_180 {offsets = [64, 0], sizes = [32, 512], strides = [1, 1]} : vector<512x512xf32> to vector<32x512xf32>
    %mul3A_201 = vector.broadcast %get3A_199 : vector<1x512xf32> to vector<32x512xf32>
    %mul3A_202 = arith.mulf %mul3A_201, %slice3A_200 : vector<32x512xf32>
    %add3A_203 = arith.addf %add3A_196, %mul3A_202 : vector<32x512xf32>
    %get3A_204 = arith.constant 3 : index
    %get3A_205 = arith.constant 0 : index
    %get3A_206 = vector.load %arg4[%get3A_204, %get3A_205] : memref<16x512xf32, #tpu.memory_space<vmem>>, vector<1x512xf32>
    %slice3A_207 = vector.extract_strided_slice %dot_general3A_180 {offsets = [96, 0], sizes = [32, 512], strides = [1, 1]} : vector<512x512xf32> to vector<32x512xf32>
    %mul3A_208 = vector.broadcast %get3A_206 : vector<1x512xf32> to vector<32x512xf32>
    %mul3A_209 = arith.mulf %mul3A_208, %slice3A_207 : vector<32x512xf32>
    %add3A_210 = arith.addf %add3A_203, %mul3A_209 : vector<32x512xf32>
    %get3A_211 = arith.constant 4 : index
    %get3A_212 = arith.constant 0 : index
    %get3A_213 = vector.load %arg4[%get3A_211, %get3A_212] : memref<16x512xf32, #tpu.memory_space<vmem>>, vector<1x512xf32>
    %slice3A_214 = vector.extract_strided_slice %dot_general3A_180 {offsets = [128, 0], sizes = [32, 512], strides = [1, 1]} : vector<512x512xf32> to vector<32x512xf32>
    %mul3A_215 = vector.broadcast %get3A_213 : vector<1x512xf32> to vector<32x512xf32>
    %mul3A_216 = arith.mulf %mul3A_215, %slice3A_214 : vector<32x512xf32>
    %add3A_217 = arith.addf %add3A_210, %mul3A_216 : vector<32x512xf32>
    %get3A_218 = arith.constant 5 : index
    %get3A_219 = arith.constant 0 : index
    %get3A_220 = vector.load %arg4[%get3A_218, %get3A_219] : memref<16x512xf32, #tpu.memory_space<vmem>>, vector<1x512xf32>
    %slice3A_221 = vector.extract_strided_slice %dot_general3A_180 {offsets = [160, 0], sizes = [32, 512], strides = [1, 1]} : vector<512x512xf32> to vector<32x512xf32>
    %mul3A_222 = vector.broadcast %get3A_220 : vector<1x512xf32> to vector<32x512xf32>
    %mul3A_223 = arith.mulf %mul3A_222, %slice3A_221 : vector<32x512xf32>
    %add3A_224 = arith.addf %add3A_217, %mul3A_223 : vector<32x512xf32>
    %get3A_225 = arith.constant 6 : index
    %get3A_226 = arith.constant 0 : index
    %get3A_227 = vector.load %arg4[%get3A_225, %get3A_226] : memref<16x512xf32, #tpu.memory_space<vmem>>, vector<1x512xf32>
    %slice3A_228 = vector.extract_strided_slice %dot_general3A_180 {offsets = [192, 0], sizes = [32, 512], strides = [1, 1]} : vector<512x512xf32> to vector<32x512xf32>
    %mul3A_229 = vector.broadcast %get3A_227 : vector<1x512xf32> to vector<32x512xf32>
    %mul3A_230 = arith.mulf %mul3A_229, %slice3A_228 : vector<32x512xf32>
    %add3A_231 = arith.addf %add3A_224, %mul3A_230 : vector<32x512xf32>
    %get3A_232 = arith.constant 7 : index
    %get3A_233 = arith.constant 0 : index
    %get3A_234 = vector.load %arg4[%get3A_232, %get3A_233] : memref<16x512xf32, #tpu.memory_space<vmem>>, vector<1x512xf32>
    %slice3A_235 = vector.extract_strided_slice %dot_general3A_180 {offsets = [224, 0], sizes = [32, 512], strides = [1, 1]} : vector<512x512xf32> to vector<32x512xf32>
    %mul3A_236 = vector.broadcast %get3A_234 : vector<1x512xf32> to vector<32x512xf32>
    %mul3A_237 = arith.mulf %mul3A_236, %slice3A_235 : vector<32x512xf32>
    %add3A_238 = arith.addf %add3A_231, %mul3A_237 : vector<32x512xf32>
    %get3A_239 = arith.constant 8 : index
    %get3A_240 = arith.constant 0 : index
    %get3A_241 = vector.load %arg4[%get3A_239, %get3A_240] : memref<16x512xf32, #tpu.memory_space<vmem>>, vector<1x512xf32>
    %slice3A_242 = vector.extract_strided_slice %dot_general3A_180 {offsets = [256, 0], sizes = [32, 512], strides = [1, 1]} : vector<512x512xf32> to vector<32x512xf32>
    %mul3A_243 = vector.broadcast %get3A_241 : vector<1x512xf32> to vector<32x512xf32>
    %mul3A_244 = arith.mulf %mul3A_243, %slice3A_242 : vector<32x512xf32>
    %add3A_245 = arith.addf %add3A_238, %mul3A_244 : vector<32x512xf32>
    %get3A_246 = arith.constant 9 : index
    %get3A_247 = arith.constant 0 : index
    %get3A_248 = vector.load %arg4[%get3A_246, %get3A_247] : memref<16x512xf32, #tpu.memory_space<vmem>>, vector<1x512xf32>
    %slice3A_249 = vector.extract_strided_slice %dot_general3A_180 {offsets = [288, 0], sizes = [32, 512], strides = [1, 1]} : vector<512x512xf32> to vector<32x512xf32>
    %mul3A_250 = vector.broadcast %get3A_248 : vector<1x512xf32> to vector<32x512xf32>
    %mul3A_251 = arith.mulf %mul3A_250, %slice3A_249 : vector<32x512xf32>
    %add3A_252 = arith.addf %add3A_245, %mul3A_251 : vector<32x512xf32>
    %get3A_253 = arith.constant 10 : index
    %get3A_254 = arith.constant 0 : index
    %get3A_255 = vector.load %arg4[%get3A_253, %get3A_254] : memref<16x512xf32, #tpu.memory_space<vmem>>, vector<1x512xf32>
    %slice3A_256 = vector.extract_strided_slice %dot_general3A_180 {offsets = [320, 0], sizes = [32, 512], strides = [1, 1]} : vector<512x512xf32> to vector<32x512xf32>
    %mul3A_257 = vector.broadcast %get3A_255 : vector<1x512xf32> to vector<32x512xf32>
    %mul3A_258 = arith.mulf %mul3A_257, %slice3A_256 : vector<32x512xf32>
    %add3A_259 = arith.addf %add3A_252, %mul3A_258 : vector<32x512xf32>
    %get3A_260 = arith.constant 11 : index
    %get3A_261 = arith.constant 0 : index
    %get3A_262 = vector.load %arg4[%get3A_260, %get3A_261] : memref<16x512xf32, #tpu.memory_space<vmem>>, vector<1x512xf32>
    %slice3A_263 = vector.extract_strided_slice %dot_general3A_180 {offsets = [352, 0], sizes = [32, 512], strides = [1, 1]} : vector<512x512xf32> to vector<32x512xf32>
    %mul3A_264 = vector.broadcast %get3A_262 : vector<1x512xf32> to vector<32x512xf32>
    %mul3A_265 = arith.mulf %mul3A_264, %slice3A_263 : vector<32x512xf32>
    %add3A_266 = arith.addf %add3A_259, %mul3A_265 : vector<32x512xf32>
    %get3A_267 = arith.constant 12 : index
    %get3A_268 = arith.constant 0 : index
    %get3A_269 = vector.load %arg4[%get3A_267, %get3A_268] : memref<16x512xf32, #tpu.memory_space<vmem>>, vector<1x512xf32>
    %slice3A_270 = vector.extract_strided_slice %dot_general3A_180 {offsets = [384, 0], sizes = [32, 512], strides = [1, 1]} : vector<512x512xf32> to vector<32x512xf32>
    %mul3A_271 = vector.broadcast %get3A_269 : vector<1x512xf32> to vector<32x512xf32>
    %mul3A_272 = arith.mulf %mul3A_271, %slice3A_270 : vector<32x512xf32>
    %add3A_273 = arith.addf %add3A_266, %mul3A_272 : vector<32x512xf32>
    %get3A_274 = arith.constant 13 : index
    %get3A_275 = arith.constant 0 : index
    %get3A_276 = vector.load %arg4[%get3A_274, %get3A_275] : memref<16x512xf32, #tpu.memory_space<vmem>>, vector<1x512xf32>
    %slice3A_277 = vector.extract_strided_slice %dot_general3A_180 {offsets = [416, 0], sizes = [32, 512], strides = [1, 1]} : vector<512x512xf32> to vector<32x512xf32>
    %mul3A_278 = vector.broadcast %get3A_276 : vector<1x512xf32> to vector<32x512xf32>
    %mul3A_279 = arith.mulf %mul3A_278, %slice3A_277 : vector<32x512xf32>
    %add3A_280 = arith.addf %add3A_273, %mul3A_279 : vector<32x512xf32>
    %get3A_281 = arith.constant 14 : index
    %get3A_282 = arith.constant 0 : index
    %get3A_283 = vector.load %arg4[%get3A_281, %get3A_282] : memref<16x512xf32, #tpu.memory_space<vmem>>, vector<1x512xf32>
    %slice3A_284 = vector.extract_strided_slice %dot_general3A_180 {offsets = [448, 0], sizes = [32, 512], strides = [1, 1]} : vector<512x512xf32> to vector<32x512xf32>
    %mul3A_285 = vector.broadcast %get3A_283 : vector<1x512xf32> to vector<32x512xf32>
    %mul3A_286 = arith.mulf %mul3A_285, %slice3A_284 : vector<32x512xf32>
    %add3A_287 = arith.addf %add3A_280, %mul3A_286 : vector<32x512xf32>
    %get3A_288 = arith.constant 15 : index
    %get3A_289 = arith.constant 0 : index
    %get3A_290 = vector.load %arg4[%get3A_288, %get3A_289] : memref<16x512xf32, #tpu.memory_space<vmem>>, vector<1x512xf32>
    %slice3A_291 = vector.extract_strided_slice %dot_general3A_180 {offsets = [480, 0], sizes = [32, 512], strides = [1, 1]} : vector<512x512xf32> to vector<32x512xf32>
    %mul3A_292 = vector.broadcast %get3A_290 : vector<1x512xf32> to vector<32x512xf32>
    %mul3A_293 = arith.mulf %mul3A_292, %slice3A_291 : vector<32x512xf32>
    %add3A_294 = arith.addf %add3A_287, %mul3A_293 : vector<32x512xf32>
    %convert_element_type3A_295 = arith.truncf %add3A_294 : vector<32x512xf32> to vector<32x512xbf16>
    %swap3A_296 = arith.constant 32 : index
    %swap3A_297 = arith.constant 0 : index
    %swap3A_298 = vector.load %arg12[%swap3A_296, %swap3A_297] : memref<640x512xbf16, #tpu.memory_space<vmem>>, vector<32x512xbf16>
    tpu.vector_store %arg12[%swap3A_296, %swap3A_297], %convert_element_type3A_295 {strides = array<i32>} : memref<640x512xbf16, #tpu.memory_space<vmem>>, vector<32x512xbf16>,
    %slice3A_299 = vector.extract_strided_slice %get3A_38 {offsets = [64, 0], sizes = [32, 512], strides = [1, 1]} : vector<640x512xbf16> to vector<32x512xbf16>
    %slice3A_300 = vector.extract_strided_slice %convert_element_type3A_49 {offsets = [32, 0], sizes = [16, 512], strides = [1, 1]} : vector<320x512xbf16> to vector<16x512xbf16>
    %concatenate3A_301 = tpu.concatenate %slice3A_299, %slice3A_300 in 0 : vector<32x512xbf16>, vector<16x512xbf16> -> vector<48x512xbf16>
    %dot_general3A_302 = arith.constant dense<0.000000e+00> : vector<512x512xf32>
    %dot_general3A_303 = tpu.matmul %get3A_52, %concatenate3A_301, %dot_general3A_302 {dimension_numbers = #tpu.dot_dimension_numbers<[1], [0], [0], [1], [0, 0, 1, 1], [], []>, transpose_lhs_hint = false} : vector<512x48xbf16>, vector<48x512xbf16>, vector<512x512xf32> -> vector<512x512xf32>
    %broadcast_in_dim3A_304 = arith.constant 0.000000e+00 : f32
    %broadcast_in_dim3A_305 = vector.broadcast %broadcast_in_dim3A_304 : f32 to vector<32x512xf32>
    %get3A_306 = arith.constant 0 : index
    %get3A_307 = arith.constant 0 : index
    %get3A_308 = vector.load %arg4[%get3A_306, %get3A_307] : memref<16x512xf32, #tpu.memory_space<vmem>>, vector<1x512xf32>
    %slice3A_309 = vector.extract_strided_slice %dot_general3A_303 {offsets = [0, 0], sizes = [32, 512], strides = [1, 1]} : vector<512x512xf32> to vector<32x512xf32>
    %mul3A_310 = vector.broadcast %get3A_308 : vector<1x512xf32> to vector<32x512xf32>
    %mul3A_311 = arith.mulf %mul3A_310, %slice3A_309 : vector<32x512xf32>
    %add3A_312 = arith.addf %broadcast_in_dim3A_305, %mul3A_311 : vector<32x512xf32>
    %get3A_313 = arith.constant 1 : index
    %get3A_314 = arith.constant 0 : index
    %get3A_315 = vector.load %arg4[%get3A_313, %get3A_314] : memref<16x512xf32, #tpu.memory_space<vmem>>, vector<1x512xf32>
    %slice3A_316 = vector.extract_strided_slice %dot_general3A_303 {offsets = [32, 0], sizes = [32, 512], strides = [1, 1]} : vector<512x512xf32> to vector<32x512xf32>
    %mul3A_317 = vector.broadcast %get3A_315 : vector<1x512xf32> to vector<32x512xf32>
    %mul3A_318 = arith.mulf %mul3A_317, %slice3A_316 : vector<32x512xf32>
    %add3A_319 = arith.addf %add3A_312, %mul3A_318 : vector<32x512xf32>
    %get3A_320 = arith.constant 2 : index
    %get3A_321 = arith.constant 0 : index
    %get3A_322 = vector.load %arg4[%get3A_320, %get3A_321] : memref<16x512xf32, #tpu.memory_space<vmem>>, vector<1x512xf32>
    %slice3A_323 = vector.extract_strided_slice %dot_general3A_303 {offsets = [64, 0], sizes = [32, 512], strides = [1, 1]} : vector<512x512xf32> to vector<32x512xf32>
    %mul3A_324 = vector.broadcast %get3A_322 : vector<1x512xf32> to vector<32x512xf32>
    %mul3A_325 = arith.mulf %mul3A_324, %slice3A_323 : vector<32x512xf32>
    %add3A_326 = arith.addf %add3A_319, %mul3A_325 : vector<32x512xf32>
    %get3A_327 = arith.constant 3 : index
    %get3A_328 = arith.constant 0 : index
    %get3A_329 = vector.load %arg4[%get3A_327, %get3A_328] : memref<16x512xf32, #tpu.memory_space<vmem>>, vector<1x512xf32>
    %slice3A_330 = vector.extract_strided_slice %dot_general3A_303 {offsets = [96, 0], sizes = [32, 512], strides = [1, 1]} : vector<512x512xf32> to vector<32x512xf32>
    %mul3A_331 = vector.broadcast %get3A_329 : vector<1x512xf32> to vector<32x512xf32>
    %mul3A_332 = arith.mulf %mul3A_331, %slice3A_330 : vector<32x512xf32>
    %add3A_333 = arith.addf %add3A_326, %mul3A_332 : vector<32x512xf32>
    %get3A_334 = arith.constant 4 : index
    %get3A_335 = arith.constant 0 : index
    %get3A_336 = vector.load %arg4[%get3A_334, %get3A_335] : memref<16x512xf32, #tpu.memory_space<vmem>>, vector<1x512xf32>
    %slice3A_337 = vector.extract_strided_slice %dot_general3A_303 {offsets = [128, 0], sizes = [32, 512], strides = [1, 1]} : vector<512x512xf32> to vector<32x512xf32>
    %mul3A_338 = vector.broadcast %get3A_336 : vector<1x512xf32> to vector<32x512xf32>
    %mul3A_339 = arith.mulf %mul3A_338, %slice3A_337 : vector<32x512xf32>
    %add3A_340 = arith.addf %add3A_333, %mul3A_339 : vector<32x512xf32>
    %get3A_341 = arith.constant 5 : index
    %get3A_342 = arith.constant 0 : index
    %get3A_343 = vector.load %arg4[%get3A_341, %get3A_342] : memref<16x512xf32, #tpu.memory_space<vmem>>, vector<1x512xf32>
    %slice3A_344 = vector.extract_strided_slice %dot_general3A_303 {offsets = [160, 0], sizes = [32, 512], strides = [1, 1]} : vector<512x512xf32> to vector<32x512xf32>
    %mul3A_345 = vector.broadcast %get3A_343 : vector<1x512xf32> to vector<32x512xf32>
    %mul3A_346 = arith.mulf %mul3A_345, %slice3A_344 : vector<32x512xf32>
    %add3A_347 = arith.addf %add3A_340, %mul3A_346 : vector<32x512xf32>
    %get3A_348 = arith.constant 6 : index
    %get3A_349 = arith.constant 0 : index
    %get3A_350 = vector.load %arg4[%get3A_348, %get3A_349] : memref<16x512xf32, #tpu.memory_space<vmem>>, vector<1x512xf32>
    %slice3A_351 = vector.extract_strided_slice %dot_general3A_303 {offsets = [192, 0], sizes = [32, 512], strides = [1, 1]} : vector<512x512xf32> to vector<32x512xf32>
    %mul3A_352 = vector.broadcast %get3A_350 : vector<1x512xf32> to vector<32x512xf32>
    %mul3A_353 = arith.mulf %mul3A_352, %slice3A_351 : vector<32x512xf32>
    %add3A_354 = arith.addf %add3A_347, %mul3A_353 : vector<32x512xf32>
    %get3A_355 = arith.constant 7 : index
    %get3A_356 = arith.constant 0 : index
    %get3A_357 = vector.load %arg4[%get3A_355, %get3A_356] : memref<16x512xf32, #tpu.memory_space<vmem>>, vector<1x512xf32>
    %slice3A_358 = vector.extract_strided_slice %dot_general3A_303 {offsets = [224, 0], sizes = [32, 512], strides = [1, 1]} : vector<512x512xf32> to vector<32x512xf32>
    %mul3A_359 = vector.broadcast %get3A_357 : vector<1x512xf32> to vector<32x512xf32>
    %mul3A_360 = arith.mulf %mul3A_359, %slice3A_358 : vector<32x512xf32>
    %add3A_361 = arith.addf %add3A_354, %mul3A_360 : vector<32x512xf32>
    %get3A_362 = arith.constant 8 : index
    %get3A_363 = arith.constant 0 : index
    %get3A_364 = vector.load %arg4[%get3A_362, %get3A_363] : memref<16x512xf32, #tpu.memory_space<vmem>>, vector<1x512xf32>
    %slice3A_365 = vector.extract_strided_slice %dot_general3A_303 {offsets = [256, 0], sizes = [32, 512], strides = [1, 1]} : vector<512x512xf32> to vector<32x512xf32>
    %mul3A_366 = vector.broadcast %get3A_364 : vector<1x512xf32> to vector<32x512xf32>
    %mul3A_367 = arith.mulf %mul3A_366, %slice3A_365 : vector<32x512xf32>
    %add3A_368 = arith.addf %add3A_361, %mul3A_367 : vector<32x512xf32>
    %get3A_369 = arith.constant 9 : index
    %get3A_370 = arith.constant 0 : index
    %get3A_371 = vector.load %arg4[%get3A_369, %get3A_370] : memref<16x512xf32, #tpu.memory_space<vmem>>, vector<1x512xf32>
    %slice3A_372 = vector.extract_strided_slice %dot_general3A_303 {offsets = [288, 0], sizes = [32, 512], strides = [1, 1]} : vector<512x512xf32> to vector<32x512xf32>
    %mul3A_373 = vector.broadcast %get3A_371 : vector<1x512xf32> to vector<32x512xf32>
    %mul3A_374 = arith.mulf %mul3A_373, %slice3A_372 : vector<32x512xf32>
    %add3A_375 = arith.addf %add3A_368, %mul3A_374 : vector<32x512xf32>
    %get3A_376 = arith.constant 10 : index
    %get3A_377 = arith.constant 0 : index
    %get3A_378 = vector.load %arg4[%get3A_376, %get3A_377] : memref<16x512xf32, #tpu.memory_space<vmem>>, vector<1x512xf32>
    %slice3A_379 = vector.extract_strided_slice %dot_general3A_303 {offsets = [320, 0], sizes = [32, 512], strides = [1, 1]} : vector<512x512xf32> to vector<32x512xf32>
    %mul3A_380 = vector.broadcast %get3A_378 : vector<1x512xf32> to vector<32x512xf32>
    %mul3A_381 = arith.mulf %mul3A_380, %slice3A_379 : vector<32x512xf32>
    %add3A_382 = arith.addf %add3A_375, %mul3A_381 : vector<32x512xf32>
    %get3A_383 = arith.constant 11 : index
    %get3A_384 = arith.constant 0 : index
    %get3A_385 = vector.load %arg4[%get3A_383, %get3A_384] : memref<16x512xf32, #tpu.memory_space<vmem>>, vector<1x512xf32>
    %slice3A_386 = vector.extract_strided_slice %dot_general3A_303 {offsets = [352, 0], sizes = [32, 512], strides = [1, 1]} : vector<512x512xf32> to vector<32x512xf32>
    %mul3A_387 = vector.broadcast %get3A_385 : vector<1x512xf32> to vector<32x512xf32>
    %mul3A_388 = arith.mulf %mul3A_387, %slice3A_386 : vector<32x512xf32>
    %add3A_389 = arith.addf %add3A_382, %mul3A_388 : vector<32x512xf32>
    %get3A_390 = arith.constant 12 : index
    %get3A_391 = arith.constant 0 : index
    %get3A_392 = vector.load %arg4[%get3A_390, %get3A_391] : memref<16x512xf32, #tpu.memory_space<vmem>>, vector<1x512xf32>
    %slice3A_393 = vector.extract_strided_slice %dot_general3A_303 {offsets = [384, 0], sizes = [32, 512], strides = [1, 1]} : vector<512x512xf32> to vector<32x512xf32>
    %mul3A_394 = vector.broadcast %get3A_392 : vector<1x512xf32> to vector<32x512xf32>
    %mul3A_395 = arith.mulf %mul3A_394, %slice3A_393 : vector<32x512xf32>
    %add3A_396 = arith.addf %add3A_389, %mul3A_395 : vector<32x512xf32>
    %get3A_397 = arith.constant 13 : index
    %get3A_398 = arith.constant 0 : index
    %get3A_399 = vector.load %arg4[%get3A_397, %get3A_398] : memref<16x512xf32, #tpu.memory_space<vmem>>, vector<1x512xf32>
    %slice3A_400 = vector.extract_strided_slice %dot_general3A_303 {offsets = [416, 0], sizes = [32, 512], strides = [1, 1]} : vector<512x512xf32> to vector<32x512xf32>
    %mul3A_401 = vector.broadcast %get3A_399 : vector<1x512xf32> to vector<32x512xf32>
    %mul3A_402 = arith.mulf %mul3A_401, %slice3A_400 : vector<32x512xf32>
    %add3A_403 = arith.addf %add3A_396, %mul3A_402 : vector<32x512xf32>
    %get3A_404 = arith.constant 14 : index
    %get3A_405 = arith.constant 0 : index
    %get3A_406 = vector.load %arg4[%get3A_404, %get3A_405] : memref<16x512xf32, #tpu.memory_space<vmem>>, vector<1x512xf32>
    %slice3A_407 = vector.extract_strided_slice %dot_general3A_303 {offsets = [448, 0], sizes = [32, 512], strides = [1, 1]} : vector<512x512xf32> to vector<32x512xf32>
    %mul3A_408 = vector.broadcast %get3A_406 : vector<1x512xf32> to vector<32x512xf32>
    %mul3A_409 = arith.mulf %mul3A_408, %slice3A_407 : vector<32x512xf32>
    %add3A_410 = arith.addf %add3A_403, %mul3A_409 : vector<32x512xf32>
    %get3A_411 = arith.constant 15 : index
    %get3A_412 = arith.constant 0 : index
    %get3A_413 = vector.load %arg4[%get3A_411, %get3A_412] : memref<16x512xf32, #tpu.memory_space<vmem>>, vector<1x512xf32>
    %slice3A_414 = vector.extract_strided_slice %dot_general3A_303 {offsets = [480, 0], sizes = [32, 512], strides = [1, 1]} : vector<512x512xf32> to vector<32x512xf32>
    %mul3A_415 = vector.broadcast %get3A_413 : vector<1x512xf32> to vector<32x512xf32>
    %mul3A_416 = arith.mulf %mul3A_415, %slice3A_414 : vector<32x512xf32>
    %add3A_417 = arith.addf %add3A_410, %mul3A_416 : vector<32x512xf32>
    %convert_element_type3A_418 = arith.truncf %add3A_417 : vector<32x512xf32> to vector<32x512xbf16>
    %swap3A_419 = arith.constant 64 : index
    %swap3A_420 = arith.constant 0 : index
    %swap3A_421 = vector.load %arg12[%swap3A_419, %swap3A_420] : memref<640x512xbf16, #tpu.memory_space<vmem>>, vector<32x512xbf16>
    tpu.vector_store %arg12[%swap3A_419, %swap3A_420], %convert_element_type3A_418 {strides = array<i32>} : memref<640x512xbf16, #tpu.memory_space<vmem>>, vector<32x512xbf16>,
    %slice3A_422 = vector.extract_strided_slice %get3A_38 {offsets = [96, 0], sizes = [32, 512], strides = [1, 1]} : vector<640x512xbf16> to vector<32x512xbf16>
    %slice3A_423 = vector.extract_strided_slice %convert_element_type3A_49 {offsets = [48, 0], sizes = [16, 512], strides = [1, 1]} : vector<320x512xbf16> to vector<16x512xbf16>
    %concatenate3A_424 = tpu.concatenate %slice3A_422, %slice3A_423 in 0 : vector<32x512xbf16>, vector<16x512xbf16> -> vector<48x512xbf16>
    %dot_general3A_425 = arith.constant dense<0.000000e+00> : vector<512x512xf32>
    %dot_general3A_426 = tpu.matmul %get3A_52, %concatenate3A_424, %dot_general3A_425 {dimension_numbers = #tpu.dot_dimension_numbers<[1], [0], [0], [1], [0, 0, 1, 1], [], []>, transpose_lhs_hint = false} : vector<512x48xbf16>, vector<48x512xbf16>, vector<512x512xf32> -> vector<512x512xf32>
    %broadcast_in_dim3A_427 = arith.constant 0.000000e+00 : f32
    %broadcast_in_dim3A_428 = vector.broadcast %broadcast_in_dim3A_427 : f32 to vector<32x512xf32>
    %get3A_429 = arith.constant 0 : index
    %get3A_430 = arith.constant 0 : index
    %get3A_431 = vector.load %arg4[%get3A_429, %get3A_430] : memref<16x512xf32, #tpu.memory_space<vmem>>, vector<1x512xf32>
    %slice3A_432 = vector.extract_strided_slice %dot_general3A_426 {offsets = [0, 0], sizes = [32, 512], strides = [1, 1]} : vector<512x512xf32> to vector<32x512xf32>
    %mul3A_433 = vector.broadcast %get3A_431 : vector<1x512xf32> to vector<32x512xf32>
    %mul3A_434 = arith.mulf %mul3A_433, %slice3A_432 : vector<32x512xf32>
    %add3A_435 = arith.addf %broadcast_in_dim3A_428, %mul3A_434 : vector<32x512xf32>
    %get3A_436 = arith.constant 1 : index
    %get3A_437 = arith.constant 0 : index
    %get3A_438 = vector.load %arg4[%get3A_436, %get3A_437] : memref<16x512xf32, #tpu.memory_space<vmem>>, vector<1x512xf32>
    %slice3A_439 = vector.extract_strided_slice %dot_general3A_426 {offsets = [32, 0], sizes = [32, 512], strides = [1, 1]} : vector<512x512xf32> to vector<32x512xf32>
    %mul3A_440 = vector.broadcast %get3A_438 : vector<1x512xf32> to vector<32x512xf32>
    %mul3A_441 = arith.mulf %mul3A_440, %slice3A_439 : vector<32x512xf32>
    %add3A_442 = arith.addf %add3A_435, %mul3A_441 : vector<32x512xf32>
    %get3A_443 = arith.constant 2 : index
    %get3A_444 = arith.constant 0 : index
    %get3A_445 = vector.load %arg4[%get3A_443, %get3A_444] : memref<16x512xf32, #tpu.memory_space<vmem>>, vector<1x512xf32>
    %slice3A_446 = vector.extract_strided_slice %dot_general3A_426 {offsets = [64, 0], sizes = [32, 512], strides = [1, 1]} : vector<512x512xf32> to vector<32x512xf32>
    %mul3A_447 = vector.broadcast %get3A_445 : vector<1x512xf32> to vector<32x512xf32>
    %mul3A_448 = arith.mulf %mul3A_447, %slice3A_446 : vector<32x512xf32>
    %add3A_449 = arith.addf %add3A_442, %mul3A_448 : vector<32x512xf32>
    %get3A_450 = arith.constant 3 : index
    %get3A_451 = arith.constant 0 : index
    %get3A_452 = vector.load %arg4[%get3A_450, %get3A_451] : memref<16x512xf32, #tpu.memory_space<vmem>>, vector<1x512xf32>
    %slice3A_453 = vector.extract_strided_slice %dot_general3A_426 {offsets = [96, 0], sizes = [32, 512], strides = [1, 1]} : vector<512x512xf32> to vector<32x512xf32>
    %mul3A_454 = vector.broadcast %get3A_452 : vector<1x512xf32> to vector<32x512xf32>
    %mul3A_455 = arith.mulf %mul3A_454, %slice3A_453 : vector<32x512xf32>
    %add3A_456 = arith.addf %add3A_449, %mul3A_455 : vector<32x512xf32>
    %get3A_457 = arith.constant 4 : index
    %get3A_458 = arith.constant 0 : index
    %get3A_459 = vector.load %arg4[%get3A_457, %get3A_458] : memref<16x512xf32, #tpu.memory_space<vmem>>, vector<1x512xf32>
    %slice3A_460 = vector.extract_strided_slice %dot_general3A_426 {offsets = [128, 0], sizes = [32, 512], strides = [1, 1]} : vector<512x512xf32> to vector<32x512xf32>
    %mul3A_461 = vector.broadcast %get3A_459 : vector<1x512xf32> to vector<32x512xf32>
    %mul3A_462 = arith.mulf %mul3A_461, %slice3A_460 : vector<32x512xf32>
    %add3A_463 = arith.addf %add3A_456, %mul3A_462 : vector<32x512xf32>
    %get3A_464 = arith.constant 5 : index
    %get3A_465 = arith.constant 0 : index
    %get3A_466 = vector.load %arg4[%get3A_464, %get3A_465] : memref<16x512xf32, #tpu.memory_space<vmem>>, vector<1x512xf32>
    %slice3A_467 = vector.extract_strided_slice %dot_general3A_426 {offsets = [160, 0], sizes = [32, 512], strides = [1, 1]} : vector<512x512xf32> to vector<32x512xf32>
    %mul3A_468 = vector.broadcast %get3A_466 : vector<1x512xf32> to vector<32x512xf32>
    %mul3A_469 = arith.mulf %mul3A_468, %slice3A_467 : vector<32x512xf32>
    %add3A_470 = arith.addf %add3A_463, %mul3A_469 : vector<32x512xf32>
    %get3A_471 = arith.constant 6 : index
    %get3A_472 = arith.constant 0 : index
    %get3A_473 = vector.load %arg4[%get3A_471, %get3A_472] : memref<16x512xf32, #tpu.memory_space<vmem>>, vector<1x512xf32>
    %slice3A_474 = vector.extract_strided_slice %dot_general3A_426 {offsets = [192, 0], sizes = [32, 512], strides = [1, 1]} : vector<512x512xf32> to vector<32x512xf32>
    %mul3A_475 = vector.broadcast %get3A_473 : vector<1x512xf32> to vector<32x512xf32>
    %mul3A_476 = arith.mulf %mul3A_475, %slice3A_474 : vector<32x512xf32>
    %add3A_477 = arith.addf %add3A_470, %mul3A_476 : vector<32x512xf32>
    %get3A_478 = arith.constant 7 : index
    %get3A_479 = arith.constant 0 : index
    %get3A_480 = vector.load %arg4[%get3A_478, %get3A_479] : memref<16x512xf32, #tpu.memory_space<vmem>>, vector<1x512xf32>
    %slice3A_481 = vector.extract_strided_slice %dot_general3A_426 {offsets = [224, 0], sizes = [32, 512], strides = [1, 1]} : vector<512x512xf32> to vector<32x512xf32>
    %mul3A_482 = vector.broadcast %get3A_480 : vector<1x512xf32> to vector<32x512xf32>
    %mul3A_483 = arith.mulf %mul3A_482, %slice3A_481 : vector<32x512xf32>
    %add3A_484 = arith.addf %add3A_477, %mul3A_483 : vector<32x512xf32>
    %get3A_485 = arith.constant 8 : index
    %get3A_486 = arith.constant 0 : index
    %get3A_487 = vector.load %arg4[%get3A_485, %get3A_486] : memref<16x512xf32, #tpu.memory_space<vmem>>, vector<1x512xf32>
    %slice3A_488 = vector.extract_strided_slice %dot_general3A_426 {offsets = [256, 0], sizes = [32, 512], strides = [1, 1]} : vector<512x512xf32> to vector<32x512xf32>
    %mul3A_489 = vector.broadcast %get3A_487 : vector<1x512xf32> to vector<32x512xf32>
    %mul3A_490 = arith.mulf %mul3A_489, %slice3A_488 : vector<32x512xf32>
    %add3A_491 = arith.addf %add3A_484, %mul3A_490 : vector<32x512xf32>
    %get3A_492 = arith.constant 9 : index
    %get3A_493 = arith.constant 0 : index
    %get3A_494 = vector.load %arg4[%get3A_492, %get3A_493] : memref<16x512xf32, #tpu.memory_space<vmem>>, vector<1x512xf32>
    %slice3A_495 = vector.extract_strided_slice %dot_general3A_426 {offsets = [288, 0], sizes = [32, 512], strides = [1, 1]} : vector<512x512xf32> to vector<32x512xf32>
    %mul3A_496 = vector.broadcast %get3A_494 : vector<1x512xf32> to vector<32x512xf32>
    %mul3A_497 = arith.mulf %mul3A_496, %slice3A_495 : vector<32x512xf32>
    %add3A_498 = arith.addf %add3A_491, %mul3A_497 : vector<32x512xf32>
    %get3A_499 = arith.constant 10 : index
    %get3A_500 = arith.constant 0 : index
    %get3A_501 = vector.load %arg4[%get3A_499, %get3A_500] : memref<16x512xf32, #tpu.memory_space<vmem>>, vector<1x512xf32>
    %slice3A_502 = vector.extract_strided_slice %dot_general3A_426 {offsets = [320, 0], sizes = [32, 512], strides = [1, 1]} : vector<512x512xf32> to vector<32x512xf32>
    %mul3A_503 = vector.broadcast %get3A_501 : vector<1x512xf32> to vector<32x512xf32>
    %mul3A_504 = arith.mulf %mul3A_503, %slice3A_502 : vector<32x512xf32>
    %add3A_505 = arith.addf %add3A_498, %mul3A_504 : vector<32x512xf32>
    %get3A_506 = arith.constant 11 : index
    %get3A_507 = arith.constant 0 : index
    %get3A_508 = vector.load %arg4[%get3A_506, %get3A_507] : memref<16x512xf32, #tpu.memory_space<vmem>>, vector<1x512xf32>
    %slice3A_509 = vector.extract_strided_slice %dot_general3A_426 {offsets = [352, 0], sizes = [32, 512], strides = [1, 1]} : vector<512x512xf32> to vector<32x512xf32>
    %mul3A_510 = vector.broadcast %get3A_508 : vector<1x512xf32> to vector<32x512xf32>
    %mul3A_511 = arith.mulf %mul3A_510, %slice3A_509 : vector<32x512xf32>
    %add3A_512 = arith.addf %add3A_505, %mul3A_511 : vector<32x512xf32>
    %get3A_513 = arith.constant 12 : index
    %get3A_514 = arith.constant 0 : index
    %get3A_515 = vector.load %arg4[%get3A_513, %get3A_514] : memref<16x512xf32, #tpu.memory_space<vmem>>, vector<1x512xf32>
    %slice3A_516 = vector.extract_strided_slice %dot_general3A_426 {offsets = [384, 0], sizes = [32, 512], strides = [1, 1]} : vector<512x512xf32> to vector<32x512xf32>
    %mul3A_517 = vector.broadcast %get3A_515 : vector<1x512xf32> to vector<32x512xf32>
    %mul3A_518 = arith.mulf %mul3A_517, %slice3A_516 : vector<32x512xf32>
    %add3A_519 = arith.addf %add3A_512, %mul3A_518 : vector<32x512xf32>
    %get3A_520 = arith.constant 13 : index
    %get3A_521 = arith.constant 0 : index
    %get3A_522 = vector.load %arg4[%get3A_520, %get3A_521] : memref<16x512xf32, #tpu.memory_space<vmem>>, vector<1x512xf32>
    %slice3A_523 = vector.extract_strided_slice %dot_general3A_426 {offsets = [416, 0], sizes = [32, 512], strides = [1, 1]} : vector<512x512xf32> to vector<32x512xf32>
    %mul3A_524 = vector.broadcast %get3A_522 : vector<1x512xf32> to vector<32x512xf32>
    %mul3A_525 = arith.mulf %mul3A_524, %slice3A_523 : vector<32x512xf32>
    %add3A_526 = arith.addf %add3A_519, %mul3A_525 : vector<32x512xf32>
    %get3A_527 = arith.constant 14 : index
    %get3A_528 = arith.constant 0 : index
    %get3A_529 = vector.load %arg4[%get3A_527, %get3A_528] : memref<16x512xf32, #tpu.memory_space<vmem>>, vector<1x512xf32>
    %slice3A_530 = vector.extract_strided_slice %dot_general3A_426 {offsets = [448, 0], sizes = [32, 512], strides = [1, 1]} : vector<512x512xf32> to vector<32x512xf32>
    %mul3A_531 = vector.broadcast %get3A_529 : vector<1x512xf32> to vector<32x512xf32>
    %mul3A_532 = arith.mulf %mul3A_531, %slice3A_530 : vector<32x512xf32>
    %add3A_533 = arith.addf %add3A_526, %mul3A_532 : vector<32x512xf32>
    %get3A_534 = arith.constant 15 : index
    %get3A_535 = arith.constant 0 : index
    %get3A_536 = vector.load %arg4[%get3A_534, %get3A_535] : memref<16x512xf32, #tpu.memory_space<vmem>>, vector<1x512xf32>
    %slice3A_537 = vector.extract_strided_slice %dot_general3A_426 {offsets = [480, 0], sizes = [32, 512], strides = [1, 1]} : vector<512x512xf32> to vector<32x512xf32>
    %mul3A_538 = vector.broadcast %get3A_536 : vector<1x512xf32> to vector<32x512xf32>
    %mul3A_539 = arith.mulf %mul3A_538, %slice3A_537 : vector<32x512xf32>
    %add3A_540 = arith.addf %add3A_533, %mul3A_539 : vector<32x512xf32>
    %convert_element_type3A_541 = arith.truncf %add3A_540 : vector<32x512xf32> to vector<32x512xbf16>
    %swap3A_542 = arith.constant 96 : index
    %swap3A_543 = arith.constant 0 : index
    %swap3A_544 = vector.load %arg12[%swap3A_542, %swap3A_543] : memref<640x512xbf16, #tpu.memory_space<vmem>>, vector<32x512xbf16>
    tpu.vector_store %arg12[%swap3A_542, %swap3A_543], %convert_element_type3A_541 {strides = array<i32>} : memref<640x512xbf16, #tpu.memory_space<vmem>>, vector<32x512xbf16>,
    %slice3A_545 = vector.extract_strided_slice %get3A_38 {offsets = [128, 0], sizes = [32, 512], strides = [1, 1]} : vector<640x512xbf16> to vector<32x512xbf16>
    %slice3A_546 = vector.extract_strided_slice %convert_element_type3A_49 {offsets = [64, 0], sizes = [16, 512], strides = [1, 1]} : vector<320x512xbf16> to vector<16x512xbf16>
    %concatenate3A_547 = tpu.concatenate %slice3A_545, %slice3A_546 in 0 : vector<32x512xbf16>, vector<16x512xbf16> -> vector<48x512xbf16>
    %dot_general3A_548 = arith.constant dense<0.000000e+00> : vector<512x512xf32>
    %dot_general3A_549 = tpu.matmul %get3A_52, %concatenate3A_547, %dot_general3A_548 {dimension_numbers = #tpu.dot_dimension_numbers<[1], [0], [0], [1], [0, 0, 1, 1], [], []>, transpose_lhs_hint = false} : vector<512x48xbf16>, vector<48x512xbf16>, vector<512x512xf32> -> vector<512x512xf32>
    %broadcast_in_dim3A_550 = arith.constant 0.000000e+00 : f32
    %broadcast_in_dim3A_551 = vector.broadcast %broadcast_in_dim3A_550 : f32 to vector<32x512xf32>
    %get3A_552 = arith.constant 0 : index
    %get3A_553 = arith.constant 0 : index
    %get3A_554 = vector.load %arg4[%get3A_552, %get3A_553] : memref<16x512xf32, #tpu.memory_space<vmem>>, vector<1x512xf32>
    %slice3A_555 = vector.extract_strided_slice %dot_general3A_549 {offsets = [0, 0], sizes = [32, 512], strides = [1, 1]} : vector<512x512xf32> to vector<32x512xf32>
    %mul3A_556 = vector.broadcast %get3A_554 : vector<1x512xf32> to vector<32x512xf32>
    %mul3A_557 = arith.mulf %mul3A_556, %slice3A_555 : vector<32x512xf32>
    %add3A_558 = arith.addf %broadcast_in_dim3A_551, %mul3A_557 : vector<32x512xf32>
    %get3A_559 = arith.constant 1 : index
    %get3A_560 = arith.constant 0 : index
    %get3A_561 = vector.load %arg4[%get3A_559, %get3A_560] : memref<16x512xf32, #tpu.memory_space<vmem>>, vector<1x512xf32>
    %slice3A_562 = vector.extract_strided_slice %dot_general3A_549 {offsets = [32, 0], sizes = [32, 512], strides = [1, 1]} : vector<512x512xf32> to vector<32x512xf32>
    %mul3A_563 = vector.broadcast %get3A_561 : vector<1x512xf32> to vector<32x512xf32>
    %mul3A_564 = arith.mulf %mul3A_563, %slice3A_562 : vector<32x512xf32>
    %add3A_565 = arith.addf %add3A_558, %mul3A_564 : vector<32x512xf32>
    %get3A_566 = arith.constant 2 : index
    %get3A_567 = arith.constant 0 : index
    %get3A_568 = vector.load %arg4[%get3A_566, %get3A_567] : memref<16x512xf32, #tpu.memory_space<vmem>>, vector<1x512xf32>
    %slice3A_569 = vector.extract_strided_slice %dot_general3A_549 {offsets = [64, 0], sizes = [32, 512], strides = [1, 1]} : vector<512x512xf32> to vector<32x512xf32>
    %mul3A_570 = vector.broadcast %get3A_568 : vector<1x512xf32> to vector<32x512xf32>
    %mul3A_571 = arith.mulf %mul3A_570, %slice3A_569 : vector<32x512xf32>
    %add3A_572 = arith.addf %add3A_565, %mul3A_571 : vector<32x512xf32>
    %get3A_573 = arith.constant 3 : index
    %get3A_574 = arith.constant 0 : index
    %get3A_575 = vector.load %arg4[%get3A_573, %get3A_574] : memref<16x512xf32, #tpu.memory_space<vmem>>, vector<1x512xf32>
    %slice3A_576 = vector.extract_strided_slice %dot_general3A_549 {offsets = [96, 0], sizes = [32, 512], strides = [1, 1]} : vector<512x512xf32> to vector<32x512xf32>
    %mul3A_577 = vector.broadcast %get3A_575 : vector<1x512xf32> to vector<32x512xf32>
    %mul3A_578 = arith.mulf %mul3A_577, %slice3A_576 : vector<32x512xf32>
    %add3A_579 = arith.addf %add3A_572, %mul3A_578 : vector<32x512xf32>
    %get3A_580 = arith.constant 4 : index
    %get3A_581 = arith.constant 0 : index
    %get3A_582 = vector.load %arg4[%get3A_580, %get3A_581] : memref<16x512xf32, #tpu.memory_space<vmem>>, vector<1x512xf32>
    %slice3A_583 = vector.extract_strided_slice %dot_general3A_549 {offsets = [128, 0], sizes = [32, 512], strides = [1, 1]} : vector<512x512xf32> to vector<32x512xf32>
    %mul3A_584 = vector.broadcast %get3A_582 : vector<1x512xf32> to vector<32x512xf32>
    %mul3A_585 = arith.mulf %mul3A_584, %slice3A_583 : vector<32x512xf32>
    %add3A_586 = arith.addf %add3A_579, %mul3A_585 : vector<32x512xf32>
    %get3A_587 = arith.constant 5 : index
    %get3A_588 = arith.constant 0 : index
    %get3A_589 = vector.load %arg4[%get3A_587, %get3A_588] : memref<16x512xf32, #tpu.memory_space<vmem>>, vector<1x512xf32>
    %slice3A_590 = vector.extract_strided_slice %dot_general3A_549 {offsets = [160, 0], sizes = [32, 512], strides = [1, 1]} : vector<512x512xf32> to vector<32x512xf32>
    %mul3A_591 = vector.broadcast %get3A_589 : vector<1x512xf32> to vector<32x512xf32>
    %mul3A_592 = arith.mulf %mul3A_591, %slice3A_590 : vector<32x512xf32>
    %add3A_593 = arith.addf %add3A_586, %mul3A_592 : vector<32x512xf32>
    %get3A_594 = arith.constant 6 : index
    %get3A_595 = arith.constant 0 : index
    %get3A_596 = vector.load %arg4[%get3A_594, %get3A_595] : memref<16x512xf32, #tpu.memory_space<vmem>>, vector<1x512xf32>
    %slice3A_597 = vector.extract_strided_slice %dot_general3A_549 {offsets = [192, 0], sizes = [32, 512], strides = [1, 1]} : vector<512x512xf32> to vector<32x512xf32>
    %mul3A_598 = vector.broadcast %get3A_596 : vector<1x512xf32> to vector<32x512xf32>
    %mul3A_599 = arith.mulf %mul3A_598, %slice3A_597 : vector<32x512xf32>
    %add3A_600 = arith.addf %add3A_593, %mul3A_599 : vector<32x512xf32>
    %get3A_601 = arith.constant 7 : index
    %get3A_602 = arith.constant 0 : index
    %get3A_603 = vector.load %arg4[%get3A_601, %get3A_602] : memref<16x512xf32, #tpu.memory_space<vmem>>, vector<1x512xf32>
    %slice3A_604 = vector.extract_strided_slice %dot_general3A_549 {offsets = [224, 0], sizes = [32, 512], strides = [1, 1]} : vector<512x512xf32> to vector<32x512xf32>
    %mul3A_605 = vector.broadcast %get3A_603 : vector<1x512xf32> to vector<32x512xf32>
    %mul3A_606 = arith.mulf %mul3A_605, %slice3A_604 : vector<32x512xf32>
    %add3A_607 = arith.addf %add3A_600, %mul3A_606 : vector<32x512xf32>
    %get3A_608 = arith.constant 8 : index
    %get3A_609 = arith.constant 0 : index
    %get3A_610 = vector.load %arg4[%get3A_608, %get3A_609] : memref<16x512xf32, #tpu.memory_space<vmem>>, vector<1x512xf32>
    %slice3A_611 = vector.extract_strided_slice %dot_general3A_549 {offsets = [256, 0], sizes = [32, 512], strides = [1, 1]} : vector<512x512xf32> to vector<32x512xf32>
    %mul3A_612 = vector.broadcast %get3A_610 : vector<1x512xf32> to vector<32x512xf32>
    %mul3A_613 = arith.mulf %mul3A_612, %slice3A_611 : vector<32x512xf32>
    %add3A_614 = arith.addf %add3A_607, %mul3A_613 : vector<32x512xf32>
    %get3A_615 = arith.constant 9 : index
    %get3A_616 = arith.constant 0 : index
    %get3A_617 = vector.load %arg4[%get3A_615, %get3A_616] : memref<16x512xf32, #tpu.memory_space<vmem>>, vector<1x512xf32>
    %slice3A_618 = vector.extract_strided_slice %dot_general3A_549 {offsets = [288, 0], sizes = [32, 512], strides = [1, 1]} : vector<512x512xf32> to vector<32x512xf32>
    %mul3A_619 = vector.broadcast %get3A_617 : vector<1x512xf32> to vector<32x512xf32>
    %mul3A_620 = arith.mulf %mul3A_619, %slice3A_618 : vector<32x512xf32>
    %add3A_621 = arith.addf %add3A_614, %mul3A_620 : vector<32x512xf32>
    %get3A_622 = arith.constant 10 : index
    %get3A_623 = arith.constant 0 : index
    %get3A_624 = vector.load %arg4[%get3A_622, %get3A_623] : memref<16x512xf32, #tpu.memory_space<vmem>>, vector<1x512xf32>
    %slice3A_625 = vector.extract_strided_slice %dot_general3A_549 {offsets = [320, 0], sizes = [32, 512], strides = [1, 1]} : vector<512x512xf32> to vector<32x512xf32>
    %mul3A_626 = vector.broadcast %get3A_624 : vector<1x512xf32> to vector<32x512xf32>
    %mul3A_627 = arith.mulf %mul3A_626, %slice3A_625 : vector<32x512xf32>
    %add3A_628 = arith.addf %add3A_621, %mul3A_627 : vector<32x512xf32>
    %get3A_629 = arith.constant 11 : index
    %get3A_630 = arith.constant 0 : index
    %get3A_631 = vector.load %arg4[%get3A_629, %get3A_630] : memref<16x512xf32, #tpu.memory_space<vmem>>, vector<1x512xf32>
    %slice3A_632 = vector.extract_strided_slice %dot_general3A_549 {offsets = [352, 0], sizes = [32, 512], strides = [1, 1]} : vector<512x512xf32> to vector<32x512xf32>
    %mul3A_633 = vector.broadcast %get3A_631 : vector<1x512xf32> to vector<32x512xf32>
    %mul3A_634 = arith.mulf %mul3A_633, %slice3A_632 : vector<32x512xf32>
    %add3A_635 = arith.addf %add3A_628, %mul3A_634 : vector<32x512xf32>
    %get3A_636 = arith.constant 12 : index
    %get3A_637 = arith.constant 0 : index
    %get3A_638 = vector.load %arg4[%get3A_636, %get3A_637] : memref<16x512xf32, #tpu.memory_space<vmem>>, vector<1x512xf32>
    %slice3A_639 = vector.extract_strided_slice %dot_general3A_549 {offsets = [384, 0], sizes = [32, 512], strides = [1, 1]} : vector<512x512xf32> to vector<32x512xf32>
    %mul3A_640 = vector.broadcast %get3A_638 : vector<1x512xf32> to vector<32x512xf32>
    %mul3A_641 = arith.mulf %mul3A_640, %slice3A_639 : vector<32x512xf32>
    %add3A_642 = arith.addf %add3A_635, %mul3A_641 : vector<32x512xf32>
    %get3A_643 = arith.constant 13 : index
    %get3A_644 = arith.constant 0 : index
    %get3A_645 = vector.load %arg4[%get3A_643, %get3A_644] : memref<16x512xf32, #tpu.memory_space<vmem>>, vector<1x512xf32>
    %slice3A_646 = vector.extract_strided_slice %dot_general3A_549 {offsets = [416, 0], sizes = [32, 512], strides = [1, 1]} : vector<512x512xf32> to vector<32x512xf32>
    %mul3A_647 = vector.broadcast %get3A_645 : vector<1x512xf32> to vector<32x512xf32>
    %mul3A_648 = arith.mulf %mul3A_647, %slice3A_646 : vector<32x512xf32>
    %add3A_649 = arith.addf %add3A_642, %mul3A_648 : vector<32x512xf32>
    %get3A_650 = arith.constant 14 : index
    %get3A_651 = arith.constant 0 : index
    %get3A_652 = vector.load %arg4[%get3A_650, %get3A_651] : memref<16x512xf32, #tpu.memory_space<vmem>>, vector<1x512xf32>
    %slice3A_653 = vector.extract_strided_slice %dot_general3A_549 {offsets = [448, 0], sizes = [32, 512], strides = [1, 1]} : vector<512x512xf32> to vector<32x512xf32>
    %mul3A_654 = vector.broadcast %get3A_652 : vector<1x512xf32> to vector<32x512xf32>
    %mul3A_655 = arith.mulf %mul3A_654, %slice3A_653 : vector<32x512xf32>
    %add3A_656 = arith.addf %add3A_649, %mul3A_655 : vector<32x512xf32>
    %get3A_657 = arith.constant 15 : index
    %get3A_658 = arith.constant 0 : index
    %get3A_659 = vector.load %arg4[%get3A_657, %get3A_658] : memref<16x512xf32, #tpu.memory_space<vmem>>, vector<1x512xf32>
    %slice3A_660 = vector.extract_strided_slice %dot_general3A_549 {offsets = [480, 0], sizes = [32, 512], strides = [1, 1]} : vector<512x512xf32> to vector<32x512xf32>
    %mul3A_661 = vector.broadcast %get3A_659 : vector<1x512xf32> to vector<32x512xf32>
    %mul3A_662 = arith.mulf %mul3A_661, %slice3A_660 : vector<32x512xf32>
    %add3A_663 = arith.addf %add3A_656, %mul3A_662 : vector<32x512xf32>
    %convert_element_type3A_664 = arith.truncf %add3A_663 : vector<32x512xf32> to vector<32x512xbf16>
    %swap3A_665 = arith.constant 128 : index
    %swap3A_666 = arith.constant 0 : index
    %swap3A_667 = vector.load %arg12[%swap3A_665, %swap3A_666] : memref<640x512xbf16, #tpu.memory_space<vmem>>, vector<32x512xbf16>
    tpu.vector_store %arg12[%swap3A_665, %swap3A_666], %convert_element_type3A_664 {strides = array<i32>} : memref<640x512xbf16, #tpu.memory_space<vmem>>, vector<32x512xbf16>,
    %slice3A_668 = vector.extract_strided_slice %get3A_38 {offsets = [160, 0], sizes = [32, 512], strides = [1, 1]} : vector<640x512xbf16> to vector<32x512xbf16>
    %slice3A_669 = vector.extract_strided_slice %convert_element_type3A_49 {offsets = [80, 0], sizes = [16, 512], strides = [1, 1]} : vector<320x512xbf16> to vector<16x512xbf16>
    %concatenate3A_670 = tpu.concatenate %slice3A_668, %slice3A_669 in 0 : vector<32x512xbf16>, vector<16x512xbf16> -> vector<48x512xbf16>
    %dot_general3A_671 = arith.constant dense<0.000000e+00> : vector<512x512xf32>
    %dot_general3A_672 = tpu.matmul %get3A_52, %concatenate3A_670, %dot_general3A_671 {dimension_numbers = #tpu.dot_dimension_numbers<[1], [0], [0], [1], [0, 0, 1, 1], [], []>, transpose_lhs_hint = false} : vector<512x48xbf16>, vector<48x512xbf16>, vector<512x512xf32> -> vector<512x512xf32>
    %broadcast_in_dim3A_673 = arith.constant 0.000000e+00 : f32
    %broadcast_in_dim3A_674 = vector.broadcast %broadcast_in_dim3A_673 : f32 to vector<32x512xf32>
    %get3A_675 = arith.constant 0 : index
    %get3A_676 = arith.constant 0 : index
    %get3A_677 = vector.load %arg4[%get3A_675, %get3A_676] : memref<16x512xf32, #tpu.memory_space<vmem>>, vector<1x512xf32>
    %slice3A_678 = vector.extract_strided_slice %dot_general3A_672 {offsets = [0, 0], sizes = [32, 512], strides = [1, 1]} : vector<512x512xf32> to vector<32x512xf32>
    %mul3A_679 = vector.broadcast %get3A_677 : vector<1x512xf32> to vector<32x512xf32>
    %mul3A_680 = arith.mulf %mul3A_679, %slice3A_678 : vector<32x512xf32>
    %add3A_681 = arith.addf %broadcast_in_dim3A_674, %mul3A_680 : vector<32x512xf32>
    %get3A_682 = arith.constant 1 : index
    %get3A_683 = arith.constant 0 : index
    %get3A_684 = vector.load %arg4[%get3A_682, %get3A_683] : memref<16x512xf32, #tpu.memory_space<vmem>>, vector<1x512xf32>
    %slice3A_685 = vector.extract_strided_slice %dot_general3A_672 {offsets = [32, 0], sizes = [32, 512], strides = [1, 1]} : vector<512x512xf32> to vector<32x512xf32>
    %mul3A_686 = vector.broadcast %get3A_684 : vector<1x512xf32> to vector<32x512xf32>
    %mul3A_687 = arith.mulf %mul3A_686, %slice3A_685 : vector<32x512xf32>
    %add3A_688 = arith.addf %add3A_681, %mul3A_687 : vector<32x512xf32>
    %get3A_689 = arith.constant 2 : index
    %get3A_690 = arith.constant 0 : index
    %get3A_691 = vector.load %arg4[%get3A_689, %get3A_690] : memref<16x512xf32, #tpu.memory_space<vmem>>, vector<1x512xf32>
    %slice3A_692 = vector.extract_strided_slice %dot_general3A_672 {offsets = [64, 0], sizes = [32, 512], strides = [1, 1]} : vector<512x512xf32> to vector<32x512xf32>
    %mul3A_693 = vector.broadcast %get3A_691 : vector<1x512xf32> to vector<32x512xf32>
    %mul3A_694 = arith.mulf %mul3A_693, %slice3A_692 : vector<32x512xf32>
    %add3A_695 = arith.addf %add3A_688, %mul3A_694 : vector<32x512xf32>
    %get3A_696 = arith.constant 3 : index
    %get3A_697 = arith.constant 0 : index
    %get3A_698 = vector.load %arg4[%get3A_696, %get3A_697] : memref<16x512xf32, #tpu.memory_space<vmem>>, vector<1x512xf32>
    %slice3A_699 = vector.extract_strided_slice %dot_general3A_672 {offsets = [96, 0], sizes = [32, 512], strides = [1, 1]} : vector<512x512xf32> to vector<32x512xf32>
    %mul3A_700 = vector.broadcast %get3A_698 : vector<1x512xf32> to vector<32x512xf32>
    %mul3A_701 = arith.mulf %mul3A_700, %slice3A_699 : vector<32x512xf32>
    %add3A_702 = arith.addf %add3A_695, %mul3A_701 : vector<32x512xf32>
    %get3A_703 = arith.constant 4 : index
    %get3A_704 = arith.constant 0 : index
    %get3A_705 = vector.load %arg4[%get3A_703, %get3A_704] : memref<16x512xf32, #tpu.memory_space<vmem>>, vector<1x512xf32>
    %slice3A_706 = vector.extract_strided_slice %dot_general3A_672 {offsets = [128, 0], sizes = [32, 512], strides = [1, 1]} : vector<512x512xf32> to vector<32x512xf32>
    %mul3A_707 = vector.broadcast %get3A_705 : vector<1x512xf32> to vector<32x512xf32>
    %mul3A_708 = arith.mulf %mul3A_707, %slice3A_706 : vector<32x512xf32>
    %add3A_709 = arith.addf %add3A_702, %mul3A_708 : vector<32x512xf32>
    %get3A_710 = arith.constant 5 : index
    %get3A_711 = arith.constant 0 : index
    %get3A_712 = vector.load %arg4[%get3A_710, %get3A_711] : memref<16x512xf32, #tpu.memory_space<vmem>>, vector<1x512xf32>
    %slice3A_713 = vector.extract_strided_slice %dot_general3A_672 {offsets = [160, 0], sizes = [32, 512], strides = [1, 1]} : vector<512x512xf32> to vector<32x512xf32>
    %mul3A_714 = vector.broadcast %get3A_712 : vector<1x512xf32> to vector<32x512xf32>
    %mul3A_715 = arith.mulf %mul3A_714, %slice3A_713 : vector<32x512xf32>
    %add3A_716 = arith.addf %add3A_709, %mul3A_715 : vector<32x512xf32>
    %get3A_717 = arith.constant 6 : index
    %get3A_718 = arith.constant 0 : index
    %get3A_719 = vector.load %arg4[%get3A_717, %get3A_718] : memref<16x512xf32, #tpu.memory_space<vmem>>, vector<1x512xf32>
    %slice3A_720 = vector.extract_strided_slice %dot_general3A_672 {offsets = [192, 0], sizes = [32, 512], strides = [1, 1]} : vector<512x512xf32> to vector<32x512xf32>
    %mul3A_721 = vector.broadcast %get3A_719 : vector<1x512xf32> to vector<32x512xf32>
    %mul3A_722 = arith.mulf %mul3A_721, %slice3A_720 : vector<32x512xf32>
    %add3A_723 = arith.addf %add3A_716, %mul3A_722 : vector<32x512xf32>
    %get3A_724 = arith.constant 7 : index
    %get3A_725 = arith.constant 0 : index
    %get3A_726 = vector.load %arg4[%get3A_724, %get3A_725] : memref<16x512xf32, #tpu.memory_space<vmem>>, vector<1x512xf32>
    %slice3A_727 = vector.extract_strided_slice %dot_general3A_672 {offsets = [224, 0], sizes = [32, 512], strides = [1, 1]} : vector<512x512xf32> to vector<32x512xf32>
    %mul3A_728 = vector.broadcast %get3A_726 : vector<1x512xf32> to vector<32x512xf32>
    %mul3A_729 = arith.mulf %mul3A_728, %slice3A_727 : vector<32x512xf32>
    %add3A_730 = arith.addf %add3A_723, %mul3A_729 : vector<32x512xf32>
    %get3A_731 = arith.constant 8 : index
    %get3A_732 = arith.constant 0 : index
    %get3A_733 = vector.load %arg4[%get3A_731, %get3A_732] : memref<16x512xf32, #tpu.memory_space<vmem>>, vector<1x512xf32>
    %slice3A_734 = vector.extract_strided_slice %dot_general3A_672 {offsets = [256, 0], sizes = [32, 512], strides = [1, 1]} : vector<512x512xf32> to vector<32x512xf32>
    %mul3A_735 = vector.broadcast %get3A_733 : vector<1x512xf32> to vector<32x512xf32>
    %mul3A_736 = arith.mulf %mul3A_735, %slice3A_734 : vector<32x512xf32>
    %add3A_737 = arith.addf %add3A_730, %mul3A_736 : vector<32x512xf32>
    %get3A_738 = arith.constant 9 : index
    %get3A_739 = arith.constant 0 : index
    %get3A_740 = vector.load %arg4[%get3A_738, %get3A_739] : memref<16x512xf32, #tpu.memory_space<vmem>>, vector<1x512xf32>
    %slice3A_741 = vector.extract_strided_slice %dot_general3A_672 {offsets = [288, 0], sizes = [32, 512], strides = [1, 1]} : vector<512x512xf32> to vector<32x512xf32>
    %mul3A_742 = vector.broadcast %get3A_740 : vector<1x512xf32> to vector<32x512xf32>
    %mul3A_743 = arith.mulf %mul3A_742, %slice3A_741 : vector<32x512xf32>
    %add3A_744 = arith.addf %add3A_737, %mul3A_743 : vector<32x512xf32>
    %get3A_745 = arith.constant 10 : index
    %get3A_746 = arith.constant 0 : index
    %get3A_747 = vector.load %arg4[%get3A_745, %get3A_746] : memref<16x512xf32, #tpu.memory_space<vmem>>, vector<1x512xf32>
    %slice3A_748 = vector.extract_strided_slice %dot_general3A_672 {offsets = [320, 0], sizes = [32, 512], strides = [1, 1]} : vector<512x512xf32> to vector<32x512xf32>
    %mul3A_749 = vector.broadcast %get3A_747 : vector<1x512xf32> to vector<32x512xf32>
    %mul3A_750 = arith.mulf %mul3A_749, %slice3A_748 : vector<32x512xf32>
    %add3A_751 = arith.addf %add3A_744, %mul3A_750 : vector<32x512xf32>
    %get3A_752 = arith.constant 11 : index
    %get3A_753 = arith.constant 0 : index
    %get3A_754 = vector.load %arg4[%get3A_752, %get3A_753] : memref<16x512xf32, #tpu.memory_space<vmem>>, vector<1x512xf32>
    %slice3A_755 = vector.extract_strided_slice %dot_general3A_672 {offsets = [352, 0], sizes = [32, 512], strides = [1, 1]} : vector<512x512xf32> to vector<32x512xf32>
    %mul3A_756 = vector.broadcast %get3A_754 : vector<1x512xf32> to vector<32x512xf32>
    %mul3A_757 = arith.mulf %mul3A_756, %slice3A_755 : vector<32x512xf32>
    %add3A_758 = arith.addf %add3A_751, %mul3A_757 : vector<32x512xf32>
    %get3A_759 = arith.constant 12 : index
    %get3A_760 = arith.constant 0 : index
    %get3A_761 = vector.load %arg4[%get3A_759, %get3A_760] : memref<16x512xf32, #tpu.memory_space<vmem>>, vector<1x512xf32>
    %slice3A_762 = vector.extract_strided_slice %dot_general3A_672 {offsets = [384, 0], sizes = [32, 512], strides = [1, 1]} : vector<512x512xf32> to vector<32x512xf32>
    %mul3A_763 = vector.broadcast %get3A_761 : vector<1x512xf32> to vector<32x512xf32>
    %mul3A_764 = arith.mulf %mul3A_763, %slice3A_762 : vector<32x512xf32>
    %add3A_765 = arith.addf %add3A_758, %mul3A_764 : vector<32x512xf32>
    %get3A_766 = arith.constant 13 : index
    %get3A_767 = arith.constant 0 : index
    %get3A_768 = vector.load %arg4[%get3A_766, %get3A_767] : memref<16x512xf32, #tpu.memory_space<vmem>>, vector<1x512xf32>
    %slice3A_769 = vector.extract_strided_slice %dot_general3A_672 {offsets = [416, 0], sizes = [32, 512], strides = [1, 1]} : vector<512x512xf32> to vector<32x512xf32>
    %mul3A_770 = vector.broadcast %get3A_768 : vector<1x512xf32> to vector<32x512xf32>
    %mul3A_771 = arith.mulf %mul3A_770, %slice3A_769 : vector<32x512xf32>
    %add3A_772 = arith.addf %add3A_765, %mul3A_771 : vector<32x512xf32>
    %get3A_773 = arith.constant 14 : index
    %get3A_774 = arith.constant 0 : index
    %get3A_775 = vector.load %arg4[%get3A_773, %get3A_774] : memref<16x512xf32, #tpu.memory_space<vmem>>, vector<1x512xf32>
    %slice3A_776 = vector.extract_strided_slice %dot_general3A_672 {offsets = [448, 0], sizes = [32, 512], strides = [1, 1]} : vector<512x512xf32> to vector<32x512xf32>
    %mul3A_777 = vector.broadcast %get3A_775 : vector<1x512xf32> to vector<32x512xf32>
    %mul3A_778 = arith.mulf %mul3A_777, %slice3A_776 : vector<32x512xf32>
    %add3A_779 = arith.addf %add3A_772, %mul3A_778 : vector<32x512xf32>
    %get3A_780 = arith.constant 15 : index
    %get3A_781 = arith.constant 0 : index
    %get3A_782 = vector.load %arg4[%get3A_780, %get3A_781] : memref<16x512xf32, #tpu.memory_space<vmem>>, vector<1x512xf32>
    %slice3A_783 = vector.extract_strided_slice %dot_general3A_672 {offsets = [480, 0], sizes = [32, 512], strides = [1, 1]} : vector<512x512xf32> to vector<32x512xf32>
    %mul3A_784 = vector.broadcast %get3A_782 : vector<1x512xf32> to vector<32x512xf32>
    %mul3A_785 = arith.mulf %mul3A_784, %slice3A_783 : vector<32x512xf32>
    %add3A_786 = arith.addf %add3A_779, %mul3A_785 : vector<32x512xf32>
    %convert_element_type3A_787 = arith.truncf %add3A_786 : vector<32x512xf32> to vector<32x512xbf16>
    %swap3A_788 = arith.constant 160 : index
    %swap3A_789 = arith.constant 0 : index
    %swap3A_790 = vector.load %arg12[%swap3A_788, %swap3A_789] : memref<640x512xbf16, #tpu.memory_space<vmem>>, vector<32x512xbf16>
    tpu.vector_store %arg12[%swap3A_788, %swap3A_789], %convert_element_type3A_787 {strides = array<i32>} : memref<640x512xbf16, #tpu.memory_space<vmem>>, vector<32x512xbf16>,
    %slice3A_791 = vector.extract_strided_slice %get3A_38 {offsets = [192, 0], sizes = [32, 512], strides = [1, 1]} : vector<640x512xbf16> to vector<32x512xbf16>
    %slice3A_792 = vector.extract_strided_slice %convert_element_type3A_49 {offsets = [96, 0], sizes = [16, 512], strides = [1, 1]} : vector<320x512xbf16> to vector<16x512xbf16>
    %concatenate3A_793 = tpu.concatenate %slice3A_791, %slice3A_792 in 0 : vector<32x512xbf16>, vector<16x512xbf16> -> vector<48x512xbf16>
    %dot_general3A_794 = arith.constant dense<0.000000e+00> : vector<512x512xf32>
    %dot_general3A_795 = tpu.matmul %get3A_52, %concatenate3A_793, %dot_general3A_794 {dimension_numbers = #tpu.dot_dimension_numbers<[1], [0], [0], [1], [0, 0, 1, 1], [], []>, transpose_lhs_hint = false} : vector<512x48xbf16>, vector<48x512xbf16>, vector<512x512xf32> -> vector<512x512xf32>
    %broadcast_in_dim3A_796 = arith.constant 0.000000e+00 : f32
    %broadcast_in_dim3A_797 = vector.broadcast %broadcast_in_dim3A_796 : f32 to vector<32x512xf32>
    %get3A_798 = arith.constant 0 : index
    %get3A_799 = arith.constant 0 : index
    %get3A_800 = vector.load %arg4[%get3A_798, %get3A_799] : memref<16x512xf32, #tpu.memory_space<vmem>>, vector<1x512xf32>
    %slice3A_801 = vector.extract_strided_slice %dot_general3A_795 {offsets = [0, 0], sizes = [32, 512], strides = [1, 1]} : vector<512x512xf32> to vector<32x512xf32>
    %mul3A_802 = vector.broadcast %get3A_800 : vector<1x512xf32> to vector<32x512xf32>
    %mul3A_803 = arith.mulf %mul3A_802, %slice3A_801 : vector<32x512xf32>
    %add3A_804 = arith.addf %broadcast_in_dim3A_797, %mul3A_803 : vector<32x512xf32>
    %get3A_805 = arith.constant 1 : index
    %get3A_806 = arith.constant 0 : index
    %get3A_807 = vector.load %arg4[%get3A_805, %get3A_806] : memref<16x512xf32, #tpu.memory_space<vmem>>, vector<1x512xf32>
    %slice3A_808 = vector.extract_strided_slice %dot_general3A_795 {offsets = [32, 0], sizes = [32, 512], strides = [1, 1]} : vector<512x512xf32> to vector<32x512xf32>
    %mul3A_809 = vector.broadcast %get3A_807 : vector<1x512xf32> to vector<32x512xf32>
    %mul3A_810 = arith.mulf %mul3A_809, %slice3A_808 : vector<32x512xf32>
    %add3A_811 = arith.addf %add3A_804, %mul3A_810 : vector<32x512xf32>
    %get3A_812 = arith.constant 2 : index
    %get3A_813 = arith.constant 0 : index
    %get3A_814 = vector.load %arg4[%get3A_812, %get3A_813] : memref<16x512xf32, #tpu.memory_space<vmem>>, vector<1x512xf32>
    %slice3A_815 = vector.extract_strided_slice %dot_general3A_795 {offsets = [64, 0], sizes = [32, 512], strides = [1, 1]} : vector<512x512xf32> to vector<32x512xf32>
    %mul3A_816 = vector.broadcast %get3A_814 : vector<1x512xf32> to vector<32x512xf32>
    %mul3A_817 = arith.mulf %mul3A_816, %slice3A_815 : vector<32x512xf32>
    %add3A_818 = arith.addf %add3A_811, %mul3A_817 : vector<32x512xf32>
    %get3A_819 = arith.constant 3 : index
    %get3A_820 = arith.constant 0 : index
    %get3A_821 = vector.load %arg4[%get3A_819, %get3A_820] : memref<16x512xf32, #tpu.memory_space<vmem>>, vector<1x512xf32>
    %slice3A_822 = vector.extract_strided_slice %dot_general3A_795 {offsets = [96, 0], sizes = [32, 512], strides = [1, 1]} : vector<512x512xf32> to vector<32x512xf32>
    %mul3A_823 = vector.broadcast %get3A_821 : vector<1x512xf32> to vector<32x512xf32>
    %mul3A_824 = arith.mulf %mul3A_823, %slice3A_822 : vector<32x512xf32>
    %add3A_825 = arith.addf %add3A_818, %mul3A_824 : vector<32x512xf32>
    %get3A_826 = arith.constant 4 : index
    %get3A_827 = arith.constant 0 : index
    %get3A_828 = vector.load %arg4[%get3A_826, %get3A_827] : memref<16x512xf32, #tpu.memory_space<vmem>>, vector<1x512xf32>
    %slice3A_829 = vector.extract_strided_slice %dot_general3A_795 {offsets = [128, 0], sizes = [32, 512], strides = [1, 1]} : vector<512x512xf32> to vector<32x512xf32>
    %mul3A_830 = vector.broadcast %get3A_828 : vector<1x512xf32> to vector<32x512xf32>
    %mul3A_831 = arith.mulf %mul3A_830, %slice3A_829 : vector<32x512xf32>
    %add3A_832 = arith.addf %add3A_825, %mul3A_831 : vector<32x512xf32>
    %get3A_833 = arith.constant 5 : index
    %get3A_834 = arith.constant 0 : index
    %get3A_835 = vector.load %arg4[%get3A_833, %get3A_834] : memref<16x512xf32, #tpu.memory_space<vmem>>, vector<1x512xf32>
    %slice3A_836 = vector.extract_strided_slice %dot_general3A_795 {offsets = [160, 0], sizes = [32, 512], strides = [1, 1]} : vector<512x512xf32> to vector<32x512xf32>
    %mul3A_837 = vector.broadcast %get3A_835 : vector<1x512xf32> to vector<32x512xf32>
    %mul3A_838 = arith.mulf %mul3A_837, %slice3A_836 : vector<32x512xf32>
    %add3A_839 = arith.addf %add3A_832, %mul3A_838 : vector<32x512xf32>
    %get3A_840 = arith.constant 6 : index
    %get3A_841 = arith.constant 0 : index
    %get3A_842 = vector.load %arg4[%get3A_840, %get3A_841] : memref<16x512xf32, #tpu.memory_space<vmem>>, vector<1x512xf32>
    %slice3A_843 = vector.extract_strided_slice %dot_general3A_795 {offsets = [192, 0], sizes = [32, 512], strides = [1, 1]} : vector<512x512xf32> to vector<32x512xf32>
    %mul3A_844 = vector.broadcast %get3A_842 : vector<1x512xf32> to vector<32x512xf32>
    %mul3A_845 = arith.mulf %mul3A_844, %slice3A_843 : vector<32x512xf32>
    %add3A_846 = arith.addf %add3A_839, %mul3A_845 : vector<32x512xf32>
    %get3A_847 = arith.constant 7 : index
    %get3A_848 = arith.constant 0 : index
    %get3A_849 = vector.load %arg4[%get3A_847, %get3A_848] : memref<16x512xf32, #tpu.memory_space<vmem>>, vector<1x512xf32>
    %slice3A_850 = vector.extract_strided_slice %dot_general3A_795 {offsets = [224, 0], sizes = [32, 512], strides = [1, 1]} : vector<512x512xf32> to vector<32x512xf32>
    %mul3A_851 = vector.broadcast %get3A_849 : vector<1x512xf32> to vector<32x512xf32>
    %mul3A_852 = arith.mulf %mul3A_851, %slice3A_850 : vector<32x512xf32>
    %add3A_853 = arith.addf %add3A_846, %mul3A_852 : vector<32x512xf32>
    %get3A_854 = arith.constant 8 : index
    %get3A_855 = arith.constant 0 : index
    %get3A_856 = vector.load %arg4[%get3A_854, %get3A_855] : memref<16x512xf32, #tpu.memory_space<vmem>>, vector<1x512xf32>
    %slice3A_857 = vector.extract_strided_slice %dot_general3A_795 {offsets = [256, 0], sizes = [32, 512], strides = [1, 1]} : vector<512x512xf32> to vector<32x512xf32>
    %mul3A_858 = vector.broadcast %get3A_856 : vector<1x512xf32> to vector<32x512xf32>
    %mul3A_859 = arith.mulf %mul3A_858, %slice3A_857 : vector<32x512xf32>
    %add3A_860 = arith.addf %add3A_853, %mul3A_859 : vector<32x512xf32>
    %get3A_861 = arith.constant 9 : index
    %get3A_862 = arith.constant 0 : index
    %get3A_863 = vector.load %arg4[%get3A_861, %get3A_862] : memref<16x512xf32, #tpu.memory_space<vmem>>, vector<1x512xf32>
    %slice3A_864 = vector.extract_strided_slice %dot_general3A_795 {offsets = [288, 0], sizes = [32, 512], strides = [1, 1]} : vector<512x512xf32> to vector<32x512xf32>
    %mul3A_865 = vector.broadcast %get3A_863 : vector<1x512xf32> to vector<32x512xf32>
    %mul3A_866 = arith.mulf %mul3A_865, %slice3A_864 : vector<32x512xf32>
    %add3A_867 = arith.addf %add3A_860, %mul3A_866 : vector<32x512xf32>
    %get3A_868 = arith.constant 10 : index
    %get3A_869 = arith.constant 0 : index
    %get3A_870 = vector.load %arg4[%get3A_868, %get3A_869] : memref<16x512xf32, #tpu.memory_space<vmem>>, vector<1x512xf32>
    %slice3A_871 = vector.extract_strided_slice %dot_general3A_795 {offsets = [320, 0], sizes = [32, 512], strides = [1, 1]} : vector<512x512xf32> to vector<32x512xf32>
    %mul3A_872 = vector.broadcast %get3A_870 : vector<1x512xf32> to vector<32x512xf32>
    %mul3A_873 = arith.mulf %mul3A_872, %slice3A_871 : vector<32x512xf32>
    %add3A_874 = arith.addf %add3A_867, %mul3A_873 : vector<32x512xf32>
    %get3A_875 = arith.constant 11 : index
    %get3A_876 = arith.constant 0 : index
    %get3A_877 = vector.load %arg4[%get3A_875, %get3A_876] : memref<16x512xf32, #tpu.memory_space<vmem>>, vector<1x512xf32>
    %slice3A_878 = vector.extract_strided_slice %dot_general3A_795 {offsets = [352, 0], sizes = [32, 512], strides = [1, 1]} : vector<512x512xf32> to vector<32x512xf32>
    %mul3A_879 = vector.broadcast %get3A_877 : vector<1x512xf32> to vector<32x512xf32>
    %mul3A_880 = arith.mulf %mul3A_879, %slice3A_878 : vector<32x512xf32>
    %add3A_881 = arith.addf %add3A_874, %mul3A_880 : vector<32x512xf32>
    %get3A_882 = arith.constant 12 : index
    %get3A_883 = arith.constant 0 : index
    %get3A_884 = vector.load %arg4[%get3A_882, %get3A_883] : memref<16x512xf32, #tpu.memory_space<vmem>>, vector<1x512xf32>
    %slice3A_885 = vector.extract_strided_slice %dot_general3A_795 {offsets = [384, 0], sizes = [32, 512], strides = [1, 1]} : vector<512x512xf32> to vector<32x512xf32>
    %mul3A_886 = vector.broadcast %get3A_884 : vector<1x512xf32> to vector<32x512xf32>
    %mul3A_887 = arith.mulf %mul3A_886, %slice3A_885 : vector<32x512xf32>
    %add3A_888 = arith.addf %add3A_881, %mul3A_887 : vector<32x512xf32>
    %get3A_889 = arith.constant 13 : index
    %get3A_890 = arith.constant 0 : index
    %get3A_891 = vector.load %arg4[%get3A_889, %get3A_890] : memref<16x512xf32, #tpu.memory_space<vmem>>, vector<1x512xf32>
    %slice3A_892 = vector.extract_strided_slice %dot_general3A_795 {offsets = [416, 0], sizes = [32, 512], strides = [1, 1]} : vector<512x512xf32> to vector<32x512xf32>
    %mul3A_893 = vector.broadcast %get3A_891 : vector<1x512xf32> to vector<32x512xf32>
    %mul3A_894 = arith.mulf %mul3A_893, %slice3A_892 : vector<32x512xf32>
    %add3A_895 = arith.addf %add3A_888, %mul3A_894 : vector<32x512xf32>
    %get3A_896 = arith.constant 14 : index
    %get3A_897 = arith.constant 0 : index
    %get3A_898 = vector.load %arg4[%get3A_896, %get3A_897] : memref<16x512xf32, #tpu.memory_space<vmem>>, vector<1x512xf32>
    %slice3A_899 = vector.extract_strided_slice %dot_general3A_795 {offsets = [448, 0], sizes = [32, 512], strides = [1, 1]} : vector<512x512xf32> to vector<32x512xf32>
    %mul3A_900 = vector.broadcast %get3A_898 : vector<1x512xf32> to vector<32x512xf32>
    %mul3A_901 = arith.mulf %mul3A_900, %slice3A_899 : vector<32x512xf32>
    %add3A_902 = arith.addf %add3A_895, %mul3A_901 : vector<32x512xf32>
    %get3A_903 = arith.constant 15 : index
    %get3A_904 = arith.constant 0 : index
    %get3A_905 = vector.load %arg4[%get3A_903, %get3A_904] : memref<16x512xf32, #tpu.memory_space<vmem>>, vector<1x512xf32>
    %slice3A_906 = vector.extract_strided_slice %dot_general3A_795 {offsets = [480, 0], sizes = [32, 512], strides = [1, 1]} : vector<512x512xf32> to vector<32x512xf32>
    %mul3A_907 = vector.broadcast %get3A_905 : vector<1x512xf32> to vector<32x512xf32>
    %mul3A_908 = arith.mulf %mul3A_907, %slice3A_906 : vector<32x512xf32>
    %add3A_909 = arith.addf %add3A_902, %mul3A_908 : vector<32x512xf32>
    %convert_element_type3A_910 = arith.truncf %add3A_909 : vector<32x512xf32> to vector<32x512xbf16>
    %swap3A_911 = arith.constant 192 : index
    %swap3A_912 = arith.constant 0 : index
    %swap3A_913 = vector.load %arg12[%swap3A_911, %swap3A_912] : memref<640x512xbf16, #tpu.memory_space<vmem>>, vector<32x512xbf16>
    tpu.vector_store %arg12[%swap3A_911, %swap3A_912], %convert_element_type3A_910 {strides = array<i32>} : memref<640x512xbf16, #tpu.memory_space<vmem>>, vector<32x512xbf16>,
    %slice3A_914 = vector.extract_strided_slice %get3A_38 {offsets = [224, 0], sizes = [32, 512], strides = [1, 1]} : vector<640x512xbf16> to vector<32x512xbf16>
    %slice3A_915 = vector.extract_strided_slice %convert_element_type3A_49 {offsets = [112, 0], sizes = [16, 512], strides = [1, 1]} : vector<320x512xbf16> to vector<16x512xbf16>
    %concatenate3A_916 = tpu.concatenate %slice3A_914, %slice3A_915 in 0 : vector<32x512xbf16>, vector<16x512xbf16> -> vector<48x512xbf16>
    %dot_general3A_917 = arith.constant dense<0.000000e+00> : vector<512x512xf32>
    %dot_general3A_918 = tpu.matmul %get3A_52, %concatenate3A_916, %dot_general3A_917 {dimension_numbers = #tpu.dot_dimension_numbers<[1], [0], [0], [1], [0, 0, 1, 1], [], []>, transpose_lhs_hint = false} : vector<512x48xbf16>, vector<48x512xbf16>, vector<512x512xf32> -> vector<512x512xf32>
    %broadcast_in_dim3A_919 = arith.constant 0.000000e+00 : f32
    %broadcast_in_dim3A_920 = vector.broadcast %broadcast_in_dim3A_919 : f32 to vector<32x512xf32>
    %get3A_921 = arith.constant 0 : index
    %get3A_922 = arith.constant 0 : index
    %get3A_923 = vector.load %arg4[%get3A_921, %get3A_922] : memref<16x512xf32, #tpu.memory_space<vmem>>, vector<1x512xf32>
    %slice3A_924 = vector.extract_strided_slice %dot_general3A_918 {offsets = [0, 0], sizes = [32, 512], strides = [1, 1]} : vector<512x512xf32> to vector<32x512xf32>
    %mul3A_925 = vector.broadcast %get3A_923 : vector<1x512xf32> to vector<32x512xf32>
    %mul3A_926 = arith.mulf %mul3A_925, %slice3A_924 : vector<32x512xf32>
    %add3A_927 = arith.addf %broadcast_in_dim3A_920, %mul3A_926 : vector<32x512xf32>
    %get3A_928 = arith.constant 1 : index
    %get3A_929 = arith.constant 0 : index
    %get3A_930 = vector.load %arg4[%get3A_928, %get3A_929] : memref<16x512xf32, #tpu.memory_space<vmem>>, vector<1x512xf32>
    %slice3A_931 = vector.extract_strided_slice %dot_general3A_918 {offsets = [32, 0], sizes = [32, 512], strides = [1, 1]} : vector<512x512xf32> to vector<32x512xf32>
    %mul3A_932 = vector.broadcast %get3A_930 : vector<1x512xf32> to vector<32x512xf32>
    %mul3A_933 = arith.mulf %mul3A_932, %slice3A_931 : vector<32x512xf32>
    %add3A_934 = arith.addf %add3A_927, %mul3A_933 : vector<32x512xf32>
    %get3A_935 = arith.constant 2 : index
    %get3A_936 = arith.constant 0 : index
    %get3A_937 = vector.load %arg4[%get3A_935, %get3A_936] : memref<16x512xf32, #tpu.memory_space<vmem>>, vector<1x512xf32>
    %slice3A_938 = vector.extract_strided_slice %dot_general3A_918 {offsets = [64, 0], sizes = [32, 512], strides = [1, 1]} : vector<512x512xf32> to vector<32x512xf32>
    %mul3A_939 = vector.broadcast %get3A_937 : vector<1x512xf32> to vector<32x512xf32>
    %mul3A_940 = arith.mulf %mul3A_939, %slice3A_938 : vector<32x512xf32>
    %add3A_941 = arith.addf %add3A_934, %mul3A_940 : vector<32x512xf32>
    %get3A_942 = arith.constant 3 : index
    %get3A_943 = arith.constant 0 : index
    %get3A_944 = vector.load %arg4[%get3A_942, %get3A_943] : memref<16x512xf32, #tpu.memory_space<vmem>>, vector<1x512xf32>
    %slice3A_945 = vector.extract_strided_slice %dot_general3A_918 {offsets = [96, 0], sizes = [32, 512], strides = [1, 1]} : vector<512x512xf32> to vector<32x512xf32>
    %mul3A_946 = vector.broadcast %get3A_944 : vector<1x512xf32> to vector<32x512xf32>
    %mul3A_947 = arith.mulf %mul3A_946, %slice3A_945 : vector<32x512xf32>
    %add3A_948 = arith.addf %add3A_941, %mul3A_947 : vector<32x512xf32>
    %get3A_949 = arith.constant 4 : index
    %get3A_950 = arith.constant 0 : index
    %get3A_951 = vector.load %arg4[%get3A_949, %get3A_950] : memref<16x512xf32, #tpu.memory_space<vmem>>, vector<1x512xf32>
    %slice3A_952 = vector.extract_strided_slice %dot_general3A_918 {offsets = [128, 0], sizes = [32, 512], strides = [1, 1]} : vector<512x512xf32> to vector<32x512xf32>
    %mul3A_953 = vector.broadcast %get3A_951 : vector<1x512xf32> to vector<32x512xf32>
    %mul3A_954 = arith.mulf %mul3A_953, %slice3A_952 : vector<32x512xf32>
    %add3A_955 = arith.addf %add3A_948, %mul3A_954 : vector<32x512xf32>
    %get3A_956 = arith.constant 5 : index
    %get3A_957 = arith.constant 0 : index
    %get3A_958 = vector.load %arg4[%get3A_956, %get3A_957] : memref<16x512xf32, #tpu.memory_space<vmem>>, vector<1x512xf32>
    %slice3A_959 = vector.extract_strided_slice %dot_general3A_918 {offsets = [160, 0], sizes = [32, 512], strides = [1, 1]} : vector<512x512xf32> to vector<32x512xf32>
    %mul3A_960 = vector.broadcast %get3A_958 : vector<1x512xf32> to vector<32x512xf32>
    %mul3A_961 = arith.mulf %mul3A_960, %slice3A_959 : vector<32x512xf32>
    %add3A_962 = arith.addf %add3A_955, %mul3A_961 : vector<32x512xf32>
    %get3A_963 = arith.constant 6 : index
    %get3A_964 = arith.constant 0 : index
    %get3A_965 = vector.load %arg4[%get3A_963, %get3A_964] : memref<16x512xf32, #tpu.memory_space<vmem>>, vector<1x512xf32>
    %slice3A_966 = vector.extract_strided_slice %dot_general3A_918 {offsets = [192, 0], sizes = [32, 512], strides = [1, 1]} : vector<512x512xf32> to vector<32x512xf32>
    %mul3A_967 = vector.broadcast %get3A_965 : vector<1x512xf32> to vector<32x512xf32>
    %mul3A_968 = arith.mulf %mul3A_967, %slice3A_966 : vector<32x512xf32>
    %add3A_969 = arith.addf %add3A_962, %mul3A_968 : vector<32x512xf32>
    %get3A_970 = arith.constant 7 : index
    %get3A_971 = arith.constant 0 : index
    %get3A_972 = vector.load %arg4[%get3A_970, %get3A_971] : memref<16x512xf32, #tpu.memory_space<vmem>>, vector<1x512xf32>
    %slice3A_973 = vector.extract_strided_slice %dot_general3A_918 {offsets = [224, 0], sizes = [32, 512], strides = [1, 1]} : vector<512x512xf32> to vector<32x512xf32>
    %mul3A_974 = vector.broadcast %get3A_972 : vector<1x512xf32> to vector<32x512xf32>
    %mul3A_975 = arith.mulf %mul3A_974, %slice3A_973 : vector<32x512xf32>
    %add3A_976 = arith.addf %add3A_969, %mul3A_975 : vector<32x512xf32>
    %get3A_977 = arith.constant 8 : index
    %get3A_978 = arith.constant 0 : index
    %get3A_979 = vector.load %arg4[%get3A_977, %get3A_978] : memref<16x512xf32, #tpu.memory_space<vmem>>, vector<1x512xf32>
    %slice3A_980 = vector.extract_strided_slice %dot_general3A_918 {offsets = [256, 0], sizes = [32, 512], strides = [1, 1]} : vector<512x512xf32> to vector<32x512xf32>
    %mul3A_981 = vector.broadcast %get3A_979 : vector<1x512xf32> to vector<32x512xf32>
    %mul3A_982 = arith.mulf %mul3A_981, %slice3A_980 : vector<32x512xf32>
    %add3A_983 = arith.addf %add3A_976, %mul3A_982 : vector<32x512xf32>
    %get3A_984 = arith.constant 9 : index
    %get3A_985 = arith.constant 0 : index
    %get3A_986 = vector.load %arg4[%get3A_984, %get3A_985] : memref<16x512xf32, #tpu.memory_space<vmem>>, vector<1x512xf32>
    %slice3A_987 = vector.extract_strided_slice %dot_general3A_918 {offsets = [288, 0], sizes = [32, 512], strides = [1, 1]} : vector<512x512xf32> to vector<32x512xf32>
    %mul3A_988 = vector.broadcast %get3A_986 : vector<1x512xf32> to vector<32x512xf32>
    %mul3A_989 = arith.mulf %mul3A_988, %slice3A_987 : vector<32x512xf32>
    %add3A_990 = arith.addf %add3A_983, %mul3A_989 : vector<32x512xf32>
    %get3A_991 = arith.constant 10 : index
    %get3A_992 = arith.constant 0 : index
    %get3A_993 = vector.load %arg4[%get3A_991, %get3A_992] : memref<16x512xf32, #tpu.memory_space<vmem>>, vector<1x512xf32>
    %slice3A_994 = vector.extract_strided_slice %dot_general3A_918 {offsets = [320, 0], sizes = [32, 512], strides = [1, 1]} : vector<512x512xf32> to vector<32x512xf32>
    %mul3A_995 = vector.broadcast %get3A_993 : vector<1x512xf32> to vector<32x512xf32>
    %mul3A_996 = arith.mulf %mul3A_995, %slice3A_994 : vector<32x512xf32>
    %add3A_997 = arith.addf %add3A_990, %mul3A_996 : vector<32x512xf32>
    %get3A_998 = arith.constant 11 : index
    %get3A_999 = arith.constant 0 : index
    %get3A_1000 = vector.load %arg4[%get3A_998, %get3A_999] : memref<16x512xf32, #tpu.memory_space<vmem>>, vector<1x512xf32>
    %slice3A_1001 = vector.extract_strided_slice %dot_general3A_918 {offsets = [352, 0], sizes = [32, 512], strides = [1, 1]} : vector<512x512xf32> to vector<32x512xf32>
    %mul3A_1002 = vector.broadcast %get3A_1000 : vector<1x512xf32> to vector<32x512xf32>
    %mul3A_1003 = arith.mulf %mul3A_1002, %slice3A_1001 : vector<32x512xf32>
    %add3A_1004 = arith.addf %add3A_997, %mul3A_1003 : vector<32x512xf32>
    %get3A_1005 = arith.constant 12 : index
    %get3A_1006 = arith.constant 0 : index
    %get3A_1007 = vector.load %arg4[%get3A_1005, %get3A_1006] : memref<16x512xf32, #tpu.memory_space<vmem>>, vector<1x512xf32>
    %slice3A_1008 = vector.extract_strided_slice %dot_general3A_918 {offsets = [384, 0], sizes = [32, 512], strides = [1, 1]} : vector<512x512xf32> to vector<32x512xf32>
    %mul3A_1009 = vector.broadcast %get3A_1007 : vector<1x512xf32> to vector<32x512xf32>
    %mul3A_1010 = arith.mulf %mul3A_1009, %slice3A_1008 : vector<32x512xf32>
    %add3A_1011 = arith.addf %add3A_1004, %mul3A_1010 : vector<32x512xf32>
    %get3A_1012 = arith.constant 13 : index
    %get3A_1013 = arith.constant 0 : index
    %get3A_1014 = vector.load %arg4[%get3A_1012, %get3A_1013] : memref<16x512xf32, #tpu.memory_space<vmem>>, vector<1x512xf32>
    %slice3A_1015 = vector.extract_strided_slice %dot_general3A_918 {offsets = [416, 0], sizes = [32, 512], strides = [1, 1]} : vector<512x512xf32> to vector<32x512xf32>
    %mul3A_1016 = vector.broadcast %get3A_1014 : vector<1x512xf32> to vector<32x512xf32>
    %mul3A_1017 = arith.mulf %mul3A_1016, %slice3A_1015 : vector<32x512xf32>
    %add3A_1018 = arith.addf %add3A_1011, %mul3A_1017 : vector<32x512xf32>
    %get3A_1019 = arith.constant 14 : index
    %get3A_1020 = arith.constant 0 : index
    %get3A_1021 = vector.load %arg4[%get3A_1019, %get3A_1020] : memref<16x512xf32, #tpu.memory_space<vmem>>, vector<1x512xf32>
    %slice3A_1022 = vector.extract_strided_slice %dot_general3A_918 {offsets = [448, 0], sizes = [32, 512], strides = [1, 1]} : vector<512x512xf32> to vector<32x512xf32>
    %mul3A_1023 = vector.broadcast %get3A_1021 : vector<1x512xf32> to vector<32x512xf32>
    %mul3A_1024 = arith.mulf %mul3A_1023, %slice3A_1022 : vector<32x512xf32>
    %add3A_1025 = arith.addf %add3A_1018, %mul3A_1024 : vector<32x512xf32>
    %get3A_1026 = arith.constant 15 : index
    %get3A_1027 = arith.constant 0 : index
    %get3A_1028 = vector.load %arg4[%get3A_1026, %get3A_1027] : memref<16x512xf32, #tpu.memory_space<vmem>>, vector<1x512xf32>
    %slice3A_1029 = vector.extract_strided_slice %dot_general3A_918 {offsets = [480, 0], sizes = [32, 512], strides = [1, 1]} : vector<512x512xf32> to vector<32x512xf32>
    %mul3A_1030 = vector.broadcast %get3A_1028 : vector<1x512xf32> to vector<32x512xf32>
    %mul3A_1031 = arith.mulf %mul3A_1030, %slice3A_1029 : vector<32x512xf32>
    %add3A_1032 = arith.addf %add3A_1025, %mul3A_1031 : vector<32x512xf32>
    %convert_element_type3A_1033 = arith.truncf %add3A_1032 : vector<32x512xf32> to vector<32x512xbf16>
    %swap3A_1034 = arith.constant 224 : index
    %swap3A_1035 = arith.constant 0 : index
    %swap3A_1036 = vector.load %arg12[%swap3A_1034, %swap3A_1035] : memref<640x512xbf16, #tpu.memory_space<vmem>>, vector<32x512xbf16>
    tpu.vector_store %arg12[%swap3A_1034, %swap3A_1035], %convert_element_type3A_1033 {strides = array<i32>} : memref<640x512xbf16, #tpu.memory_space<vmem>>, vector<32x512xbf16>,
    %slice3A_1037 = vector.extract_strided_slice %get3A_38 {offsets = [256, 0], sizes = [32, 512], strides = [1, 1]} : vector<640x512xbf16> to vector<32x512xbf16>
    %slice3A_1038 = vector.extract_strided_slice %convert_element_type3A_49 {offsets = [128, 0], sizes = [16, 512], strides = [1, 1]} : vector<320x512xbf16> to vector<16x512xbf16>
    %concatenate3A_1039 = tpu.concatenate %slice3A_1037, %slice3A_1038 in 0 : vector<32x512xbf16>, vector<16x512xbf16> -> vector<48x512xbf16>
    %dot_general3A_1040 = arith.constant dense<0.000000e+00> : vector<512x512xf32>
    %dot_general3A_1041 = tpu.matmul %get3A_52, %concatenate3A_1039, %dot_general3A_1040 {dimension_numbers = #tpu.dot_dimension_numbers<[1], [0], [0], [1], [0, 0, 1, 1], [], []>, transpose_lhs_hint = false} : vector<512x48xbf16>, vector<48x512xbf16>, vector<512x512xf32> -> vector<512x512xf32>
    %broadcast_in_dim3A_1042 = arith.constant 0.000000e+00 : f32
    %broadcast_in_dim3A_1043 = vector.broadcast %broadcast_in_dim3A_1042 : f32 to vector<32x512xf32>
    %get3A_1044 = arith.constant 0 : index
    %get3A_1045 = arith.constant 0 : index
    %get3A_1046 = vector.load %arg4[%get3A_1044, %get3A_1045] : memref<16x512xf32, #tpu.memory_space<vmem>>, vector<1x512xf32>
    %slice3A_1047 = vector.extract_strided_slice %dot_general3A_1041 {offsets = [0, 0], sizes = [32, 512], strides = [1, 1]} : vector<512x512xf32> to vector<32x512xf32>
    %mul3A_1048 = vector.broadcast %get3A_1046 : vector<1x512xf32> to vector<32x512xf32>
    %mul3A_1049 = arith.mulf %mul3A_1048, %slice3A_1047 : vector<32x512xf32>
    %add3A_1050 = arith.addf %broadcast_in_dim3A_1043, %mul3A_1049 : vector<32x512xf32>
    %get3A_1051 = arith.constant 1 : index
    %get3A_1052 = arith.constant 0 : index
    %get3A_1053 = vector.load %arg4[%get3A_1051, %get3A_1052] : memref<16x512xf32, #tpu.memory_space<vmem>>, vector<1x512xf32>
    %slice3A_1054 = vector.extract_strided_slice %dot_general3A_1041 {offsets = [32, 0], sizes = [32, 512], strides = [1, 1]} : vector<512x512xf32> to vector<32x512xf32>
    %mul3A_1055 = vector.broadcast %get3A_1053 : vector<1x512xf32> to vector<32x512xf32>
    %mul3A_1056 = arith.mulf %mul3A_1055, %slice3A_1054 : vector<32x512xf32>
    %add3A_1057 = arith.addf %add3A_1050, %mul3A_1056 : vector<32x512xf32>
    %get3A_1058 = arith.constant 2 : index
    %get3A_1059 = arith.constant 0 : index
    %get3A_1060 = vector.load %arg4[%get3A_1058, %get3A_1059] : memref<16x512xf32, #tpu.memory_space<vmem>>, vector<1x512xf32>
    %slice3A_1061 = vector.extract_strided_slice %dot_general3A_1041 {offsets = [64, 0], sizes = [32, 512], strides = [1, 1]} : vector<512x512xf32> to vector<32x512xf32>
    %mul3A_1062 = vector.broadcast %get3A_1060 : vector<1x512xf32> to vector<32x512xf32>
    %mul3A_1063 = arith.mulf %mul3A_1062, %slice3A_1061 : vector<32x512xf32>
    %add3A_1064 = arith.addf %add3A_1057, %mul3A_1063 : vector<32x512xf32>
    %get3A_1065 = arith.constant 3 : index
    %get3A_1066 = arith.constant 0 : index
    %get3A_1067 = vector.load %arg4[%get3A_1065, %get3A_1066] : memref<16x512xf32, #tpu.memory_space<vmem>>, vector<1x512xf32>
    %slice3A_1068 = vector.extract_strided_slice %dot_general3A_1041 {offsets = [96, 0], sizes = [32, 512], strides = [1, 1]} : vector<512x512xf32> to vector<32x512xf32>
    %mul3A_1069 = vector.broadcast %get3A_1067 : vector<1x512xf32> to vector<32x512xf32>
    %mul3A_1070 = arith.mulf %mul3A_1069, %slice3A_1068 : vector<32x512xf32>
    %add3A_1071 = arith.addf %add3A_1064, %mul3A_1070 : vector<32x512xf32>
    %get3A_1072 = arith.constant 4 : index
    %get3A_1073 = arith.constant 0 : index
    %get3A_1074 = vector.load %arg4[%get3A_1072, %get3A_1073] : memref<16x512xf32, #tpu.memory_space<vmem>>, vector<1x512xf32>
    %slice3A_1075 = vector.extract_strided_slice %dot_general3A_1041 {offsets = [128, 0], sizes = [32, 512], strides = [1, 1]} : vector<512x512xf32> to vector<32x512xf32>
    %mul3A_1076 = vector.broadcast %get3A_1074 : vector<1x512xf32> to vector<32x512xf32>
    %mul3A_1077 = arith.mulf %mul3A_1076, %slice3A_1075 : vector<32x512xf32>
    %add3A_1078 = arith.addf %add3A_1071, %mul3A_1077 : vector<32x512xf32>
    %get3A_1079 = arith.constant 5 : index
    %get3A_1080 = arith.constant 0 : index
    %get3A_1081 = vector.load %arg4[%get3A_1079, %get3A_1080] : memref<16x512xf32, #tpu.memory_space<vmem>>, vector<1x512xf32>
    %slice3A_1082 = vector.extract_strided_slice %dot_general3A_1041 {offsets = [160, 0], sizes = [32, 512], strides = [1, 1]} : vector<512x512xf32> to vector<32x512xf32>
    %mul3A_1083 = vector.broadcast %get3A_1081 : vector<1x512xf32> to vector<32x512xf32>
    %mul3A_1084 = arith.mulf %mul3A_1083, %slice3A_1082 : vector<32x512xf32>
    %add3A_1085 = arith.addf %add3A_1078, %mul3A_1084 : vector<32x512xf32>
    %get3A_1086 = arith.constant 6 : index
    %get3A_1087 = arith.constant 0 : index
    %get3A_1088 = vector.load %arg4[%get3A_1086, %get3A_1087] : memref<16x512xf32, #tpu.memory_space<vmem>>, vector<1x512xf32>
    %slice3A_1089 = vector.extract_strided_slice %dot_general3A_1041 {offsets = [192, 0], sizes = [32, 512], strides = [1, 1]} : vector<512x512xf32> to vector<32x512xf32>
    %mul3A_1090 = vector.broadcast %get3A_1088 : vector<1x512xf32> to vector<32x512xf32>
    %mul3A_1091 = arith.mulf %mul3A_1090, %slice3A_1089 : vector<32x512xf32>
    %add3A_1092 = arith.addf %add3A_1085, %mul3A_1091 : vector<32x512xf32>
    %get3A_1093 = arith.constant 7 : index
    %get3A_1094 = arith.constant 0 : index
    %get3A_1095 = vector.load %arg4[%get3A_1093, %get3A_1094] : memref<16x512xf32, #tpu.memory_space<vmem>>, vector<1x512xf32>
    %slice3A_1096 = vector.extract_strided_slice %dot_general3A_1041 {offsets = [224, 0], sizes = [32, 512], strides = [1, 1]} : vector<512x512xf32> to vector<32x512xf32>
    %mul3A_1097 = vector.broadcast %get3A_1095 : vector<1x512xf32> to vector<32x512xf32>
    %mul3A_1098 = arith.mulf %mul3A_1097, %slice3A_1096 : vector<32x512xf32>
    %add3A_1099 = arith.addf %add3A_1092, %mul3A_1098 : vector<32x512xf32>
    %get3A_1100 = arith.constant 8 : index
    %get3A_1101 = arith.constant 0 : index
    %get3A_1102 = vector.load %arg4[%get3A_1100, %get3A_1101] : memref<16x512xf32, #tpu.memory_space<vmem>>, vector<1x512xf32>
    %slice3A_1103 = vector.extract_strided_slice %dot_general3A_1041 {offsets = [256, 0], sizes = [32, 512], strides = [1, 1]} : vector<512x512xf32> to vector<32x512xf32>
    %mul3A_1104 = vector.broadcast %get3A_1102 : vector<1x512xf32> to vector<32x512xf32>
    %mul3A_1105 = arith.mulf %mul3A_1104, %slice3A_1103 : vector<32x512xf32>
    %add3A_1106 = arith.addf %add3A_1099, %mul3A_1105 : vector<32x512xf32>
    %get3A_1107 = arith.constant 9 : index
    %get3A_1108 = arith.constant 0 : index
    %get3A_1109 = vector.load %arg4[%get3A_1107, %get3A_1108] : memref<16x512xf32, #tpu.memory_space<vmem>>, vector<1x512xf32>
    %slice3A_1110 = vector.extract_strided_slice %dot_general3A_1041 {offsets = [288, 0], sizes = [32, 512], strides = [1, 1]} : vector<512x512xf32> to vector<32x512xf32>
    %mul3A_1111 = vector.broadcast %get3A_1109 : vector<1x512xf32> to vector<32x512xf32>
    %mul3A_1112 = arith.mulf %mul3A_1111, %slice3A_1110 : vector<32x512xf32>
    %add3A_1113 = arith.addf %add3A_1106, %mul3A_1112 : vector<32x512xf32>
    %get3A_1114 = arith.constant 10 : index
    %get3A_1115 = arith.constant 0 : index
    %get3A_1116 = vector.load %arg4[%get3A_1114, %get3A_1115] : memref<16x512xf32, #tpu.memory_space<vmem>>, vector<1x512xf32>
    %slice3A_1117 = vector.extract_strided_slice %dot_general3A_1041 {offsets = [320, 0], sizes = [32, 512], strides = [1, 1]} : vector<512x512xf32> to vector<32x512xf32>
    %mul3A_1118 = vector.broadcast %get3A_1116 : vector<1x512xf32> to vector<32x512xf32>
    %mul3A_1119 = arith.mulf %mul3A_1118, %slice3A_1117 : vector<32x512xf32>
    %add3A_1120 = arith.addf %add3A_1113, %mul3A_1119 : vector<32x512xf32>
    %get3A_1121 = arith.constant 11 : index
    %get3A_1122 = arith.constant 0 : index
    %get3A_1123 = vector.load %arg4[%get3A_1121, %get3A_1122] : memref<16x512xf32, #tpu.memory_space<vmem>>, vector<1x512xf32>
    %slice3A_1124 = vector.extract_strided_slice %dot_general3A_1041 {offsets = [352, 0], sizes = [32, 512], strides = [1, 1]} : vector<512x512xf32> to vector<32x512xf32>
    %mul3A_1125 = vector.broadcast %get3A_1123 : vector<1x512xf32> to vector<32x512xf32>
    %mul3A_1126 = arith.mulf %mul3A_1125, %slice3A_1124 : vector<32x512xf32>
    %add3A_1127 = arith.addf %add3A_1120, %mul3A_1126 : vector<32x512xf32>
    %get3A_1128 = arith.constant 12 : index
    %get3A_1129 = arith.constant 0 : index
    %get3A_1130 = vector.load %arg4[%get3A_1128, %get3A_1129] : memref<16x512xf32, #tpu.memory_space<vmem>>, vector<1x512xf32>
    %slice3A_1131 = vector.extract_strided_slice %dot_general3A_1041 {offsets = [384, 0], sizes = [32, 512], strides = [1, 1]} : vector<512x512xf32> to vector<32x512xf32>
    %mul3A_1132 = vector.broadcast %get3A_1130 : vector<1x512xf32> to vector<32x512xf32>
    %mul3A_1133 = arith.mulf %mul3A_1132, %slice3A_1131 : vector<32x512xf32>
    %add3A_1134 = arith.addf %add3A_1127, %mul3A_1133 : vector<32x512xf32>
    %get3A_1135 = arith.constant 13 : index
    %get3A_1136 = arith.constant 0 : index
    %get3A_1137 = vector.load %arg4[%get3A_1135, %get3A_1136] : memref<16x512xf32, #tpu.memory_space<vmem>>, vector<1x512xf32>
    %slice3A_1138 = vector.extract_strided_slice %dot_general3A_1041 {offsets = [416, 0], sizes = [32, 512], strides = [1, 1]} : vector<512x512xf32> to vector<32x512xf32>
    %mul3A_1139 = vector.broadcast %get3A_1137 : vector<1x512xf32> to vector<32x512xf32>
    %mul3A_1140 = arith.mulf %mul3A_1139, %slice3A_1138 : vector<32x512xf32>
    %add3A_1141 = arith.addf %add3A_1134, %mul3A_1140 : vector<32x512xf32>
    %get3A_1142 = arith.constant 14 : index
    %get3A_1143 = arith.constant 0 : index
    %get3A_1144 = vector.load %arg4[%get3A_1142, %get3A_1143] : memref<16x512xf32, #tpu.memory_space<vmem>>, vector<1x512xf32>
    %slice3A_1145 = vector.extract_strided_slice %dot_general3A_1041 {offsets = [448, 0], sizes = [32, 512], strides = [1, 1]} : vector<512x512xf32> to vector<32x512xf32>
    %mul3A_1146 = vector.broadcast %get3A_1144 : vector<1x512xf32> to vector<32x512xf32>
    %mul3A_1147 = arith.mulf %mul3A_1146, %slice3A_1145 : vector<32x512xf32>
    %add3A_1148 = arith.addf %add3A_1141, %mul3A_1147 : vector<32x512xf32>
    %get3A_1149 = arith.constant 15 : index
    %get3A_1150 = arith.constant 0 : index
    %get3A_1151 = vector.load %arg4[%get3A_1149, %get3A_1150] : memref<16x512xf32, #tpu.memory_space<vmem>>, vector<1x512xf32>
    %slice3A_1152 = vector.extract_strided_slice %dot_general3A_1041 {offsets = [480, 0], sizes = [32, 512], strides = [1, 1]} : vector<512x512xf32> to vector<32x512xf32>
    %mul3A_1153 = vector.broadcast %get3A_1151 : vector<1x512xf32> to vector<32x512xf32>
    %mul3A_1154 = arith.mulf %mul3A_1153, %slice3A_1152 : vector<32x512xf32>
    %add3A_1155 = arith.addf %add3A_1148, %mul3A_1154 : vector<32x512xf32>
    %convert_element_type3A_1156 = arith.truncf %add3A_1155 : vector<32x512xf32> to vector<32x512xbf16>
    %swap3A_1157 = arith.constant 256 : index
    %swap3A_1158 = arith.constant 0 : index
    %swap3A_1159 = vector.load %arg12[%swap3A_1157, %swap3A_1158] : memref<640x512xbf16, #tpu.memory_space<vmem>>, vector<32x512xbf16>
    tpu.vector_store %arg12[%swap3A_1157, %swap3A_1158], %convert_element_type3A_1156 {strides = array<i32>} : memref<640x512xbf16, #tpu.memory_space<vmem>>, vector<32x512xbf16>,
    %slice3A_1160 = vector.extract_strided_slice %get3A_38 {offsets = [288, 0], sizes = [32, 512], strides = [1, 1]} : vector<640x512xbf16> to vector<32x512xbf16>
    %slice3A_1161 = vector.extract_strided_slice %convert_element_type3A_49 {offsets = [144, 0], sizes = [16, 512], strides = [1, 1]} : vector<320x512xbf16> to vector<16x512xbf16>
    %concatenate3A_1162 = tpu.concatenate %slice3A_1160, %slice3A_1161 in 0 : vector<32x512xbf16>, vector<16x512xbf16> -> vector<48x512xbf16>
    %dot_general3A_1163 = arith.constant dense<0.000000e+00> : vector<512x512xf32>
    %dot_general3A_1164 = tpu.matmul %get3A_52, %concatenate3A_1162, %dot_general3A_1163 {dimension_numbers = #tpu.dot_dimension_numbers<[1], [0], [0], [1], [0, 0, 1, 1], [], []>, transpose_lhs_hint = false} : vector<512x48xbf16>, vector<48x512xbf16>, vector<512x512xf32> -> vector<512x512xf32>
    %broadcast_in_dim3A_1165 = arith.constant 0.000000e+00 : f32
    %broadcast_in_dim3A_1166 = vector.broadcast %broadcast_in_dim3A_1165 : f32 to vector<32x512xf32>
    %get3A_1167 = arith.constant 0 : index
    %get3A_1168 = arith.constant 0 : index
    %get3A_1169 = vector.load %arg4[%get3A_1167, %get3A_1168] : memref<16x512xf32, #tpu.memory_space<vmem>>, vector<1x512xf32>
    %slice3A_1170 = vector.extract_strided_slice %dot_general3A_1164 {offsets = [0, 0], sizes = [32, 512], strides = [1, 1]} : vector<512x512xf32> to vector<32x512xf32>
    %mul3A_1171 = vector.broadcast %get3A_1169 : vector<1x512xf32> to vector<32x512xf32>
    %mul3A_1172 = arith.mulf %mul3A_1171, %slice3A_1170 : vector<32x512xf32>
    %add3A_1173 = arith.addf %broadcast_in_dim3A_1166, %mul3A_1172 : vector<32x512xf32>
    %get3A_1174 = arith.constant 1 : index
    %get3A_1175 = arith.constant 0 : index
    %get3A_1176 = vector.load %arg4[%get3A_1174, %get3A_1175] : memref<16x512xf32, #tpu.memory_space<vmem>>, vector<1x512xf32>
    %slice3A_1177 = vector.extract_strided_slice %dot_general3A_1164 {offsets = [32, 0], sizes = [32, 512], strides = [1, 1]} : vector<512x512xf32> to vector<32x512xf32>
    %mul3A_1178 = vector.broadcast %get3A_1176 : vector<1x512xf32> to vector<32x512xf32>
    %mul3A_1179 = arith.mulf %mul3A_1178, %slice3A_1177 : vector<32x512xf32>
    %add3A_1180 = arith.addf %add3A_1173, %mul3A_1179 : vector<32x512xf32>
    %get3A_1181 = arith.constant 2 : index
    %get3A_1182 = arith.constant 0 : index
    %get3A_1183 = vector.load %arg4[%get3A_1181, %get3A_1182] : memref<16x512xf32, #tpu.memory_space<vmem>>, vector<1x512xf32>
    %slice3A_1184 = vector.extract_strided_slice %dot_general3A_1164 {offsets = [64, 0], sizes = [32, 512], strides = [1, 1]} : vector<512x512xf32> to vector<32x512xf32>
    %mul3A_1185 = vector.broadcast %get3A_1183 : vector<1x512xf32> to vector<32x512xf32>
    %mul3A_1186 = arith.mulf %mul3A_1185, %slice3A_1184 : vector<32x512xf32>
    %add3A_1187 = arith.addf %add3A_1180, %mul3A_1186 : vector<32x512xf32>
    %get3A_1188 = arith.constant 3 : index
    %get3A_1189 = arith.constant 0 : index
    %get3A_1190 = vector.load %arg4[%get3A_1188, %get3A_1189] : memref<16x512xf32, #tpu.memory_space<vmem>>, vector<1x512xf32>
    %slice3A_1191 = vector.extract_strided_slice %dot_general3A_1164 {offsets = [96, 0], sizes = [32, 512], strides = [1, 1]} : vector<512x512xf32> to vector<32x512xf32>
    %mul3A_1192 = vector.broadcast %get3A_1190 : vector<1x512xf32> to vector<32x512xf32>
    %mul3A_1193 = arith.mulf %mul3A_1192, %slice3A_1191 : vector<32x512xf32>
    %add3A_1194 = arith.addf %add3A_1187, %mul3A_1193 : vector<32x512xf32>
    %get3A_1195 = arith.constant 4 : index
    %get3A_1196 = arith.constant 0 : index
    %get3A_1197 = vector.load %arg4[%get3A_1195, %get3A_1196] : memref<16x512xf32, #tpu.memory_space<vmem>>, vector<1x512xf32>
    %slice3A_1198 = vector.extract_strided_slice %dot_general3A_1164 {offsets = [128, 0], sizes = [32, 512], strides = [1, 1]} : vector<512x512xf32> to vector<32x512xf32>
    %mul3A_1199 = vector.broadcast %get3A_1197 : vector<1x512xf32> to vector<32x512xf32>
    %mul3A_1200 = arith.mulf %mul3A_1199, %slice3A_1198 : vector<32x512xf32>
    %add3A_1201 = arith.addf %add3A_1194, %mul3A_1200 : vector<32x512xf32>
    %get3A_1202 = arith.constant 5 : index
    %get3A_1203 = arith.constant 0 : index
    %get3A_1204 = vector.load %arg4[%get3A_1202, %get3A_1203] : memref<16x512xf32, #tpu.memory_space<vmem>>, vector<1x512xf32>
    %slice3A_1205 = vector.extract_strided_slice %dot_general3A_1164 {offsets = [160, 0], sizes = [32, 512], strides = [1, 1]} : vector<512x512xf32> to vector<32x512xf32>
    %mul3A_1206 = vector.broadcast %get3A_1204 : vector<1x512xf32> to vector<32x512xf32>
    %mul3A_1207 = arith.mulf %mul3A_1206, %slice3A_1205 : vector<32x512xf32>
    %add3A_1208 = arith.addf %add3A_1201, %mul3A_1207 : vector<32x512xf32>
    %get3A_1209 = arith.constant 6 : index
    %get3A_1210 = arith.constant 0 : index
    %get3A_1211 = vector.load %arg4[%get3A_1209, %get3A_1210] : memref<16x512xf32, #tpu.memory_space<vmem>>, vector<1x512xf32>
    %slice3A_1212 = vector.extract_strided_slice %dot_general3A_1164 {offsets = [192, 0], sizes = [32, 512], strides = [1, 1]} : vector<512x512xf32> to vector<32x512xf32>
    %mul3A_1213 = vector.broadcast %get3A_1211 : vector<1x512xf32> to vector<32x512xf32>
    %mul3A_1214 = arith.mulf %mul3A_1213, %slice3A_1212 : vector<32x512xf32>
    %add3A_1215 = arith.addf %add3A_1208, %mul3A_1214 : vector<32x512xf32>
    %get3A_1216 = arith.constant 7 : index
    %get3A_1217 = arith.constant 0 : index
    %get3A_1218 = vector.load %arg4[%get3A_1216, %get3A_1217] : memref<16x512xf32, #tpu.memory_space<vmem>>, vector<1x512xf32>
    %slice3A_1219 = vector.extract_strided_slice %dot_general3A_1164 {offsets = [224, 0], sizes = [32, 512], strides = [1, 1]} : vector<512x512xf32> to vector<32x512xf32>
    %mul3A_1220 = vector.broadcast %get3A_1218 : vector<1x512xf32> to vector<32x512xf32>
    %mul3A_1221 = arith.mulf %mul3A_1220, %slice3A_1219 : vector<32x512xf32>
    %add3A_1222 = arith.addf %add3A_1215, %mul3A_1221 : vector<32x512xf32>
    %get3A_1223 = arith.constant 8 : index
    %get3A_1224 = arith.constant 0 : index
    %get3A_1225 = vector.load %arg4[%get3A_1223, %get3A_1224] : memref<16x512xf32, #tpu.memory_space<vmem>>, vector<1x512xf32>
    %slice3A_1226 = vector.extract_strided_slice %dot_general3A_1164 {offsets = [256, 0], sizes = [32, 512], strides = [1, 1]} : vector<512x512xf32> to vector<32x512xf32>
    %mul3A_1227 = vector.broadcast %get3A_1225 : vector<1x512xf32> to vector<32x512xf32>
    %mul3A_1228 = arith.mulf %mul3A_1227, %slice3A_1226 : vector<32x512xf32>
    %add3A_1229 = arith.addf %add3A_1222, %mul3A_1228 : vector<32x512xf32>
    %get3A_1230 = arith.constant 9 : index
    %get3A_1231 = arith.constant 0 : index
    %get3A_1232 = vector.load %arg4[%get3A_1230, %get3A_1231] : memref<16x512xf32, #tpu.memory_space<vmem>>, vector<1x512xf32>
    %slice3A_1233 = vector.extract_strided_slice %dot_general3A_1164 {offsets = [288, 0], sizes = [32, 512], strides = [1, 1]} : vector<512x512xf32> to vector<32x512xf32>
    %mul3A_1234 = vector.broadcast %get3A_1232 : vector<1x512xf32> to vector<32x512xf32>
    %mul3A_1235 = arith.mulf %mul3A_1234, %slice3A_1233 : vector<32x512xf32>
    %add3A_1236 = arith.addf %add3A_1229, %mul3A_1235 : vector<32x512xf32>
    %get3A_1237 = arith.constant 10 : index
    %get3A_1238 = arith.constant 0 : index
    %get3A_1239 = vector.load %arg4[%get3A_1237, %get3A_1238] : memref<16x512xf32, #tpu.memory_space<vmem>>, vector<1x512xf32>
    %slice3A_1240 = vector.extract_strided_slice %dot_general3A_1164 {offsets = [320, 0], sizes = [32, 512], strides = [1, 1]} : vector<512x512xf32> to vector<32x512xf32>
    %mul3A_1241 = vector.broadcast %get3A_1239 : vector<1x512xf32> to vector<32x512xf32>
    %mul3A_1242 = arith.mulf %mul3A_1241, %slice3A_1240 : vector<32x512xf32>
    %add3A_1243 = arith.addf %add3A_1236, %mul3A_1242 : vector<32x512xf32>
    %get3A_1244 = arith.constant 11 : index
    %get3A_1245 = arith.constant 0 : index
    %get3A_1246 = vector.load %arg4[%get3A_1244, %get3A_1245] : memref<16x512xf32, #tpu.memory_space<vmem>>, vector<1x512xf32>
    %slice3A_1247 = vector.extract_strided_slice %dot_general3A_1164 {offsets = [352, 0], sizes = [32, 512], strides = [1, 1]} : vector<512x512xf32> to vector<32x512xf32>
    %mul3A_1248 = vector.broadcast %get3A_1246 : vector<1x512xf32> to vector<32x512xf32>
    %mul3A_1249 = arith.mulf %mul3A_1248, %slice3A_1247 : vector<32x512xf32>
    %add3A_1250 = arith.addf %add3A_1243, %mul3A_1249 : vector<32x512xf32>
    %get3A_1251 = arith.constant 12 : index
    %get3A_1252 = arith.constant 0 : index
    %get3A_1253 = vector.load %arg4[%get3A_1251, %get3A_1252] : memref<16x512xf32, #tpu.memory_space<vmem>>, vector<1x512xf32>
    %slice3A_1254 = vector.extract_strided_slice %dot_general3A_1164 {offsets = [384, 0], sizes = [32, 512], strides = [1, 1]} : vector<512x512xf32> to vector<32x512xf32>
    %mul3A_1255 = vector.broadcast %get3A_1253 : vector<1x512xf32> to vector<32x512xf32>
    %mul3A_1256 = arith.mulf %mul3A_1255, %slice3A_1254 : vector<32x512xf32>
    %add3A_1257 = arith.addf %add3A_1250, %mul3A_1256 : vector<32x512xf32>
    %get3A_1258 = arith.constant 13 : index
    %get3A_1259 = arith.constant 0 : index
    %get3A_1260 = vector.load %arg4[%get3A_1258, %get3A_1259] : memref<16x512xf32, #tpu.memory_space<vmem>>, vector<1x512xf32>
    %slice3A_1261 = vector.extract_strided_slice %dot_general3A_1164 {offsets = [416, 0], sizes = [32, 512], strides = [1, 1]} : vector<512x512xf32> to vector<32x512xf32>
    %mul3A_1262 = vector.broadcast %get3A_1260 : vector<1x512xf32> to vector<32x512xf32>
    %mul3A_1263 = arith.mulf %mul3A_1262, %slice3A_1261 : vector<32x512xf32>
    %add3A_1264 = arith.addf %add3A_1257, %mul3A_1263 : vector<32x512xf32>
    %get3A_1265 = arith.constant 14 : index
    %get3A_1266 = arith.constant 0 : index
    %get3A_1267 = vector.load %arg4[%get3A_1265, %get3A_1266] : memref<16x512xf32, #tpu.memory_space<vmem>>, vector<1x512xf32>
    %slice3A_1268 = vector.extract_strided_slice %dot_general3A_1164 {offsets = [448, 0], sizes = [32, 512], strides = [1, 1]} : vector<512x512xf32> to vector<32x512xf32>
    %mul3A_1269 = vector.broadcast %get3A_1267 : vector<1x512xf32> to vector<32x512xf32>
    %mul3A_1270 = arith.mulf %mul3A_1269, %slice3A_1268 : vector<32x512xf32>
    %add3A_1271 = arith.addf %add3A_1264, %mul3A_1270 : vector<32x512xf32>
    %get3A_1272 = arith.constant 15 : index
    %get3A_1273 = arith.constant 0 : index
    %get3A_1274 = vector.load %arg4[%get3A_1272, %get3A_1273] : memref<16x512xf32, #tpu.memory_space<vmem>>, vector<1x512xf32>
    %slice3A_1275 = vector.extract_strided_slice %dot_general3A_1164 {offsets = [480, 0], sizes = [32, 512], strides = [1, 1]} : vector<512x512xf32> to vector<32x512xf32>
    %mul3A_1276 = vector.broadcast %get3A_1274 : vector<1x512xf32> to vector<32x512xf32>
    %mul3A_1277 = arith.mulf %mul3A_1276, %slice3A_1275 : vector<32x512xf32>
    %add3A_1278 = arith.addf %add3A_1271, %mul3A_1277 : vector<32x512xf32>
    %convert_element_type3A_1279 = arith.truncf %add3A_1278 : vector<32x512xf32> to vector<32x512xbf16>
    %swap3A_1280 = arith.constant 288 : index
    %swap3A_1281 = arith.constant 0 : index
    %swap3A_1282 = vector.load %arg12[%swap3A_1280, %swap3A_1281] : memref<640x512xbf16, #tpu.memory_space<vmem>>, vector<32x512xbf16>
    tpu.vector_store %arg12[%swap3A_1280, %swap3A_1281], %convert_element_type3A_1279 {strides = array<i32>} : memref<640x512xbf16, #tpu.memory_space<vmem>>, vector<32x512xbf16>,
    %slice3A_1283 = vector.extract_strided_slice %get3A_38 {offsets = [320, 0], sizes = [32, 512], strides = [1, 1]} : vector<640x512xbf16> to vector<32x512xbf16>
    %slice3A_1284 = vector.extract_strided_slice %convert_element_type3A_49 {offsets = [160, 0], sizes = [16, 512], strides = [1, 1]} : vector<320x512xbf16> to vector<16x512xbf16>
    %concatenate3A_1285 = tpu.concatenate %slice3A_1283, %slice3A_1284 in 0 : vector<32x512xbf16>, vector<16x512xbf16> -> vector<48x512xbf16>
    %dot_general3A_1286 = arith.constant dense<0.000000e+00> : vector<512x512xf32>
    %dot_general3A_1287 = tpu.matmul %get3A_52, %concatenate3A_1285, %dot_general3A_1286 {dimension_numbers = #tpu.dot_dimension_numbers<[1], [0], [0], [1], [0, 0, 1, 1], [], []>, transpose_lhs_hint = false} : vector<512x48xbf16>, vector<48x512xbf16>, vector<512x512xf32> -> vector<512x512xf32>
    %broadcast_in_dim3A_1288 = arith.constant 0.000000e+00 : f32
    %broadcast_in_dim3A_1289 = vector.broadcast %broadcast_in_dim3A_1288 : f32 to vector<32x512xf32>
    %get3A_1290 = arith.constant 0 : index
    %get3A_1291 = arith.constant 0 : index
    %get3A_1292 = vector.load %arg4[%get3A_1290, %get3A_1291] : memref<16x512xf32, #tpu.memory_space<vmem>>, vector<1x512xf32>
    %slice3A_1293 = vector.extract_strided_slice %dot_general3A_1287 {offsets = [0, 0], sizes = [32, 512], strides = [1, 1]} : vector<512x512xf32> to vector<32x512xf32>
    %mul3A_1294 = vector.broadcast %get3A_1292 : vector<1x512xf32> to vector<32x512xf32>
    %mul3A_1295 = arith.mulf %mul3A_1294, %slice3A_1293 : vector<32x512xf32>
    %add3A_1296 = arith.addf %broadcast_in_dim3A_1289, %mul3A_1295 : vector<32x512xf32>
    %get3A_1297 = arith.constant 1 : index
    %get3A_1298 = arith.constant 0 : index
    %get3A_1299 = vector.load %arg4[%get3A_1297, %get3A_1298] : memref<16x512xf32, #tpu.memory_space<vmem>>, vector<1x512xf32>
    %slice3A_1300 = vector.extract_strided_slice %dot_general3A_1287 {offsets = [32, 0], sizes = [32, 512], strides = [1, 1]} : vector<512x512xf32> to vector<32x512xf32>
    %mul3A_1301 = vector.broadcast %get3A_1299 : vector<1x512xf32> to vector<32x512xf32>
    %mul3A_1302 = arith.mulf %mul3A_1301, %slice3A_1300 : vector<32x512xf32>
    %add3A_1303 = arith.addf %add3A_1296, %mul3A_1302 : vector<32x512xf32>
    %get3A_1304 = arith.constant 2 : index
    %get3A_1305 = arith.constant 0 : index
    %get3A_1306 = vector.load %arg4[%get3A_1304, %get3A_1305] : memref<16x512xf32, #tpu.memory_space<vmem>>, vector<1x512xf32>
    %slice3A_1307 = vector.extract_strided_slice %dot_general3A_1287 {offsets = [64, 0], sizes = [32, 512], strides = [1, 1]} : vector<512x512xf32> to vector<32x512xf32>
    %mul3A_1308 = vector.broadcast %get3A_1306 : vector<1x512xf32> to vector<32x512xf32>
    %mul3A_1309 = arith.mulf %mul3A_1308, %slice3A_1307 : vector<32x512xf32>
    %add3A_1310 = arith.addf %add3A_1303, %mul3A_1309 : vector<32x512xf32>
    %get3A_1311 = arith.constant 3 : index
    %get3A_1312 = arith.constant 0 : index
    %get3A_1313 = vector.load %arg4[%get3A_1311, %get3A_1312] : memref<16x512xf32, #tpu.memory_space<vmem>>, vector<1x512xf32>
    %slice3A_1314 = vector.extract_strided_slice %dot_general3A_1287 {offsets = [96, 0], sizes = [32, 512], strides = [1, 1]} : vector<512x512xf32> to vector<32x512xf32>
    %mul3A_1315 = vector.broadcast %get3A_1313 : vector<1x512xf32> to vector<32x512xf32>
    %mul3A_1316 = arith.mulf %mul3A_1315, %slice3A_1314 : vector<32x512xf32>
    %add3A_1317 = arith.addf %add3A_1310, %mul3A_1316 : vector<32x512xf32>
    %get3A_1318 = arith.constant 4 : index
    %get3A_1319 = arith.constant 0 : index
    %get3A_1320 = vector.load %arg4[%get3A_1318, %get3A_1319] : memref<16x512xf32, #tpu.memory_space<vmem>>, vector<1x512xf32>
    %slice3A_1321 = vector.extract_strided_slice %dot_general3A_1287 {offsets = [128, 0], sizes = [32, 512], strides = [1, 1]} : vector<512x512xf32> to vector<32x512xf32>
    %mul3A_1322 = vector.broadcast %get3A_1320 : vector<1x512xf32> to vector<32x512xf32>
    %mul3A_1323 = arith.mulf %mul3A_1322, %slice3A_1321 : vector<32x512xf32>
    %add3A_1324 = arith.addf %add3A_1317, %mul3A_1323 : vector<32x512xf32>
    %get3A_1325 = arith.constant 5 : index
    %get3A_1326 = arith.constant 0 : index
    %get3A_1327 = vector.load %arg4[%get3A_1325, %get3A_1326] : memref<16x512xf32, #tpu.memory_space<vmem>>, vector<1x512xf32>
    %slice3A_1328 = vector.extract_strided_slice %dot_general3A_1287 {offsets = [160, 0], sizes = [32, 512], strides = [1, 1]} : vector<512x512xf32> to vector<32x512xf32>
    %mul3A_1329 = vector.broadcast %get3A_1327 : vector<1x512xf32> to vector<32x512xf32>
    %mul3A_1330 = arith.mulf %mul3A_1329, %slice3A_1328 : vector<32x512xf32>
    %add3A_1331 = arith.addf %add3A_1324, %mul3A_1330 : vector<32x512xf32>
    %get3A_1332 = arith.constant 6 : index
    %get3A_1333 = arith.constant 0 : index
    %get3A_1334 = vector.load %arg4[%get3A_1332, %get3A_1333] : memref<16x512xf32, #tpu.memory_space<vmem>>, vector<1x512xf32>
    %slice3A_1335 = vector.extract_strided_slice %dot_general3A_1287 {offsets = [192, 0], sizes = [32, 512], strides = [1, 1]} : vector<512x512xf32> to vector<32x512xf32>
    %mul3A_1336 = vector.broadcast %get3A_1334 : vector<1x512xf32> to vector<32x512xf32>
    %mul3A_1337 = arith.mulf %mul3A_1336, %slice3A_1335 : vector<32x512xf32>
    %add3A_1338 = arith.addf %add3A_1331, %mul3A_1337 : vector<32x512xf32>
    %get3A_1339 = arith.constant 7 : index
    %get3A_1340 = arith.constant 0 : index
    %get3A_1341 = vector.load %arg4[%get3A_1339, %get3A_1340] : memref<16x512xf32, #tpu.memory_space<vmem>>, vector<1x512xf32>
    %slice3A_1342 = vector.extract_strided_slice %dot_general3A_1287 {offsets = [224, 0], sizes = [32, 512], strides = [1, 1]} : vector<512x512xf32> to vector<32x512xf32>
    %mul3A_1343 = vector.broadcast %get3A_1341 : vector<1x512xf32> to vector<32x512xf32>
    %mul3A_1344 = arith.mulf %mul3A_1343, %slice3A_1342 : vector<32x512xf32>
    %add3A_1345 = arith.addf %add3A_1338, %mul3A_1344 : vector<32x512xf32>
    %get3A_1346 = arith.constant 8 : index
    %get3A_1347 = arith.constant 0 : index
    %get3A_1348 = vector.load %arg4[%get3A_1346, %get3A_1347] : memref<16x512xf32, #tpu.memory_space<vmem>>, vector<1x512xf32>
    %slice3A_1349 = vector.extract_strided_slice %dot_general3A_1287 {offsets = [256, 0], sizes = [32, 512], strides = [1, 1]} : vector<512x512xf32> to vector<32x512xf32>
    %mul3A_1350 = vector.broadcast %get3A_1348 : vector<1x512xf32> to vector<32x512xf32>
    %mul3A_1351 = arith.mulf %mul3A_1350, %slice3A_1349 : vector<32x512xf32>
    %add3A_1352 = arith.addf %add3A_1345, %mul3A_1351 : vector<32x512xf32>
    %get3A_1353 = arith.constant 9 : index
    %get3A_1354 = arith.constant 0 : index
    %get3A_1355 = vector.load %arg4[%get3A_1353, %get3A_1354] : memref<16x512xf32, #tpu.memory_space<vmem>>, vector<1x512xf32>
    %slice3A_1356 = vector.extract_strided_slice %dot_general3A_1287 {offsets = [288, 0], sizes = [32, 512], strides = [1, 1]} : vector<512x512xf32> to vector<32x512xf32>
    %mul3A_1357 = vector.broadcast %get3A_1355 : vector<1x512xf32> to vector<32x512xf32>
    %mul3A_1358 = arith.mulf %mul3A_1357, %slice3A_1356 : vector<32x512xf32>
    %add3A_1359 = arith.addf %add3A_1352, %mul3A_1358 : vector<32x512xf32>
    %get3A_1360 = arith.constant 10 : index
    %get3A_1361 = arith.constant 0 : index
    %get3A_1362 = vector.load %arg4[%get3A_1360, %get3A_1361] : memref<16x512xf32, #tpu.memory_space<vmem>>, vector<1x512xf32>
    %slice3A_1363 = vector.extract_strided_slice %dot_general3A_1287 {offsets = [320, 0], sizes = [32, 512], strides = [1, 1]} : vector<512x512xf32> to vector<32x512xf32>
    %mul3A_1364 = vector.broadcast %get3A_1362 : vector<1x512xf32> to vector<32x512xf32>
    %mul3A_1365 = arith.mulf %mul3A_1364, %slice3A_1363 : vector<32x512xf32>
    %add3A_1366 = arith.addf %add3A_1359, %mul3A_1365 : vector<32x512xf32>
    %get3A_1367 = arith.constant 11 : index
    %get3A_1368 = arith.constant 0 : index
    %get3A_1369 = vector.load %arg4[%get3A_1367, %get3A_1368] : memref<16x512xf32, #tpu.memory_space<vmem>>, vector<1x512xf32>
    %slice3A_1370 = vector.extract_strided_slice %dot_general3A_1287 {offsets = [352, 0], sizes = [32, 512], strides = [1, 1]} : vector<512x512xf32> to vector<32x512xf32>
    %mul3A_1371 = vector.broadcast %get3A_1369 : vector<1x512xf32> to vector<32x512xf32>
    %mul3A_1372 = arith.mulf %mul3A_1371, %slice3A_1370 : vector<32x512xf32>
    %add3A_1373 = arith.addf %add3A_1366, %mul3A_1372 : vector<32x512xf32>
    %get3A_1374 = arith.constant 12 : index
    %get3A_1375 = arith.constant 0 : index
    %get3A_1376 = vector.load %arg4[%get3A_1374, %get3A_1375] : memref<16x512xf32, #tpu.memory_space<vmem>>, vector<1x512xf32>
    %slice3A_1377 = vector.extract_strided_slice %dot_general3A_1287 {offsets = [384, 0], sizes = [32, 512], strides = [1, 1]} : vector<512x512xf32> to vector<32x512xf32>
    %mul3A_1378 = vector.broadcast %get3A_1376 : vector<1x512xf32> to vector<32x512xf32>
    %mul3A_1379 = arith.mulf %mul3A_1378, %slice3A_1377 : vector<32x512xf32>
    %add3A_1380 = arith.addf %add3A_1373, %mul3A_1379 : vector<32x512xf32>
    %get3A_1381 = arith.constant 13 : index
    %get3A_1382 = arith.constant 0 : index
    %get3A_1383 = vector.load %arg4[%get3A_1381, %get3A_1382] : memref<16x512xf32, #tpu.memory_space<vmem>>, vector<1x512xf32>
    %slice3A_1384 = vector.extract_strided_slice %dot_general3A_1287 {offsets = [416, 0], sizes = [32, 512], strides = [1, 1]} : vector<512x512xf32> to vector<32x512xf32>
    %mul3A_1385 = vector.broadcast %get3A_1383 : vector<1x512xf32> to vector<32x512xf32>
    %mul3A_1386 = arith.mulf %mul3A_1385, %slice3A_1384 : vector<32x512xf32>
    %add3A_1387 = arith.addf %add3A_1380, %mul3A_1386 : vector<32x512xf32>
    %get3A_1388 = arith.constant 14 : index
    %get3A_1389 = arith.constant 0 : index
    %get3A_1390 = vector.load %arg4[%get3A_1388, %get3A_1389] : memref<16x512xf32, #tpu.memory_space<vmem>>, vector<1x512xf32>
    %slice3A_1391 = vector.extract_strided_slice %dot_general3A_1287 {offsets = [448, 0], sizes = [32, 512], strides = [1, 1]} : vector<512x512xf32> to vector<32x512xf32>
    %mul3A_1392 = vector.broadcast %get3A_1390 : vector<1x512xf32> to vector<32x512xf32>
    %mul3A_1393 = arith.mulf %mul3A_1392, %slice3A_1391 : vector<32x512xf32>
    %add3A_1394 = arith.addf %add3A_1387, %mul3A_1393 : vector<32x512xf32>
    %get3A_1395 = arith.constant 15 : index
    %get3A_1396 = arith.constant 0 : index
    %get3A_1397 = vector.load %arg4[%get3A_1395, %get3A_1396] : memref<16x512xf32, #tpu.memory_space<vmem>>, vector<1x512xf32>
    %slice3A_1398 = vector.extract_strided_slice %dot_general3A_1287 {offsets = [480, 0], sizes = [32, 512], strides = [1, 1]} : vector<512x512xf32> to vector<32x512xf32>
    %mul3A_1399 = vector.broadcast %get3A_1397 : vector<1x512xf32> to vector<32x512xf32>
    %mul3A_1400 = arith.mulf %mul3A_1399, %slice3A_1398 : vector<32x512xf32>
    %add3A_1401 = arith.addf %add3A_1394, %mul3A_1400 : vector<32x512xf32>
    %convert_element_type3A_1402 = arith.truncf %add3A_1401 : vector<32x512xf32> to vector<32x512xbf16>
    %swap3A_1403 = arith.constant 320 : index
    %swap3A_1404 = arith.constant 0 : index
    %swap3A_1405 = vector.load %arg12[%swap3A_1403, %swap3A_1404] : memref<640x512xbf16, #tpu.memory_space<vmem>>, vector<32x512xbf16>
    tpu.vector_store %arg12[%swap3A_1403, %swap3A_1404], %convert_element_type3A_1402 {strides = array<i32>} : memref<640x512xbf16, #tpu.memory_space<vmem>>, vector<32x512xbf16>,
    %slice3A_1406 = vector.extract_strided_slice %get3A_38 {offsets = [352, 0], sizes = [32, 512], strides = [1, 1]} : vector<640x512xbf16> to vector<32x512xbf16>
    %slice3A_1407 = vector.extract_strided_slice %convert_element_type3A_49 {offsets = [176, 0], sizes = [16, 512], strides = [1, 1]} : vector<320x512xbf16> to vector<16x512xbf16>
    %concatenate3A_1408 = tpu.concatenate %slice3A_1406, %slice3A_1407 in 0 : vector<32x512xbf16>, vector<16x512xbf16> -> vector<48x512xbf16>
    %dot_general3A_1409 = arith.constant dense<0.000000e+00> : vector<512x512xf32>
    %dot_general3A_1410 = tpu.matmul %get3A_52, %concatenate3A_1408, %dot_general3A_1409 {dimension_numbers = #tpu.dot_dimension_numbers<[1], [0], [0], [1], [0, 0, 1, 1], [], []>, transpose_lhs_hint = false} : vector<512x48xbf16>, vector<48x512xbf16>, vector<512x512xf32> -> vector<512x512xf32>
    %broadcast_in_dim3A_1411 = arith.constant 0.000000e+00 : f32
    %broadcast_in_dim3A_1412 = vector.broadcast %broadcast_in_dim3A_1411 : f32 to vector<32x512xf32>
    %get3A_1413 = arith.constant 0 : index
    %get3A_1414 = arith.constant 0 : index
    %get3A_1415 = vector.load %arg4[%get3A_1413, %get3A_1414] : memref<16x512xf32, #tpu.memory_space<vmem>>, vector<1x512xf32>
    %slice3A_1416 = vector.extract_strided_slice %dot_general3A_1410 {offsets = [0, 0], sizes = [32, 512], strides = [1, 1]} : vector<512x512xf32> to vector<32x512xf32>
    %mul3A_1417 = vector.broadcast %get3A_1415 : vector<1x512xf32> to vector<32x512xf32>
    %mul3A_1418 = arith.mulf %mul3A_1417, %slice3A_1416 : vector<32x512xf32>
    %add3A_1419 = arith.addf %broadcast_in_dim3A_1412, %mul3A_1418 : vector<32x512xf32>
    %get3A_1420 = arith.constant 1 : index
    %get3A_1421 = arith.constant 0 : index
    %get3A_1422 = vector.load %arg4[%get3A_1420, %get3A_1421] : memref<16x512xf32, #tpu.memory_space<vmem>>, vector<1x512xf32>
    %slice3A_1423 = vector.extract_strided_slice %dot_general3A_1410 {offsets = [32, 0], sizes = [32, 512], strides = [1, 1]} : vector<512x512xf32> to vector<32x512xf32>
    %mul3A_1424 = vector.broadcast %get3A_1422 : vector<1x512xf32> to vector<32x512xf32>
    %mul3A_1425 = arith.mulf %mul3A_1424, %slice3A_1423 : vector<32x512xf32>
    %add3A_1426 = arith.addf %add3A_1419, %mul3A_1425 : vector<32x512xf32>
    %get3A_1427 = arith.constant 2 : index
    %get3A_1428 = arith.constant 0 : index
    %get3A_1429 = vector.load %arg4[%get3A_1427, %get3A_1428] : memref<16x512xf32, #tpu.memory_space<vmem>>, vector<1x512xf32>
    %slice3A_1430 = vector.extract_strided_slice %dot_general3A_1410 {offsets = [64, 0], sizes = [32, 512], strides = [1, 1]} : vector<512x512xf32> to vector<32x512xf32>
    %mul3A_1431 = vector.broadcast %get3A_1429 : vector<1x512xf32> to vector<32x512xf32>
    %mul3A_1432 = arith.mulf %mul3A_1431, %slice3A_1430 : vector<32x512xf32>
    %add3A_1433 = arith.addf %add3A_1426, %mul3A_1432 : vector<32x512xf32>
    %get3A_1434 = arith.constant 3 : index
    %get3A_1435 = arith.constant 0 : index
    %get3A_1436 = vector.load %arg4[%get3A_1434, %get3A_1435] : memref<16x512xf32, #tpu.memory_space<vmem>>, vector<1x512xf32>
    %slice3A_1437 = vector.extract_strided_slice %dot_general3A_1410 {offsets = [96, 0], sizes = [32, 512], strides = [1, 1]} : vector<512x512xf32> to vector<32x512xf32>
    %mul3A_1438 = vector.broadcast %get3A_1436 : vector<1x512xf32> to vector<32x512xf32>
    %mul3A_1439 = arith.mulf %mul3A_1438, %slice3A_1437 : vector<32x512xf32>
    %add3A_1440 = arith.addf %add3A_1433, %mul3A_1439 : vector<32x512xf32>
    %get3A_1441 = arith.constant 4 : index
    %get3A_1442 = arith.constant 0 : index
    %get3A_1443 = vector.load %arg4[%get3A_1441, %get3A_1442] : memref<16x512xf32, #tpu.memory_space<vmem>>, vector<1x512xf32>
    %slice3A_1444 = vector.extract_strided_slice %dot_general3A_1410 {offsets = [128, 0], sizes = [32, 512], strides = [1, 1]} : vector<512x512xf32> to vector<32x512xf32>
    %mul3A_1445 = vector.broadcast %get3A_1443 : vector<1x512xf32> to vector<32x512xf32>
    %mul3A_1446 = arith.mulf %mul3A_1445, %slice3A_1444 : vector<32x512xf32>
    %add3A_1447 = arith.addf %add3A_1440, %mul3A_1446 : vector<32x512xf32>
    %get3A_1448 = arith.constant 5 : index
    %get3A_1449 = arith.constant 0 : index
    %get3A_1450 = vector.load %arg4[%get3A_1448, %get3A_1449] : memref<16x512xf32, #tpu.memory_space<vmem>>, vector<1x512xf32>
    %slice3A_1451 = vector.extract_strided_slice %dot_general3A_1410 {offsets = [160, 0], sizes = [32, 512], strides = [1, 1]} : vector<512x512xf32> to vector<32x512xf32>
    %mul3A_1452 = vector.broadcast %get3A_1450 : vector<1x512xf32> to vector<32x512xf32>
    %mul3A_1453 = arith.mulf %mul3A_1452, %slice3A_1451 : vector<32x512xf32>
    %add3A_1454 = arith.addf %add3A_1447, %mul3A_1453 : vector<32x512xf32>
    %get3A_1455 = arith.constant 6 : index
    %get3A_1456 = arith.constant 0 : index
    %get3A_1457 = vector.load %arg4[%get3A_1455, %get3A_1456] : memref<16x512xf32, #tpu.memory_space<vmem>>, vector<1x512xf32>
    %slice3A_1458 = vector.extract_strided_slice %dot_general3A_1410 {offsets = [192, 0], sizes = [32, 512], strides = [1, 1]} : vector<512x512xf32> to vector<32x512xf32>
    %mul3A_1459 = vector.broadcast %get3A_1457 : vector<1x512xf32> to vector<32x512xf32>
    %mul3A_1460 = arith.mulf %mul3A_1459, %slice3A_1458 : vector<32x512xf32>
    %add3A_1461 = arith.addf %add3A_1454, %mul3A_1460 : vector<32x512xf32>
    %get3A_1462 = arith.constant 7 : index
    %get3A_1463 = arith.constant 0 : index
    %get3A_1464 = vector.load %arg4[%get3A_1462, %get3A_1463] : memref<16x512xf32, #tpu.memory_space<vmem>>, vector<1x512xf32>
    %slice3A_1465 = vector.extract_strided_slice %dot_general3A_1410 {offsets = [224, 0], sizes = [32, 512], strides = [1, 1]} : vector<512x512xf32> to vector<32x512xf32>
    %mul3A_1466 = vector.broadcast %get3A_1464 : vector<1x512xf32> to vector<32x512xf32>
    %mul3A_1467 = arith.mulf %mul3A_1466, %slice3A_1465 : vector<32x512xf32>
    %add3A_1468 = arith.addf %add3A_1461, %mul3A_1467 : vector<32x512xf32>
    %get3A_1469 = arith.constant 8 : index
    %get3A_1470 = arith.constant 0 : index
    %get3A_1471 = vector.load %arg4[%get3A_1469, %get3A_1470] : memref<16x512xf32, #tpu.memory_space<vmem>>, vector<1x512xf32>
    %slice3A_1472 = vector.extract_strided_slice %dot_general3A_1410 {offsets = [256, 0], sizes = [32, 512], strides = [1, 1]} : vector<512x512xf32> to vector<32x512xf32>
    %mul3A_1473 = vector.broadcast %get3A_1471 : vector<1x512xf32> to vector<32x512xf32>
    %mul3A_1474 = arith.mulf %mul3A_1473, %slice3A_1472 : vector<32x512xf32>
    %add3A_1475 = arith.addf %add3A_1468, %mul3A_1474 : vector<32x512xf32>
    %get3A_1476 = arith.constant 9 : index
    %get3A_1477 = arith.constant 0 : index
    %get3A_1478 = vector.load %arg4[%get3A_1476, %get3A_1477] : memref<16x512xf32, #tpu.memory_space<vmem>>, vector<1x512xf32>
    %slice3A_1479 = vector.extract_strided_slice %dot_general3A_1410 {offsets = [288, 0], sizes = [32, 512], strides = [1, 1]} : vector<512x512xf32> to vector<32x512xf32>
    %mul3A_1480 = vector.broadcast %get3A_1478 : vector<1x512xf32> to vector<32x512xf32>
    %mul3A_1481 = arith.mulf %mul3A_1480, %slice3A_1479 : vector<32x512xf32>
    %add3A_1482 = arith.addf %add3A_1475, %mul3A_1481 : vector<32x512xf32>
    %get3A_1483 = arith.constant 10 : index
    %get3A_1484 = arith.constant 0 : index
    %get3A_1485 = vector.load %arg4[%get3A_1483, %get3A_1484] : memref<16x512xf32, #tpu.memory_space<vmem>>, vector<1x512xf32>
    %slice3A_1486 = vector.extract_strided_slice %dot_general3A_1410 {offsets = [320, 0], sizes = [32, 512], strides = [1, 1]} : vector<512x512xf32> to vector<32x512xf32>
    %mul3A_1487 = vector.broadcast %get3A_1485 : vector<1x512xf32> to vector<32x512xf32>
    %mul3A_1488 = arith.mulf %mul3A_1487, %slice3A_1486 : vector<32x512xf32>
    %add3A_1489 = arith.addf %add3A_1482, %mul3A_1488 : vector<32x512xf32>
    %get3A_1490 = arith.constant 11 : index
    %get3A_1491 = arith.constant 0 : index
    %get3A_1492 = vector.load %arg4[%get3A_1490, %get3A_1491] : memref<16x512xf32, #tpu.memory_space<vmem>>, vector<1x512xf32>
    %slice3A_1493 = vector.extract_strided_slice %dot_general3A_1410 {offsets = [352, 0], sizes = [32, 512], strides = [1, 1]} : vector<512x512xf32> to vector<32x512xf32>
    %mul3A_1494 = vector.broadcast %get3A_1492 : vector<1x512xf32> to vector<32x512xf32>
    %mul3A_1495 = arith.mulf %mul3A_1494, %slice3A_1493 : vector<32x512xf32>
    %add3A_1496 = arith.addf %add3A_1489, %mul3A_1495 : vector<32x512xf32>
    %get3A_1497 = arith.constant 12 : index
    %get3A_1498 = arith.constant 0 : index
    %get3A_1499 = vector.load %arg4[%get3A_1497, %get3A_1498] : memref<16x512xf32, #tpu.memory_space<vmem>>, vector<1x512xf32>
    %slice3A_1500 = vector.extract_strided_slice %dot_general3A_1410 {offsets = [384, 0], sizes = [32, 512], strides = [1, 1]} : vector<512x512xf32> to vector<32x512xf32>
    %mul3A_1501 = vector.broadcast %get3A_1499 : vector<1x512xf32> to vector<32x512xf32>
    %mul3A_1502 = arith.mulf %mul3A_1501, %slice3A_1500 : vector<32x512xf32>
    %add3A_1503 = arith.addf %add3A_1496, %mul3A_1502 : vector<32x512xf32>
    %get3A_1504 = arith.constant 13 : index
    %get3A_1505 = arith.constant 0 : index
    %get3A_1506 = vector.load %arg4[%get3A_1504, %get3A_1505] : memref<16x512xf32, #tpu.memory_space<vmem>>, vector<1x512xf32>
    %slice3A_1507 = vector.extract_strided_slice %dot_general3A_1410 {offsets = [416, 0], sizes = [32, 512], strides = [1, 1]} : vector<512x512xf32> to vector<32x512xf32>
    %mul3A_1508 = vector.broadcast %get3A_1506 : vector<1x512xf32> to vector<32x512xf32>
    %mul3A_1509 = arith.mulf %mul3A_1508, %slice3A_1507 : vector<32x512xf32>
    %add3A_1510 = arith.addf %add3A_1503, %mul3A_1509 : vector<32x512xf32>
    %get3A_1511 = arith.constant 14 : index
    %get3A_1512 = arith.constant 0 : index
    %get3A_1513 = vector.load %arg4[%get3A_1511, %get3A_1512] : memref<16x512xf32, #tpu.memory_space<vmem>>, vector<1x512xf32>
    %slice3A_1514 = vector.extract_strided_slice %dot_general3A_1410 {offsets = [448, 0], sizes = [32, 512], strides = [1, 1]} : vector<512x512xf32> to vector<32x512xf32>
    %mul3A_1515 = vector.broadcast %get3A_1513 : vector<1x512xf32> to vector<32x512xf32>
    %mul3A_1516 = arith.mulf %mul3A_1515, %slice3A_1514 : vector<32x512xf32>
    %add3A_1517 = arith.addf %add3A_1510, %mul3A_1516 : vector<32x512xf32>
    %get3A_1518 = arith.constant 15 : index
    %get3A_1519 = arith.constant 0 : index
    %get3A_1520 = vector.load %arg4[%get3A_1518, %get3A_1519] : memref<16x512xf32, #tpu.memory_space<vmem>>, vector<1x512xf32>
    %slice3A_1521 = vector.extract_strided_slice %dot_general3A_1410 {offsets = [480, 0], sizes = [32, 512], strides = [1, 1]} : vector<512x512xf32> to vector<32x512xf32>
    %mul3A_1522 = vector.broadcast %get3A_1520 : vector<1x512xf32> to vector<32x512xf32>
    %mul3A_1523 = arith.mulf %mul3A_1522, %slice3A_1521 : vector<32x512xf32>
    %add3A_1524 = arith.addf %add3A_1517, %mul3A_1523 : vector<32x512xf32>
    %convert_element_type3A_1525 = arith.truncf %add3A_1524 : vector<32x512xf32> to vector<32x512xbf16>
    %swap3A_1526 = arith.constant 352 : index
    %swap3A_1527 = arith.constant 0 : index
    %swap3A_1528 = vector.load %arg12[%swap3A_1526, %swap3A_1527] : memref<640x512xbf16, #tpu.memory_space<vmem>>, vector<32x512xbf16>
    tpu.vector_store %arg12[%swap3A_1526, %swap3A_1527], %convert_element_type3A_1525 {strides = array<i32>} : memref<640x512xbf16, #tpu.memory_space<vmem>>, vector<32x512xbf16>,
    %slice3A_1529 = vector.extract_strided_slice %get3A_38 {offsets = [384, 0], sizes = [32, 512], strides = [1, 1]} : vector<640x512xbf16> to vector<32x512xbf16>
    %slice3A_1530 = vector.extract_strided_slice %convert_element_type3A_49 {offsets = [192, 0], sizes = [16, 512], strides = [1, 1]} : vector<320x512xbf16> to vector<16x512xbf16>
    %concatenate3A_1531 = tpu.concatenate %slice3A_1529, %slice3A_1530 in 0 : vector<32x512xbf16>, vector<16x512xbf16> -> vector<48x512xbf16>
    %dot_general3A_1532 = arith.constant dense<0.000000e+00> : vector<512x512xf32>
    %dot_general3A_1533 = tpu.matmul %get3A_52, %concatenate3A_1531, %dot_general3A_1532 {dimension_numbers = #tpu.dot_dimension_numbers<[1], [0], [0], [1], [0, 0, 1, 1], [], []>, transpose_lhs_hint = false} : vector<512x48xbf16>, vector<48x512xbf16>, vector<512x512xf32> -> vector<512x512xf32>
    %broadcast_in_dim3A_1534 = arith.constant 0.000000e+00 : f32
    %broadcast_in_dim3A_1535 = vector.broadcast %broadcast_in_dim3A_1534 : f32 to vector<32x512xf32>
    %get3A_1536 = arith.constant 0 : index
    %get3A_1537 = arith.constant 0 : index
    %get3A_1538 = vector.load %arg4[%get3A_1536, %get3A_1537] : memref<16x512xf32, #tpu.memory_space<vmem>>, vector<1x512xf32>
    %slice3A_1539 = vector.extract_strided_slice %dot_general3A_1533 {offsets = [0, 0], sizes = [32, 512], strides = [1, 1]} : vector<512x512xf32> to vector<32x512xf32>
    %mul3A_1540 = vector.broadcast %get3A_1538 : vector<1x512xf32> to vector<32x512xf32>
    %mul3A_1541 = arith.mulf %mul3A_1540, %slice3A_1539 : vector<32x512xf32>
    %add3A_1542 = arith.addf %broadcast_in_dim3A_1535, %mul3A_1541 : vector<32x512xf32>
    %get3A_1543 = arith.constant 1 : index
    %get3A_1544 = arith.constant 0 : index
    %get3A_1545 = vector.load %arg4[%get3A_1543, %get3A_1544] : memref<16x512xf32, #tpu.memory_space<vmem>>, vector<1x512xf32>
    %slice3A_1546 = vector.extract_strided_slice %dot_general3A_1533 {offsets = [32, 0], sizes = [32, 512], strides = [1, 1]} : vector<512x512xf32> to vector<32x512xf32>
    %mul3A_1547 = vector.broadcast %get3A_1545 : vector<1x512xf32> to vector<32x512xf32>
    %mul3A_1548 = arith.mulf %mul3A_1547, %slice3A_1546 : vector<32x512xf32>
    %add3A_1549 = arith.addf %add3A_1542, %mul3A_1548 : vector<32x512xf32>
    %get3A_1550 = arith.constant 2 : index
    %get3A_1551 = arith.constant 0 : index
    %get3A_1552 = vector.load %arg4[%get3A_1550, %get3A_1551] : memref<16x512xf32, #tpu.memory_space<vmem>>, vector<1x512xf32>
    %slice3A_1553 = vector.extract_strided_slice %dot_general3A_1533 {offsets = [64, 0], sizes = [32, 512], strides = [1, 1]} : vector<512x512xf32> to vector<32x512xf32>
    %mul3A_1554 = vector.broadcast %get3A_1552 : vector<1x512xf32> to vector<32x512xf32>
    %mul3A_1555 = arith.mulf %mul3A_1554, %slice3A_1553 : vector<32x512xf32>
    %add3A_1556 = arith.addf %add3A_1549, %mul3A_1555 : vector<32x512xf32>
    %get3A_1557 = arith.constant 3 : index
    %get3A_1558 = arith.constant 0 : index
    %get3A_1559 = vector.load %arg4[%get3A_1557, %get3A_1558] : memref<16x512xf32, #tpu.memory_space<vmem>>, vector<1x512xf32>
    %slice3A_1560 = vector.extract_strided_slice %dot_general3A_1533 {offsets = [96, 0], sizes = [32, 512], strides = [1, 1]} : vector<512x512xf32> to vector<32x512xf32>
    %mul3A_1561 = vector.broadcast %get3A_1559 : vector<1x512xf32> to vector<32x512xf32>
    %mul3A_1562 = arith.mulf %mul3A_1561, %slice3A_1560 : vector<32x512xf32>
    %add3A_1563 = arith.addf %add3A_1556, %mul3A_1562 : vector<32x512xf32>
    %get3A_1564 = arith.constant 4 : index
    %get3A_1565 = arith.constant 0 : index
    %get3A_1566 = vector.load %arg4[%get3A_1564, %get3A_1565] : memref<16x512xf32, #tpu.memory_space<vmem>>, vector<1x512xf32>
    %slice3A_1567 = vector.extract_strided_slice %dot_general3A_1533 {offsets = [128, 0], sizes = [32, 512], strides = [1, 1]} : vector<512x512xf32> to vector<32x512xf32>
    %mul3A_1568 = vector.broadcast %get3A_1566 : vector<1x512xf32> to vector<32x512xf32>
    %mul3A_1569 = arith.mulf %mul3A_1568, %slice3A_1567 : vector<32x512xf32>
    %add3A_1570 = arith.addf %add3A_1563, %mul3A_1569 : vector<32x512xf32>
    %get3A_1571 = arith.constant 5 : index
    %get3A_1572 = arith.constant 0 : index
    %get3A_1573 = vector.load %arg4[%get3A_1571, %get3A_1572] : memref<16x512xf32, #tpu.memory_space<vmem>>, vector<1x512xf32>
    %slice3A_1574 = vector.extract_strided_slice %dot_general3A_1533 {offsets = [160, 0], sizes = [32, 512], strides = [1, 1]} : vector<512x512xf32> to vector<32x512xf32>
    %mul3A_1575 = vector.broadcast %get3A_1573 : vector<1x512xf32> to vector<32x512xf32>
    %mul3A_1576 = arith.mulf %mul3A_1575, %slice3A_1574 : vector<32x512xf32>
    %add3A_1577 = arith.addf %add3A_1570, %mul3A_1576 : vector<32x512xf32>
    %get3A_1578 = arith.constant 6 : index
    %get3A_1579 = arith.constant 0 : index
    %get3A_1580 = vector.load %arg4[%get3A_1578, %get3A_1579] : memref<16x512xf32, #tpu.memory_space<vmem>>, vector<1x512xf32>
    %slice3A_1581 = vector.extract_strided_slice %dot_general3A_1533 {offsets = [192, 0], sizes = [32, 512], strides = [1, 1]} : vector<512x512xf32> to vector<32x512xf32>
    %mul3A_1582 = vector.broadcast %get3A_1580 : vector<1x512xf32> to vector<32x512xf32>
    %mul3A_1583 = arith.mulf %mul3A_1582, %slice3A_1581 : vector<32x512xf32>
    %add3A_1584 = arith.addf %add3A_1577, %mul3A_1583 : vector<32x512xf32>
    %get3A_1585 = arith.constant 7 : index
    %get3A_1586 = arith.constant 0 : index
    %get3A_1587 = vector.load %arg4[%get3A_1585, %get3A_1586] : memref<16x512xf32, #tpu.memory_space<vmem>>, vector<1x512xf32>
    %slice3A_1588 = vector.extract_strided_slice %dot_general3A_1533 {offsets = [224, 0], sizes = [32, 512], strides = [1, 1]} : vector<512x512xf32> to vector<32x512xf32>
    %mul3A_1589 = vector.broadcast %get3A_1587 : vector<1x512xf32> to vector<32x512xf32>
    %mul3A_1590 = arith.mulf %mul3A_1589, %slice3A_1588 : vector<32x512xf32>
    %add3A_1591 = arith.addf %add3A_1584, %mul3A_1590 : vector<32x512xf32>
    %get3A_1592 = arith.constant 8 : index
    %get3A_1593 = arith.constant 0 : index
    %get3A_1594 = vector.load %arg4[%get3A_1592, %get3A_1593] : memref<16x512xf32, #tpu.memory_space<vmem>>, vector<1x512xf32>
    %slice3A_1595 = vector.extract_strided_slice %dot_general3A_1533 {offsets = [256, 0], sizes = [32, 512], strides = [1, 1]} : vector<512x512xf32> to vector<32x512xf32>
    %mul3A_1596 = vector.broadcast %get3A_1594 : vector<1x512xf32> to vector<32x512xf32>
    %mul3A_1597 = arith.mulf %mul3A_1596, %slice3A_1595 : vector<32x512xf32>
    %add3A_1598 = arith.addf %add3A_1591, %mul3A_1597 : vector<32x512xf32>
    %get3A_1599 = arith.constant 9 : index
    %get3A_1600 = arith.constant 0 : index
    %get3A_1601 = vector.load %arg4[%get3A_1599, %get3A_1600] : memref<16x512xf32, #tpu.memory_space<vmem>>, vector<1x512xf32>
    %slice3A_1602 = vector.extract_strided_slice %dot_general3A_1533 {offsets = [288, 0], sizes = [32, 512], strides = [1, 1]} : vector<512x512xf32> to vector<32x512xf32>
    %mul3A_1603 = vector.broadcast %get3A_1601 : vector<1x512xf32> to vector<32x512xf32>
    %mul3A_1604 = arith.mulf %mul3A_1603, %slice3A_1602 : vector<32x512xf32>
    %add3A_1605 = arith.addf %add3A_1598, %mul3A_1604 : vector<32x512xf32>
    %get3A_1606 = arith.constant 10 : index
    %get3A_1607 = arith.constant 0 : index
    %get3A_1608 = vector.load %arg4[%get3A_1606, %get3A_1607] : memref<16x512xf32, #tpu.memory_space<vmem>>, vector<1x512xf32>
    %slice3A_1609 = vector.extract_strided_slice %dot_general3A_1533 {offsets = [320, 0], sizes = [32, 512], strides = [1, 1]} : vector<512x512xf32> to vector<32x512xf32>
    %mul3A_1610 = vector.broadcast %get3A_1608 : vector<1x512xf32> to vector<32x512xf32>
    %mul3A_1611 = arith.mulf %mul3A_1610, %slice3A_1609 : vector<32x512xf32>
    %add3A_1612 = arith.addf %add3A_1605, %mul3A_1611 : vector<32x512xf32>
    %get3A_1613 = arith.constant 11 : index
    %get3A_1614 = arith.constant 0 : index
    %get3A_1615 = vector.load %arg4[%get3A_1613, %get3A_1614] : memref<16x512xf32, #tpu.memory_space<vmem>>, vector<1x512xf32>
    %slice3A_1616 = vector.extract_strided_slice %dot_general3A_1533 {offsets = [352, 0], sizes = [32, 512], strides = [1, 1]} : vector<512x512xf32> to vector<32x512xf32>
    %mul3A_1617 = vector.broadcast %get3A_1615 : vector<1x512xf32> to vector<32x512xf32>
    %mul3A_1618 = arith.mulf %mul3A_1617, %slice3A_1616 : vector<32x512xf32>
    %add3A_1619 = arith.addf %add3A_1612, %mul3A_1618 : vector<32x512xf32>
    %get3A_1620 = arith.constant 12 : index
    %get3A_1621 = arith.constant 0 : index
    %get3A_1622 = vector.load %arg4[%get3A_1620, %get3A_1621] : memref<16x512xf32, #tpu.memory_space<vmem>>, vector<1x512xf32>
    %slice3A_1623 = vector.extract_strided_slice %dot_general3A_1533 {offsets = [384, 0], sizes = [32, 512], strides = [1, 1]} : vector<512x512xf32> to vector<32x512xf32>
    %mul3A_1624 = vector.broadcast %get3A_1622 : vector<1x512xf32> to vector<32x512xf32>
    %mul3A_1625 = arith.mulf %mul3A_1624, %slice3A_1623 : vector<32x512xf32>
    %add3A_1626 = arith.addf %add3A_1619, %mul3A_1625 : vector<32x512xf32>
    %get3A_1627 = arith.constant 13 : index
    %get3A_1628 = arith.constant 0 : index
    %get3A_1629 = vector.load %arg4[%get3A_1627, %get3A_1628] : memref<16x512xf32, #tpu.memory_space<vmem>>, vector<1x512xf32>
    %slice3A_1630 = vector.extract_strided_slice %dot_general3A_1533 {offsets = [416, 0], sizes = [32, 512], strides = [1, 1]} : vector<512x512xf32> to vector<32x512xf32>
    %mul3A_1631 = vector.broadcast %get3A_1629 : vector<1x512xf32> to vector<32x512xf32>
    %mul3A_1632 = arith.mulf %mul3A_1631, %slice3A_1630 : vector<32x512xf32>
    %add3A_1633 = arith.addf %add3A_1626, %mul3A_1632 : vector<32x512xf32>
    %get3A_1634 = arith.constant 14 : index
    %get3A_1635 = arith.constant 0 : index
    %get3A_1636 = vector.load %arg4[%get3A_1634, %get3A_1635] : memref<16x512xf32, #tpu.memory_space<vmem>>, vector<1x512xf32>
    %slice3A_1637 = vector.extract_strided_slice %dot_general3A_1533 {offsets = [448, 0], sizes = [32, 512], strides = [1, 1]} : vector<512x512xf32> to vector<32x512xf32>
    %mul3A_1638 = vector.broadcast %get3A_1636 : vector<1x512xf32> to vector<32x512xf32>
    %mul3A_1639 = arith.mulf %mul3A_1638, %slice3A_1637 : vector<32x512xf32>
    %add3A_1640 = arith.addf %add3A_1633, %mul3A_1639 : vector<32x512xf32>
    %get3A_1641 = arith.constant 15 : index
    %get3A_1642 = arith.constant 0 : index
    %get3A_1643 = vector.load %arg4[%get3A_1641, %get3A_1642] : memref<16x512xf32, #tpu.memory_space<vmem>>, vector<1x512xf32>
    %slice3A_1644 = vector.extract_strided_slice %dot_general3A_1533 {offsets = [480, 0], sizes = [32, 512], strides = [1, 1]} : vector<512x512xf32> to vector<32x512xf32>
    %mul3A_1645 = vector.broadcast %get3A_1643 : vector<1x512xf32> to vector<32x512xf32>
    %mul3A_1646 = arith.mulf %mul3A_1645, %slice3A_1644 : vector<32x512xf32>
    %add3A_1647 = arith.addf %add3A_1640, %mul3A_1646 : vector<32x512xf32>
    %convert_element_type3A_1648 = arith.truncf %add3A_1647 : vector<32x512xf32> to vector<32x512xbf16>
    %swap3A_1649 = arith.constant 384 : index
    %swap3A_1650 = arith.constant 0 : index
    %swap3A_1651 = vector.load %arg12[%swap3A_1649, %swap3A_1650] : memref<640x512xbf16, #tpu.memory_space<vmem>>, vector<32x512xbf16>
    tpu.vector_store %arg12[%swap3A_1649, %swap3A_1650], %convert_element_type3A_1648 {strides = array<i32>} : memref<640x512xbf16, #tpu.memory_space<vmem>>, vector<32x512xbf16>,
    %slice3A_1652 = vector.extract_strided_slice %get3A_38 {offsets = [416, 0], sizes = [32, 512], strides = [1, 1]} : vector<640x512xbf16> to vector<32x512xbf16>
    %slice3A_1653 = vector.extract_strided_slice %convert_element_type3A_49 {offsets = [208, 0], sizes = [16, 512], strides = [1, 1]} : vector<320x512xbf16> to vector<16x512xbf16>
    %concatenate3A_1654 = tpu.concatenate %slice3A_1652, %slice3A_1653 in 0 : vector<32x512xbf16>, vector<16x512xbf16> -> vector<48x512xbf16>
    %dot_general3A_1655 = arith.constant dense<0.000000e+00> : vector<512x512xf32>
    %dot_general3A_1656 = tpu.matmul %get3A_52, %concatenate3A_1654, %dot_general3A_1655 {dimension_numbers = #tpu.dot_dimension_numbers<[1], [0], [0], [1], [0, 0, 1, 1], [], []>, transpose_lhs_hint = false} : vector<512x48xbf16>, vector<48x512xbf16>, vector<512x512xf32> -> vector<512x512xf32>
    %broadcast_in_dim3A_1657 = arith.constant 0.000000e+00 : f32
    %broadcast_in_dim3A_1658 = vector.broadcast %broadcast_in_dim3A_1657 : f32 to vector<32x512xf32>
    %get3A_1659 = arith.constant 0 : index
    %get3A_1660 = arith.constant 0 : index
    %get3A_1661 = vector.load %arg4[%get3A_1659, %get3A_1660] : memref<16x512xf32, #tpu.memory_space<vmem>>, vector<1x512xf32>
    %slice3A_1662 = vector.extract_strided_slice %dot_general3A_1656 {offsets = [0, 0], sizes = [32, 512], strides = [1, 1]} : vector<512x512xf32> to vector<32x512xf32>
    %mul3A_1663 = vector.broadcast %get3A_1661 : vector<1x512xf32> to vector<32x512xf32>
    %mul3A_1664 = arith.mulf %mul3A_1663, %slice3A_1662 : vector<32x512xf32>
    %add3A_1665 = arith.addf %broadcast_in_dim3A_1658, %mul3A_1664 : vector<32x512xf32>
    %get3A_1666 = arith.constant 1 : index
    %get3A_1667 = arith.constant 0 : index
    %get3A_1668 = vector.load %arg4[%get3A_1666, %get3A_1667] : memref<16x512xf32, #tpu.memory_space<vmem>>, vector<1x512xf32>
    %slice3A_1669 = vector.extract_strided_slice %dot_general3A_1656 {offsets = [32, 0], sizes = [32, 512], strides = [1, 1]} : vector<512x512xf32> to vector<32x512xf32>
    %mul3A_1670 = vector.broadcast %get3A_1668 : vector<1x512xf32> to vector<32x512xf32>
    %mul3A_1671 = arith.mulf %mul3A_1670, %slice3A_1669 : vector<32x512xf32>
    %add3A_1672 = arith.addf %add3A_1665, %mul3A_1671 : vector<32x512xf32>
    %get3A_1673 = arith.constant 2 : index
    %get3A_1674 = arith.constant 0 : index
    %get3A_1675 = vector.load %arg4[%get3A_1673, %get3A_1674] : memref<16x512xf32, #tpu.memory_space<vmem>>, vector<1x512xf32>
    %slice3A_1676 = vector.extract_strided_slice %dot_general3A_1656 {offsets = [64, 0], sizes = [32, 512], strides = [1, 1]} : vector<512x512xf32> to vector<32x512xf32>
    %mul3A_1677 = vector.broadcast %get3A_1675 : vector<1x512xf32> to vector<32x512xf32>
    %mul3A_1678 = arith.mulf %mul3A_1677, %slice3A_1676 : vector<32x512xf32>
    %add3A_1679 = arith.addf %add3A_1672, %mul3A_1678 : vector<32x512xf32>
    %get3A_1680 = arith.constant 3 : index
    %get3A_1681 = arith.constant 0 : index
    %get3A_1682 = vector.load %arg4[%get3A_1680, %get3A_1681] : memref<16x512xf32, #tpu.memory_space<vmem>>, vector<1x512xf32>
    %slice3A_1683 = vector.extract_strided_slice %dot_general3A_1656 {offsets = [96, 0], sizes = [32, 512], strides = [1, 1]} : vector<512x512xf32> to vector<32x512xf32>
    %mul3A_1684 = vector.broadcast %get3A_1682 : vector<1x512xf32> to vector<32x512xf32>
    %mul3A_1685 = arith.mulf %mul3A_1684, %slice3A_1683 : vector<32x512xf32>
    %add3A_1686 = arith.addf %add3A_1679, %mul3A_1685 : vector<32x512xf32>
    %get3A_1687 = arith.constant 4 : index
    %get3A_1688 = arith.constant 0 : index
    %get3A_1689 = vector.load %arg4[%get3A_1687, %get3A_1688] : memref<16x512xf32, #tpu.memory_space<vmem>>, vector<1x512xf32>
    %slice3A_1690 = vector.extract_strided_slice %dot_general3A_1656 {offsets = [128, 0], sizes = [32, 512], strides = [1, 1]} : vector<512x512xf32> to vector<32x512xf32>
    %mul3A_1691 = vector.broadcast %get3A_1689 : vector<1x512xf32> to vector<32x512xf32>
    %mul3A_1692 = arith.mulf %mul3A_1691, %slice3A_1690 : vector<32x512xf32>
    %add3A_1693 = arith.addf %add3A_1686, %mul3A_1692 : vector<32x512xf32>
    %get3A_1694 = arith.constant 5 : index
    %get3A_1695 = arith.constant 0 : index
    %get3A_1696 = vector.load %arg4[%get3A_1694, %get3A_1695] : memref<16x512xf32, #tpu.memory_space<vmem>>, vector<1x512xf32>
    %slice3A_1697 = vector.extract_strided_slice %dot_general3A_1656 {offsets = [160, 0], sizes = [32, 512], strides = [1, 1]} : vector<512x512xf32> to vector<32x512xf32>
    %mul3A_1698 = vector.broadcast %get3A_1696 : vector<1x512xf32> to vector<32x512xf32>
    %mul3A_1699 = arith.mulf %mul3A_1698, %slice3A_1697 : vector<32x512xf32>
    %add3A_1700 = arith.addf %add3A_1693, %mul3A_1699 : vector<32x512xf32>
    %get3A_1701 = arith.constant 6 : index
    %get3A_1702 = arith.constant 0 : index
    %get3A_1703 = vector.load %arg4[%get3A_1701, %get3A_1702] : memref<16x512xf32, #tpu.memory_space<vmem>>, vector<1x512xf32>
    %slice3A_1704 = vector.extract_strided_slice %dot_general3A_1656 {offsets = [192, 0], sizes = [32, 512], strides = [1, 1]} : vector<512x512xf32> to vector<32x512xf32>
    %mul3A_1705 = vector.broadcast %get3A_1703 : vector<1x512xf32> to vector<32x512xf32>
    %mul3A_1706 = arith.mulf %mul3A_1705, %slice3A_1704 : vector<32x512xf32>
    %add3A_1707 = arith.addf %add3A_1700, %mul3A_1706 : vector<32x512xf32>
    %get3A_1708 = arith.constant 7 : index
    %get3A_1709 = arith.constant 0 : index
    %get3A_1710 = vector.load %arg4[%get3A_1708, %get3A_1709] : memref<16x512xf32, #tpu.memory_space<vmem>>, vector<1x512xf32>
    %slice3A_1711 = vector.extract_strided_slice %dot_general3A_1656 {offsets = [224, 0], sizes = [32, 512], strides = [1, 1]} : vector<512x512xf32> to vector<32x512xf32>
    %mul3A_1712 = vector.broadcast %get3A_1710 : vector<1x512xf32> to vector<32x512xf32>
    %mul3A_1713 = arith.mulf %mul3A_1712, %slice3A_1711 : vector<32x512xf32>
    %add3A_1714 = arith.addf %add3A_1707, %mul3A_1713 : vector<32x512xf32>
    %get3A_1715 = arith.constant 8 : index
    %get3A_1716 = arith.constant 0 : index
    %get3A_1717 = vector.load %arg4[%get3A_1715, %get3A_1716] : memref<16x512xf32, #tpu.memory_space<vmem>>, vector<1x512xf32>
    %slice3A_1718 = vector.extract_strided_slice %dot_general3A_1656 {offsets = [256, 0], sizes = [32, 512], strides = [1, 1]} : vector<512x512xf32> to vector<32x512xf32>
    %mul3A_1719 = vector.broadcast %get3A_1717 : vector<1x512xf32> to vector<32x512xf32>
    %mul3A_1720 = arith.mulf %mul3A_1719, %slice3A_1718 : vector<32x512xf32>
    %add3A_1721 = arith.addf %add3A_1714, %mul3A_1720 : vector<32x512xf32>
    %get3A_1722 = arith.constant 9 : index
    %get3A_1723 = arith.constant 0 : index
    %get3A_1724 = vector.load %arg4[%get3A_1722, %get3A_1723] : memref<16x512xf32, #tpu.memory_space<vmem>>, vector<1x512xf32>
    %slice3A_1725 = vector.extract_strided_slice %dot_general3A_1656 {offsets = [288, 0], sizes = [32, 512], strides = [1, 1]} : vector<512x512xf32> to vector<32x512xf32>
    %mul3A_1726 = vector.broadcast %get3A_1724 : vector<1x512xf32> to vector<32x512xf32>
    %mul3A_1727 = arith.mulf %mul3A_1726, %slice3A_1725 : vector<32x512xf32>
    %add3A_1728 = arith.addf %add3A_1721, %mul3A_1727 : vector<32x512xf32>
    %get3A_1729 = arith.constant 10 : index
    %get3A_1730 = arith.constant 0 : index
    %get3A_1731 = vector.load %arg4[%get3A_1729, %get3A_1730] : memref<16x512xf32, #tpu.memory_space<vmem>>, vector<1x512xf32>
    %slice3A_1732 = vector.extract_strided_slice %dot_general3A_1656 {offsets = [320, 0], sizes = [32, 512], strides = [1, 1]} : vector<512x512xf32> to vector<32x512xf32>
    %mul3A_1733 = vector.broadcast %get3A_1731 : vector<1x512xf32> to vector<32x512xf32>
    %mul3A_1734 = arith.mulf %mul3A_1733, %slice3A_1732 : vector<32x512xf32>
    %add3A_1735 = arith.addf %add3A_1728, %mul3A_1734 : vector<32x512xf32>
    %get3A_1736 = arith.constant 11 : index
    %get3A_1737 = arith.constant 0 : index
    %get3A_1738 = vector.load %arg4[%get3A_1736, %get3A_1737] : memref<16x512xf32, #tpu.memory_space<vmem>>, vector<1x512xf32>
    %slice3A_1739 = vector.extract_strided_slice %dot_general3A_1656 {offsets = [352, 0], sizes = [32, 512], strides = [1, 1]} : vector<512x512xf32> to vector<32x512xf32>
    %mul3A_1740 = vector.broadcast %get3A_1738 : vector<1x512xf32> to vector<32x512xf32>
    %mul3A_1741 = arith.mulf %mul3A_1740, %slice3A_1739 : vector<32x512xf32>
    %add3A_1742 = arith.addf %add3A_1735, %mul3A_1741 : vector<32x512xf32>
    %get3A_1743 = arith.constant 12 : index
    %get3A_1744 = arith.constant 0 : index
    %get3A_1745 = vector.load %arg4[%get3A_1743, %get3A_1744] : memref<16x512xf32, #tpu.memory_space<vmem>>, vector<1x512xf32>
    %slice3A_1746 = vector.extract_strided_slice %dot_general3A_1656 {offsets = [384, 0], sizes = [32, 512], strides = [1, 1]} : vector<512x512xf32> to vector<32x512xf32>
    %mul3A_1747 = vector.broadcast %get3A_1745 : vector<1x512xf32> to vector<32x512xf32>
    %mul3A_1748 = arith.mulf %mul3A_1747, %slice3A_1746 : vector<32x512xf32>
    %add3A_1749 = arith.addf %add3A_1742, %mul3A_1748 : vector<32x512xf32>
    %get3A_1750 = arith.constant 13 : index
    %get3A_1751 = arith.constant 0 : index
    %get3A_1752 = vector.load %arg4[%get3A_1750, %get3A_1751] : memref<16x512xf32, #tpu.memory_space<vmem>>, vector<1x512xf32>
    %slice3A_1753 = vector.extract_strided_slice %dot_general3A_1656 {offsets = [416, 0], sizes = [32, 512], strides = [1, 1]} : vector<512x512xf32> to vector<32x512xf32>
    %mul3A_1754 = vector.broadcast %get3A_1752 : vector<1x512xf32> to vector<32x512xf32>
    %mul3A_1755 = arith.mulf %mul3A_1754, %slice3A_1753 : vector<32x512xf32>
    %add3A_1756 = arith.addf %add3A_1749, %mul3A_1755 : vector<32x512xf32>
    %get3A_1757 = arith.constant 14 : index
    %get3A_1758 = arith.constant 0 : index
    %get3A_1759 = vector.load %arg4[%get3A_1757, %get3A_1758] : memref<16x512xf32, #tpu.memory_space<vmem>>, vector<1x512xf32>
    %slice3A_1760 = vector.extract_strided_slice %dot_general3A_1656 {offsets = [448, 0], sizes = [32, 512], strides = [1, 1]} : vector<512x512xf32> to vector<32x512xf32>
    %mul3A_1761 = vector.broadcast %get3A_1759 : vector<1x512xf32> to vector<32x512xf32>
    %mul3A_1762 = arith.mulf %mul3A_1761, %slice3A_1760 : vector<32x512xf32>
    %add3A_1763 = arith.addf %add3A_1756, %mul3A_1762 : vector<32x512xf32>
    %get3A_1764 = arith.constant 15 : index
    %get3A_1765 = arith.constant 0 : index
    %get3A_1766 = vector.load %arg4[%get3A_1764, %get3A_1765] : memref<16x512xf32, #tpu.memory_space<vmem>>, vector<1x512xf32>
    %slice3A_1767 = vector.extract_strided_slice %dot_general3A_1656 {offsets = [480, 0], sizes = [32, 512], strides = [1, 1]} : vector<512x512xf32> to vector<32x512xf32>
    %mul3A_1768 = vector.broadcast %get3A_1766 : vector<1x512xf32> to vector<32x512xf32>
    %mul3A_1769 = arith.mulf %mul3A_1768, %slice3A_1767 : vector<32x512xf32>
    %add3A_1770 = arith.addf %add3A_1763, %mul3A_1769 : vector<32x512xf32>
    %convert_element_type3A_1771 = arith.truncf %add3A_1770 : vector<32x512xf32> to vector<32x512xbf16>
    %swap3A_1772 = arith.constant 416 : index
    %swap3A_1773 = arith.constant 0 : index
    %swap3A_1774 = vector.load %arg12[%swap3A_1772, %swap3A_1773] : memref<640x512xbf16, #tpu.memory_space<vmem>>, vector<32x512xbf16>
    tpu.vector_store %arg12[%swap3A_1772, %swap3A_1773], %convert_element_type3A_1771 {strides = array<i32>} : memref<640x512xbf16, #tpu.memory_space<vmem>>, vector<32x512xbf16>,
    %slice3A_1775 = vector.extract_strided_slice %get3A_38 {offsets = [448, 0], sizes = [32, 512], strides = [1, 1]} : vector<640x512xbf16> to vector<32x512xbf16>
    %slice3A_1776 = vector.extract_strided_slice %convert_element_type3A_49 {offsets = [224, 0], sizes = [16, 512], strides = [1, 1]} : vector<320x512xbf16> to vector<16x512xbf16>
    %concatenate3A_1777 = tpu.concatenate %slice3A_1775, %slice3A_1776 in 0 : vector<32x512xbf16>, vector<16x512xbf16> -> vector<48x512xbf16>
    %dot_general3A_1778 = arith.constant dense<0.000000e+00> : vector<512x512xf32>
    %dot_general3A_1779 = tpu.matmul %get3A_52, %concatenate3A_1777, %dot_general3A_1778 {dimension_numbers = #tpu.dot_dimension_numbers<[1], [0], [0], [1], [0, 0, 1, 1], [], []>, transpose_lhs_hint = false} : vector<512x48xbf16>, vector<48x512xbf16>, vector<512x512xf32> -> vector<512x512xf32>
    %broadcast_in_dim3A_1780 = arith.constant 0.000000e+00 : f32
    %broadcast_in_dim3A_1781 = vector.broadcast %broadcast_in_dim3A_1780 : f32 to vector<32x512xf32>
    %get3A_1782 = arith.constant 0 : index
    %get3A_1783 = arith.constant 0 : index
    %get3A_1784 = vector.load %arg4[%get3A_1782, %get3A_1783] : memref<16x512xf32, #tpu.memory_space<vmem>>, vector<1x512xf32>
    %slice3A_1785 = vector.extract_strided_slice %dot_general3A_1779 {offsets = [0, 0], sizes = [32, 512], strides = [1, 1]} : vector<512x512xf32> to vector<32x512xf32>
    %mul3A_1786 = vector.broadcast %get3A_1784 : vector<1x512xf32> to vector<32x512xf32>
    %mul3A_1787 = arith.mulf %mul3A_1786, %slice3A_1785 : vector<32x512xf32>
    %add3A_1788 = arith.addf %broadcast_in_dim3A_1781, %mul3A_1787 : vector<32x512xf32>
    %get3A_1789 = arith.constant 1 : index
    %get3A_1790 = arith.constant 0 : index
    %get3A_1791 = vector.load %arg4[%get3A_1789, %get3A_1790] : memref<16x512xf32, #tpu.memory_space<vmem>>, vector<1x512xf32>
    %slice3A_1792 = vector.extract_strided_slice %dot_general3A_1779 {offsets = [32, 0], sizes = [32, 512], strides = [1, 1]} : vector<512x512xf32> to vector<32x512xf32>
    %mul3A_1793 = vector.broadcast %get3A_1791 : vector<1x512xf32> to vector<32x512xf32>
    %mul3A_1794 = arith.mulf %mul3A_1793, %slice3A_1792 : vector<32x512xf32>
    %add3A_1795 = arith.addf %add3A_1788, %mul3A_1794 : vector<32x512xf32>
    %get3A_1796 = arith.constant 2 : index
    %get3A_1797 = arith.constant 0 : index
    %get3A_1798 = vector.load %arg4[%get3A_1796, %get3A_1797] : memref<16x512xf32, #tpu.memory_space<vmem>>, vector<1x512xf32>
    %slice3A_1799 = vector.extract_strided_slice %dot_general3A_1779 {offsets = [64, 0], sizes = [32, 512], strides = [1, 1]} : vector<512x512xf32> to vector<32x512xf32>
    %mul3A_1800 = vector.broadcast %get3A_1798 : vector<1x512xf32> to vector<32x512xf32>
    %mul3A_1801 = arith.mulf %mul3A_1800, %slice3A_1799 : vector<32x512xf32>
    %add3A_1802 = arith.addf %add3A_1795, %mul3A_1801 : vector<32x512xf32>
    %get3A_1803 = arith.constant 3 : index
    %get3A_1804 = arith.constant 0 : index
    %get3A_1805 = vector.load %arg4[%get3A_1803, %get3A_1804] : memref<16x512xf32, #tpu.memory_space<vmem>>, vector<1x512xf32>
    %slice3A_1806 = vector.extract_strided_slice %dot_general3A_1779 {offsets = [96, 0], sizes = [32, 512], strides = [1, 1]} : vector<512x512xf32> to vector<32x512xf32>
    %mul3A_1807 = vector.broadcast %get3A_1805 : vector<1x512xf32> to vector<32x512xf32>
    %mul3A_1808 = arith.mulf %mul3A_1807, %slice3A_1806 : vector<32x512xf32>
    %add3A_1809 = arith.addf %add3A_1802, %mul3A_1808 : vector<32x512xf32>
    %get3A_1810 = arith.constant 4 : index
    %get3A_1811 = arith.constant 0 : index
    %get3A_1812 = vector.load %arg4[%get3A_1810, %get3A_1811] : memref<16x512xf32, #tpu.memory_space<vmem>>, vector<1x512xf32>
    %slice3A_1813 = vector.extract_strided_slice %dot_general3A_1779 {offsets = [128, 0], sizes = [32, 512], strides = [1, 1]} : vector<512x512xf32> to vector<32x512xf32>
    %mul3A_1814 = vector.broadcast %get3A_1812 : vector<1x512xf32> to vector<32x512xf32>
    %mul3A_1815 = arith.mulf %mul3A_1814, %slice3A_1813 : vector<32x512xf32>
    %add3A_1816 = arith.addf %add3A_1809, %mul3A_1815 : vector<32x512xf32>
    %get3A_1817 = arith.constant 5 : index
    %get3A_1818 = arith.constant 0 : index
    %get3A_1819 = vector.load %arg4[%get3A_1817, %get3A_1818] : memref<16x512xf32, #tpu.memory_space<vmem>>, vector<1x512xf32>
    %slice3A_1820 = vector.extract_strided_slice %dot_general3A_1779 {offsets = [160, 0], sizes = [32, 512], strides = [1, 1]} : vector<512x512xf32> to vector<32x512xf32>
    %mul3A_1821 = vector.broadcast %get3A_1819 : vector<1x512xf32> to vector<32x512xf32>
    %mul3A_1822 = arith.mulf %mul3A_1821, %slice3A_1820 : vector<32x512xf32>
    %add3A_1823 = arith.addf %add3A_1816, %mul3A_1822 : vector<32x512xf32>
    %get3A_1824 = arith.constant 6 : index
    %get3A_1825 = arith.constant 0 : index
    %get3A_1826 = vector.load %arg4[%get3A_1824, %get3A_1825] : memref<16x512xf32, #tpu.memory_space<vmem>>, vector<1x512xf32>
    %slice3A_1827 = vector.extract_strided_slice %dot_general3A_1779 {offsets = [192, 0], sizes = [32, 512], strides = [1, 1]} : vector<512x512xf32> to vector<32x512xf32>
    %mul3A_1828 = vector.broadcast %get3A_1826 : vector<1x512xf32> to vector<32x512xf32>
    %mul3A_1829 = arith.mulf %mul3A_1828, %slice3A_1827 : vector<32x512xf32>
    %add3A_1830 = arith.addf %add3A_1823, %mul3A_1829 : vector<32x512xf32>
    %get3A_1831 = arith.constant 7 : index
    %get3A_1832 = arith.constant 0 : index
    %get3A_1833 = vector.load %arg4[%get3A_1831, %get3A_1832] : memref<16x512xf32, #tpu.memory_space<vmem>>, vector<1x512xf32>
    %slice3A_1834 = vector.extract_strided_slice %dot_general3A_1779 {offsets = [224, 0], sizes = [32, 512], strides = [1, 1]} : vector<512x512xf32> to vector<32x512xf32>
    %mul3A_1835 = vector.broadcast %get3A_1833 : vector<1x512xf32> to vector<32x512xf32>
    %mul3A_1836 = arith.mulf %mul3A_1835, %slice3A_1834 : vector<32x512xf32>
    %add3A_1837 = arith.addf %add3A_1830, %mul3A_1836 : vector<32x512xf32>
    %get3A_1838 = arith.constant 8 : index
    %get3A_1839 = arith.constant 0 : index
    %get3A_1840 = vector.load %arg4[%get3A_1838, %get3A_1839] : memref<16x512xf32, #tpu.memory_space<vmem>>, vector<1x512xf32>
    %slice3A_1841 = vector.extract_strided_slice %dot_general3A_1779 {offsets = [256, 0], sizes = [32, 512], strides = [1, 1]} : vector<512x512xf32> to vector<32x512xf32>
    %mul3A_1842 = vector.broadcast %get3A_1840 : vector<1x512xf32> to vector<32x512xf32>
    %mul3A_1843 = arith.mulf %mul3A_1842, %slice3A_1841 : vector<32x512xf32>
    %add3A_1844 = arith.addf %add3A_1837, %mul3A_1843 : vector<32x512xf32>
    %get3A_1845 = arith.constant 9 : index
    %get3A_1846 = arith.constant 0 : index
    %get3A_1847 = vector.load %arg4[%get3A_1845, %get3A_1846] : memref<16x512xf32, #tpu.memory_space<vmem>>, vector<1x512xf32>
    %slice3A_1848 = vector.extract_strided_slice %dot_general3A_1779 {offsets = [288, 0], sizes = [32, 512], strides = [1, 1]} : vector<512x512xf32> to vector<32x512xf32>
    %mul3A_1849 = vector.broadcast %get3A_1847 : vector<1x512xf32> to vector<32x512xf32>
    %mul3A_1850 = arith.mulf %mul3A_1849, %slice3A_1848 : vector<32x512xf32>
    %add3A_1851 = arith.addf %add3A_1844, %mul3A_1850 : vector<32x512xf32>
    %get3A_1852 = arith.constant 10 : index
    %get3A_1853 = arith.constant 0 : index
    %get3A_1854 = vector.load %arg4[%get3A_1852, %get3A_1853] : memref<16x512xf32, #tpu.memory_space<vmem>>, vector<1x512xf32>
    %slice3A_1855 = vector.extract_strided_slice %dot_general3A_1779 {offsets = [320, 0], sizes = [32, 512], strides = [1, 1]} : vector<512x512xf32> to vector<32x512xf32>
    %mul3A_1856 = vector.broadcast %get3A_1854 : vector<1x512xf32> to vector<32x512xf32>
    %mul3A_1857 = arith.mulf %mul3A_1856, %slice3A_1855 : vector<32x512xf32>
    %add3A_1858 = arith.addf %add3A_1851, %mul3A_1857 : vector<32x512xf32>
    %get3A_1859 = arith.constant 11 : index
    %get3A_1860 = arith.constant 0 : index
    %get3A_1861 = vector.load %arg4[%get3A_1859, %get3A_1860] : memref<16x512xf32, #tpu.memory_space<vmem>>, vector<1x512xf32>
    %slice3A_1862 = vector.extract_strided_slice %dot_general3A_1779 {offsets = [352, 0], sizes = [32, 512], strides = [1, 1]} : vector<512x512xf32> to vector<32x512xf32>
    %mul3A_1863 = vector.broadcast %get3A_1861 : vector<1x512xf32> to vector<32x512xf32>
    %mul3A_1864 = arith.mulf %mul3A_1863, %slice3A_1862 : vector<32x512xf32>
    %add3A_1865 = arith.addf %add3A_1858, %mul3A_1864 : vector<32x512xf32>
    %get3A_1866 = arith.constant 12 : index
    %get3A_1867 = arith.constant 0 : index
    %get3A_1868 = vector.load %arg4[%get3A_1866, %get3A_1867] : memref<16x512xf32, #tpu.memory_space<vmem>>, vector<1x512xf32>
    %slice3A_1869 = vector.extract_strided_slice %dot_general3A_1779 {offsets = [384, 0], sizes = [32, 512], strides = [1, 1]} : vector<512x512xf32> to vector<32x512xf32>
    %mul3A_1870 = vector.broadcast %get3A_1868 : vector<1x512xf32> to vector<32x512xf32>
    %mul3A_1871 = arith.mulf %mul3A_1870, %slice3A_1869 : vector<32x512xf32>
    %add3A_1872 = arith.addf %add3A_1865, %mul3A_1871 : vector<32x512xf32>
    %get3A_1873 = arith.constant 13 : index
    %get3A_1874 = arith.constant 0 : index
    %get3A_1875 = vector.load %arg4[%get3A_1873, %get3A_1874] : memref<16x512xf32, #tpu.memory_space<vmem>>, vector<1x512xf32>
    %slice3A_1876 = vector.extract_strided_slice %dot_general3A_1779 {offsets = [416, 0], sizes = [32, 512], strides = [1, 1]} : vector<512x512xf32> to vector<32x512xf32>
    %mul3A_1877 = vector.broadcast %get3A_1875 : vector<1x512xf32> to vector<32x512xf32>
    %mul3A_1878 = arith.mulf %mul3A_1877, %slice3A_1876 : vector<32x512xf32>
    %add3A_1879 = arith.addf %add3A_1872, %mul3A_1878 : vector<32x512xf32>
    %get3A_1880 = arith.constant 14 : index
    %get3A_1881 = arith.constant 0 : index
    %get3A_1882 = vector.load %arg4[%get3A_1880, %get3A_1881] : memref<16x512xf32, #tpu.memory_space<vmem>>, vector<1x512xf32>
    %slice3A_1883 = vector.extract_strided_slice %dot_general3A_1779 {offsets = [448, 0], sizes = [32, 512], strides = [1, 1]} : vector<512x512xf32> to vector<32x512xf32>
    %mul3A_1884 = vector.broadcast %get3A_1882 : vector<1x512xf32> to vector<32x512xf32>
    %mul3A_1885 = arith.mulf %mul3A_1884, %slice3A_1883 : vector<32x512xf32>
    %add3A_1886 = arith.addf %add3A_1879, %mul3A_1885 : vector<32x512xf32>
    %get3A_1887 = arith.constant 15 : index
    %get3A_1888 = arith.constant 0 : index
    %get3A_1889 = vector.load %arg4[%get3A_1887, %get3A_1888] : memref<16x512xf32, #tpu.memory_space<vmem>>, vector<1x512xf32>
    %slice3A_1890 = vector.extract_strided_slice %dot_general3A_1779 {offsets = [480, 0], sizes = [32, 512], strides = [1, 1]} : vector<512x512xf32> to vector<32x512xf32>
    %mul3A_1891 = vector.broadcast %get3A_1889 : vector<1x512xf32> to vector<32x512xf32>
    %mul3A_1892 = arith.mulf %mul3A_1891, %slice3A_1890 : vector<32x512xf32>
    %add3A_1893 = arith.addf %add3A_1886, %mul3A_1892 : vector<32x512xf32>
    %convert_element_type3A_1894 = arith.truncf %add3A_1893 : vector<32x512xf32> to vector<32x512xbf16>
    %swap3A_1895 = arith.constant 448 : index
    %swap3A_1896 = arith.constant 0 : index
    %swap3A_1897 = vector.load %arg12[%swap3A_1895, %swap3A_1896] : memref<640x512xbf16, #tpu.memory_space<vmem>>, vector<32x512xbf16>
    tpu.vector_store %arg12[%swap3A_1895, %swap3A_1896], %convert_element_type3A_1894 {strides = array<i32>} : memref<640x512xbf16, #tpu.memory_space<vmem>>, vector<32x512xbf16>,
    %slice3A_1898 = vector.extract_strided_slice %get3A_38 {offsets = [480, 0], sizes = [32, 512], strides = [1, 1]} : vector<640x512xbf16> to vector<32x512xbf16>
    %slice3A_1899 = vector.extract_strided_slice %convert_element_type3A_49 {offsets = [240, 0], sizes = [16, 512], strides = [1, 1]} : vector<320x512xbf16> to vector<16x512xbf16>
    %concatenate3A_1900 = tpu.concatenate %slice3A_1898, %slice3A_1899 in 0 : vector<32x512xbf16>, vector<16x512xbf16> -> vector<48x512xbf16>
    %dot_general3A_1901 = arith.constant dense<0.000000e+00> : vector<512x512xf32>
    %dot_general3A_1902 = tpu.matmul %get3A_52, %concatenate3A_1900, %dot_general3A_1901 {dimension_numbers = #tpu.dot_dimension_numbers<[1], [0], [0], [1], [0, 0, 1, 1], [], []>, transpose_lhs_hint = false} : vector<512x48xbf16>, vector<48x512xbf16>, vector<512x512xf32> -> vector<512x512xf32>
    %broadcast_in_dim3A_1903 = arith.constant 0.000000e+00 : f32
    %broadcast_in_dim3A_1904 = vector.broadcast %broadcast_in_dim3A_1903 : f32 to vector<32x512xf32>
    %get3A_1905 = arith.constant 0 : index
    %get3A_1906 = arith.constant 0 : index
    %get3A_1907 = vector.load %arg4[%get3A_1905, %get3A_1906] : memref<16x512xf32, #tpu.memory_space<vmem>>, vector<1x512xf32>
    %slice3A_1908 = vector.extract_strided_slice %dot_general3A_1902 {offsets = [0, 0], sizes = [32, 512], strides = [1, 1]} : vector<512x512xf32> to vector<32x512xf32>
    %mul3A_1909 = vector.broadcast %get3A_1907 : vector<1x512xf32> to vector<32x512xf32>
    %mul3A_1910 = arith.mulf %mul3A_1909, %slice3A_1908 : vector<32x512xf32>
    %add3A_1911 = arith.addf %broadcast_in_dim3A_1904, %mul3A_1910 : vector<32x512xf32>
    %get3A_1912 = arith.constant 1 : index
    %get3A_1913 = arith.constant 0 : index
    %get3A_1914 = vector.load %arg4[%get3A_1912, %get3A_1913] : memref<16x512xf32, #tpu.memory_space<vmem>>, vector<1x512xf32>
    %slice3A_1915 = vector.extract_strided_slice %dot_general3A_1902 {offsets = [32, 0], sizes = [32, 512], strides = [1, 1]} : vector<512x512xf32> to vector<32x512xf32>
    %mul3A_1916 = vector.broadcast %get3A_1914 : vector<1x512xf32> to vector<32x512xf32>
    %mul3A_1917 = arith.mulf %mul3A_1916, %slice3A_1915 : vector<32x512xf32>
    %add3A_1918 = arith.addf %add3A_1911, %mul3A_1917 : vector<32x512xf32>
    %get3A_1919 = arith.constant 2 : index
    %get3A_1920 = arith.constant 0 : index
    %get3A_1921 = vector.load %arg4[%get3A_1919, %get3A_1920] : memref<16x512xf32, #tpu.memory_space<vmem>>, vector<1x512xf32>
    %slice3A_1922 = vector.extract_strided_slice %dot_general3A_1902 {offsets = [64, 0], sizes = [32, 512], strides = [1, 1]} : vector<512x512xf32> to vector<32x512xf32>
    %mul3A_1923 = vector.broadcast %get3A_1921 : vector<1x512xf32> to vector<32x512xf32>
    %mul3A_1924 = arith.mulf %mul3A_1923, %slice3A_1922 : vector<32x512xf32>
    %add3A_1925 = arith.addf %add3A_1918, %mul3A_1924 : vector<32x512xf32>
    %get3A_1926 = arith.constant 3 : index
    %get3A_1927 = arith.constant 0 : index
    %get3A_1928 = vector.load %arg4[%get3A_1926, %get3A_1927] : memref<16x512xf32, #tpu.memory_space<vmem>>, vector<1x512xf32>
    %slice3A_1929 = vector.extract_strided_slice %dot_general3A_1902 {offsets = [96, 0], sizes = [32, 512], strides = [1, 1]} : vector<512x512xf32> to vector<32x512xf32>
    %mul3A_1930 = vector.broadcast %get3A_1928 : vector<1x512xf32> to vector<32x512xf32>
    %mul3A_1931 = arith.mulf %mul3A_1930, %slice3A_1929 : vector<32x512xf32>
    %add3A_1932 = arith.addf %add3A_1925, %mul3A_1931 : vector<32x512xf32>
    %get3A_1933 = arith.constant 4 : index
    %get3A_1934 = arith.constant 0 : index
    %get3A_1935 = vector.load %arg4[%get3A_1933, %get3A_1934] : memref<16x512xf32, #tpu.memory_space<vmem>>, vector<1x512xf32>
    %slice3A_1936 = vector.extract_strided_slice %dot_general3A_1902 {offsets = [128, 0], sizes = [32, 512], strides = [1, 1]} : vector<512x512xf32> to vector<32x512xf32>
    %mul3A_1937 = vector.broadcast %get3A_1935 : vector<1x512xf32> to vector<32x512xf32>
    %mul3A_1938 = arith.mulf %mul3A_1937, %slice3A_1936 : vector<32x512xf32>
    %add3A_1939 = arith.addf %add3A_1932, %mul3A_1938 : vector<32x512xf32>
    %get3A_1940 = arith.constant 5 : index
    %get3A_1941 = arith.constant 0 : index
    %get3A_1942 = vector.load %arg4[%get3A_1940, %get3A_1941] : memref<16x512xf32, #tpu.memory_space<vmem>>, vector<1x512xf32>
    %slice3A_1943 = vector.extract_strided_slice %dot_general3A_1902 {offsets = [160, 0], sizes = [32, 512], strides = [1, 1]} : vector<512x512xf32> to vector<32x512xf32>
    %mul3A_1944 = vector.broadcast %get3A_1942 : vector<1x512xf32> to vector<32x512xf32>
    %mul3A_1945 = arith.mulf %mul3A_1944, %slice3A_1943 : vector<32x512xf32>
    %add3A_1946 = arith.addf %add3A_1939, %mul3A_1945 : vector<32x512xf32>
    %get3A_1947 = arith.constant 6 : index
    %get3A_1948 = arith.constant 0 : index
    %get3A_1949 = vector.load %arg4[%get3A_1947, %get3A_1948] : memref<16x512xf32, #tpu.memory_space<vmem>>, vector<1x512xf32>
    %slice3A_1950 = vector.extract_strided_slice %dot_general3A_1902 {offsets = [192, 0], sizes = [32, 512], strides = [1, 1]} : vector<512x512xf32> to vector<32x512xf32>
    %mul3A_1951 = vector.broadcast %get3A_1949 : vector<1x512xf32> to vector<32x512xf32>
    %mul3A_1952 = arith.mulf %mul3A_1951, %slice3A_1950 : vector<32x512xf32>
    %add3A_1953 = arith.addf %add3A_1946, %mul3A_1952 : vector<32x512xf32>
    %get3A_1954 = arith.constant 7 : index
    %get3A_1955 = arith.constant 0 : index
    %get3A_1956 = vector.load %arg4[%get3A_1954, %get3A_1955] : memref<16x512xf32, #tpu.memory_space<vmem>>, vector<1x512xf32>
    %slice3A_1957 = vector.extract_strided_slice %dot_general3A_1902 {offsets = [224, 0], sizes = [32, 512], strides = [1, 1]} : vector<512x512xf32> to vector<32x512xf32>
    %mul3A_1958 = vector.broadcast %get3A_1956 : vector<1x512xf32> to vector<32x512xf32>
    %mul3A_1959 = arith.mulf %mul3A_1958, %slice3A_1957 : vector<32x512xf32>
    %add3A_1960 = arith.addf %add3A_1953, %mul3A_1959 : vector<32x512xf32>
    %get3A_1961 = arith.constant 8 : index
    %get3A_1962 = arith.constant 0 : index
    %get3A_1963 = vector.load %arg4[%get3A_1961, %get3A_1962] : memref<16x512xf32, #tpu.memory_space<vmem>>, vector<1x512xf32>
    %slice3A_1964 = vector.extract_strided_slice %dot_general3A_1902 {offsets = [256, 0], sizes = [32, 512], strides = [1, 1]} : vector<512x512xf32> to vector<32x512xf32>
    %mul3A_1965 = vector.broadcast %get3A_1963 : vector<1x512xf32> to vector<32x512xf32>
    %mul3A_1966 = arith.mulf %mul3A_1965, %slice3A_1964 : vector<32x512xf32>
    %add3A_1967 = arith.addf %add3A_1960, %mul3A_1966 : vector<32x512xf32>
    %get3A_1968 = arith.constant 9 : index
    %get3A_1969 = arith.constant 0 : index
    %get3A_1970 = vector.load %arg4[%get3A_1968, %get3A_1969] : memref<16x512xf32, #tpu.memory_space<vmem>>, vector<1x512xf32>
    %slice3A_1971 = vector.extract_strided_slice %dot_general3A_1902 {offsets = [288, 0], sizes = [32, 512], strides = [1, 1]} : vector<512x512xf32> to vector<32x512xf32>
    %mul3A_1972 = vector.broadcast %get3A_1970 : vector<1x512xf32> to vector<32x512xf32>
    %mul3A_1973 = arith.mulf %mul3A_1972, %slice3A_1971 : vector<32x512xf32>
    %add3A_1974 = arith.addf %add3A_1967, %mul3A_1973 : vector<32x512xf32>
    %get3A_1975 = arith.constant 10 : index
    %get3A_1976 = arith.constant 0 : index
    %get3A_1977 = vector.load %arg4[%get3A_1975, %get3A_1976] : memref<16x512xf32, #tpu.memory_space<vmem>>, vector<1x512xf32>
    %slice3A_1978 = vector.extract_strided_slice %dot_general3A_1902 {offsets = [320, 0], sizes = [32, 512], strides = [1, 1]} : vector<512x512xf32> to vector<32x512xf32>
    %mul3A_1979 = vector.broadcast %get3A_1977 : vector<1x512xf32> to vector<32x512xf32>
    %mul3A_1980 = arith.mulf %mul3A_1979, %slice3A_1978 : vector<32x512xf32>
    %add3A_1981 = arith.addf %add3A_1974, %mul3A_1980 : vector<32x512xf32>
    %get3A_1982 = arith.constant 11 : index
    %get3A_1983 = arith.constant 0 : index
    %get3A_1984 = vector.load %arg4[%get3A_1982, %get3A_1983] : memref<16x512xf32, #tpu.memory_space<vmem>>, vector<1x512xf32>
    %slice3A_1985 = vector.extract_strided_slice %dot_general3A_1902 {offsets = [352, 0], sizes = [32, 512], strides = [1, 1]} : vector<512x512xf32> to vector<32x512xf32>
    %mul3A_1986 = vector.broadcast %get3A_1984 : vector<1x512xf32> to vector<32x512xf32>
    %mul3A_1987 = arith.mulf %mul3A_1986, %slice3A_1985 : vector<32x512xf32>
    %add3A_1988 = arith.addf %add3A_1981, %mul3A_1987 : vector<32x512xf32>
    %get3A_1989 = arith.constant 12 : index
    %get3A_1990 = arith.constant 0 : index
    %get3A_1991 = vector.load %arg4[%get3A_1989, %get3A_1990] : memref<16x512xf32, #tpu.memory_space<vmem>>, vector<1x512xf32>
    %slice3A_1992 = vector.extract_strided_slice %dot_general3A_1902 {offsets = [384, 0], sizes = [32, 512], strides = [1, 1]} : vector<512x512xf32> to vector<32x512xf32>
    %mul3A_1993 = vector.broadcast %get3A_1991 : vector<1x512xf32> to vector<32x512xf32>
    %mul3A_1994 = arith.mulf %mul3A_1993, %slice3A_1992 : vector<32x512xf32>
    %add3A_1995 = arith.addf %add3A_1988, %mul3A_1994 : vector<32x512xf32>
    %get3A_1996 = arith.constant 13 : index
    %get3A_1997 = arith.constant 0 : index
    %get3A_1998 = vector.load %arg4[%get3A_1996, %get3A_1997] : memref<16x512xf32, #tpu.memory_space<vmem>>, vector<1x512xf32>
    %slice3A_1999 = vector.extract_strided_slice %dot_general3A_1902 {offsets = [416, 0], sizes = [32, 512], strides = [1, 1]} : vector<512x512xf32> to vector<32x512xf32>
    %mul3A_2000 = vector.broadcast %get3A_1998 : vector<1x512xf32> to vector<32x512xf32>
    %mul3A_2001 = arith.mulf %mul3A_2000, %slice3A_1999 : vector<32x512xf32>
    %add3A_2002 = arith.addf %add3A_1995, %mul3A_2001 : vector<32x512xf32>
    %get3A_2003 = arith.constant 14 : index
    %get3A_2004 = arith.constant 0 : index
    %get3A_2005 = vector.load %arg4[%get3A_2003, %get3A_2004] : memref<16x512xf32, #tpu.memory_space<vmem>>, vector<1x512xf32>
    %slice3A_2006 = vector.extract_strided_slice %dot_general3A_1902 {offsets = [448, 0], sizes = [32, 512], strides = [1, 1]} : vector<512x512xf32> to vector<32x512xf32>
    %mul3A_2007 = vector.broadcast %get3A_2005 : vector<1x512xf32> to vector<32x512xf32>
    %mul3A_2008 = arith.mulf %mul3A_2007, %slice3A_2006 : vector<32x512xf32>
    %add3A_2009 = arith.addf %add3A_2002, %mul3A_2008 : vector<32x512xf32>
    %get3A_2010 = arith.constant 15 : index
    %get3A_2011 = arith.constant 0 : index
    %get3A_2012 = vector.load %arg4[%get3A_2010, %get3A_2011] : memref<16x512xf32, #tpu.memory_space<vmem>>, vector<1x512xf32>
    %slice3A_2013 = vector.extract_strided_slice %dot_general3A_1902 {offsets = [480, 0], sizes = [32, 512], strides = [1, 1]} : vector<512x512xf32> to vector<32x512xf32>
    %mul3A_2014 = vector.broadcast %get3A_2012 : vector<1x512xf32> to vector<32x512xf32>
    %mul3A_2015 = arith.mulf %mul3A_2014, %slice3A_2013 : vector<32x512xf32>
    %add3A_2016 = arith.addf %add3A_2009, %mul3A_2015 : vector<32x512xf32>
    %convert_element_type3A_2017 = arith.truncf %add3A_2016 : vector<32x512xf32> to vector<32x512xbf16>
    %swap3A_2018 = arith.constant 480 : index
    %swap3A_2019 = arith.constant 0 : index
    %swap3A_2020 = vector.load %arg12[%swap3A_2018, %swap3A_2019] : memref<640x512xbf16, #tpu.memory_space<vmem>>, vector<32x512xbf16>
    tpu.vector_store %arg12[%swap3A_2018, %swap3A_2019], %convert_element_type3A_2017 {strides = array<i32>} : memref<640x512xbf16, #tpu.memory_space<vmem>>, vector<32x512xbf16>,
    %slice3A_2021 = vector.extract_strided_slice %get3A_38 {offsets = [512, 0], sizes = [32, 512], strides = [1, 1]} : vector<640x512xbf16> to vector<32x512xbf16>
    %slice3A_2022 = vector.extract_strided_slice %convert_element_type3A_49 {offsets = [256, 0], sizes = [16, 512], strides = [1, 1]} : vector<320x512xbf16> to vector<16x512xbf16>
    %concatenate3A_2023 = tpu.concatenate %slice3A_2021, %slice3A_2022 in 0 : vector<32x512xbf16>, vector<16x512xbf16> -> vector<48x512xbf16>
    %dot_general3A_2024 = arith.constant dense<0.000000e+00> : vector<512x512xf32>
    %dot_general3A_2025 = tpu.matmul %get3A_52, %concatenate3A_2023, %dot_general3A_2024 {dimension_numbers = #tpu.dot_dimension_numbers<[1], [0], [0], [1], [0, 0, 1, 1], [], []>, transpose_lhs_hint = false} : vector<512x48xbf16>, vector<48x512xbf16>, vector<512x512xf32> -> vector<512x512xf32>
    %broadcast_in_dim3A_2026 = arith.constant 0.000000e+00 : f32
    %broadcast_in_dim3A_2027 = vector.broadcast %broadcast_in_dim3A_2026 : f32 to vector<32x512xf32>
    %get3A_2028 = arith.constant 0 : index
    %get3A_2029 = arith.constant 0 : index
    %get3A_2030 = vector.load %arg4[%get3A_2028, %get3A_2029] : memref<16x512xf32, #tpu.memory_space<vmem>>, vector<1x512xf32>
    %slice3A_2031 = vector.extract_strided_slice %dot_general3A_2025 {offsets = [0, 0], sizes = [32, 512], strides = [1, 1]} : vector<512x512xf32> to vector<32x512xf32>
    %mul3A_2032 = vector.broadcast %get3A_2030 : vector<1x512xf32> to vector<32x512xf32>
    %mul3A_2033 = arith.mulf %mul3A_2032, %slice3A_2031 : vector<32x512xf32>
    %add3A_2034 = arith.addf %broadcast_in_dim3A_2027, %mul3A_2033 : vector<32x512xf32>
    %get3A_2035 = arith.constant 1 : index
    %get3A_2036 = arith.constant 0 : index
    %get3A_2037 = vector.load %arg4[%get3A_2035, %get3A_2036] : memref<16x512xf32, #tpu.memory_space<vmem>>, vector<1x512xf32>
    %slice3A_2038 = vector.extract_strided_slice %dot_general3A_2025 {offsets = [32, 0], sizes = [32, 512], strides = [1, 1]} : vector<512x512xf32> to vector<32x512xf32>
    %mul3A_2039 = vector.broadcast %get3A_2037 : vector<1x512xf32> to vector<32x512xf32>
    %mul3A_2040 = arith.mulf %mul3A_2039, %slice3A_2038 : vector<32x512xf32>
    %add3A_2041 = arith.addf %add3A_2034, %mul3A_2040 : vector<32x512xf32>
    %get3A_2042 = arith.constant 2 : index
    %get3A_2043 = arith.constant 0 : index
    %get3A_2044 = vector.load %arg4[%get3A_2042, %get3A_2043] : memref<16x512xf32, #tpu.memory_space<vmem>>, vector<1x512xf32>
    %slice3A_2045 = vector.extract_strided_slice %dot_general3A_2025 {offsets = [64, 0], sizes = [32, 512], strides = [1, 1]} : vector<512x512xf32> to vector<32x512xf32>
    %mul3A_2046 = vector.broadcast %get3A_2044 : vector<1x512xf32> to vector<32x512xf32>
    %mul3A_2047 = arith.mulf %mul3A_2046, %slice3A_2045 : vector<32x512xf32>
    %add3A_2048 = arith.addf %add3A_2041, %mul3A_2047 : vector<32x512xf32>
    %get3A_2049 = arith.constant 3 : index
    %get3A_2050 = arith.constant 0 : index
    %get3A_2051 = vector.load %arg4[%get3A_2049, %get3A_2050] : memref<16x512xf32, #tpu.memory_space<vmem>>, vector<1x512xf32>
    %slice3A_2052 = vector.extract_strided_slice %dot_general3A_2025 {offsets = [96, 0], sizes = [32, 512], strides = [1, 1]} : vector<512x512xf32> to vector<32x512xf32>
    %mul3A_2053 = vector.broadcast %get3A_2051 : vector<1x512xf32> to vector<32x512xf32>
    %mul3A_2054 = arith.mulf %mul3A_2053, %slice3A_2052 : vector<32x512xf32>
    %add3A_2055 = arith.addf %add3A_2048, %mul3A_2054 : vector<32x512xf32>
    %get3A_2056 = arith.constant 4 : index
    %get3A_2057 = arith.constant 0 : index
    %get3A_2058 = vector.load %arg4[%get3A_2056, %get3A_2057] : memref<16x512xf32, #tpu.memory_space<vmem>>, vector<1x512xf32>
    %slice3A_2059 = vector.extract_strided_slice %dot_general3A_2025 {offsets = [128, 0], sizes = [32, 512], strides = [1, 1]} : vector<512x512xf32> to vector<32x512xf32>
    %mul3A_2060 = vector.broadcast %get3A_2058 : vector<1x512xf32> to vector<32x512xf32>
    %mul3A_2061 = arith.mulf %mul3A_2060, %slice3A_2059 : vector<32x512xf32>
    %add3A_2062 = arith.addf %add3A_2055, %mul3A_2061 : vector<32x512xf32>
    %get3A_2063 = arith.constant 5 : index
    %get3A_2064 = arith.constant 0 : index
    %get3A_2065 = vector.load %arg4[%get3A_2063, %get3A_2064] : memref<16x512xf32, #tpu.memory_space<vmem>>, vector<1x512xf32>
    %slice3A_2066 = vector.extract_strided_slice %dot_general3A_2025 {offsets = [160, 0], sizes = [32, 512], strides = [1, 1]} : vector<512x512xf32> to vector<32x512xf32>
    %mul3A_2067 = vector.broadcast %get3A_2065 : vector<1x512xf32> to vector<32x512xf32>
    %mul3A_2068 = arith.mulf %mul3A_2067, %slice3A_2066 : vector<32x512xf32>
    %add3A_2069 = arith.addf %add3A_2062, %mul3A_2068 : vector<32x512xf32>
    %get3A_2070 = arith.constant 6 : index
    %get3A_2071 = arith.constant 0 : index
    %get3A_2072 = vector.load %arg4[%get3A_2070, %get3A_2071] : memref<16x512xf32, #tpu.memory_space<vmem>>, vector<1x512xf32>
    %slice3A_2073 = vector.extract_strided_slice %dot_general3A_2025 {offsets = [192, 0], sizes = [32, 512], strides = [1, 1]} : vector<512x512xf32> to vector<32x512xf32>
    %mul3A_2074 = vector.broadcast %get3A_2072 : vector<1x512xf32> to vector<32x512xf32>
    %mul3A_2075 = arith.mulf %mul3A_2074, %slice3A_2073 : vector<32x512xf32>
    %add3A_2076 = arith.addf %add3A_2069, %mul3A_2075 : vector<32x512xf32>
    %get3A_2077 = arith.constant 7 : index
    %get3A_2078 = arith.constant 0 : index
    %get3A_2079 = vector.load %arg4[%get3A_2077, %get3A_2078] : memref<16x512xf32, #tpu.memory_space<vmem>>, vector<1x512xf32>
    %slice3A_2080 = vector.extract_strided_slice %dot_general3A_2025 {offsets = [224, 0], sizes = [32, 512], strides = [1, 1]} : vector<512x512xf32> to vector<32x512xf32>
    %mul3A_2081 = vector.broadcast %get3A_2079 : vector<1x512xf32> to vector<32x512xf32>
    %mul3A_2082 = arith.mulf %mul3A_2081, %slice3A_2080 : vector<32x512xf32>
    %add3A_2083 = arith.addf %add3A_2076, %mul3A_2082 : vector<32x512xf32>
    %get3A_2084 = arith.constant 8 : index
    %get3A_2085 = arith.constant 0 : index
    %get3A_2086 = vector.load %arg4[%get3A_2084, %get3A_2085] : memref<16x512xf32, #tpu.memory_space<vmem>>, vector<1x512xf32>
    %slice3A_2087 = vector.extract_strided_slice %dot_general3A_2025 {offsets = [256, 0], sizes = [32, 512], strides = [1, 1]} : vector<512x512xf32> to vector<32x512xf32>
    %mul3A_2088 = vector.broadcast %get3A_2086 : vector<1x512xf32> to vector<32x512xf32>
    %mul3A_2089 = arith.mulf %mul3A_2088, %slice3A_2087 : vector<32x512xf32>
    %add3A_2090 = arith.addf %add3A_2083, %mul3A_2089 : vector<32x512xf32>
    %get3A_2091 = arith.constant 9 : index
    %get3A_2092 = arith.constant 0 : index
    %get3A_2093 = vector.load %arg4[%get3A_2091, %get3A_2092] : memref<16x512xf32, #tpu.memory_space<vmem>>, vector<1x512xf32>
    %slice3A_2094 = vector.extract_strided_slice %dot_general3A_2025 {offsets = [288, 0], sizes = [32, 512], strides = [1, 1]} : vector<512x512xf32> to vector<32x512xf32>
    %mul3A_2095 = vector.broadcast %get3A_2093 : vector<1x512xf32> to vector<32x512xf32>
    %mul3A_2096 = arith.mulf %mul3A_2095, %slice3A_2094 : vector<32x512xf32>
    %add3A_2097 = arith.addf %add3A_2090, %mul3A_2096 : vector<32x512xf32>
    %get3A_2098 = arith.constant 10 : index
    %get3A_2099 = arith.constant 0 : index
    %get3A_2100 = vector.load %arg4[%get3A_2098, %get3A_2099] : memref<16x512xf32, #tpu.memory_space<vmem>>, vector<1x512xf32>
    %slice3A_2101 = vector.extract_strided_slice %dot_general3A_2025 {offsets = [320, 0], sizes = [32, 512], strides = [1, 1]} : vector<512x512xf32> to vector<32x512xf32>
    %mul3A_2102 = vector.broadcast %get3A_2100 : vector<1x512xf32> to vector<32x512xf32>
    %mul3A_2103 = arith.mulf %mul3A_2102, %slice3A_2101 : vector<32x512xf32>
    %add3A_2104 = arith.addf %add3A_2097, %mul3A_2103 : vector<32x512xf32>
    %get3A_2105 = arith.constant 11 : index
    %get3A_2106 = arith.constant 0 : index
    %get3A_2107 = vector.load %arg4[%get3A_2105, %get3A_2106] : memref<16x512xf32, #tpu.memory_space<vmem>>, vector<1x512xf32>
    %slice3A_2108 = vector.extract_strided_slice %dot_general3A_2025 {offsets = [352, 0], sizes = [32, 512], strides = [1, 1]} : vector<512x512xf32> to vector<32x512xf32>
    %mul3A_2109 = vector.broadcast %get3A_2107 : vector<1x512xf32> to vector<32x512xf32>
    %mul3A_2110 = arith.mulf %mul3A_2109, %slice3A_2108 : vector<32x512xf32>
    %add3A_2111 = arith.addf %add3A_2104, %mul3A_2110 : vector<32x512xf32>
    %get3A_2112 = arith.constant 12 : index
    %get3A_2113 = arith.constant 0 : index
    %get3A_2114 = vector.load %arg4[%get3A_2112, %get3A_2113] : memref<16x512xf32, #tpu.memory_space<vmem>>, vector<1x512xf32>
    %slice3A_2115 = vector.extract_strided_slice %dot_general3A_2025 {offsets = [384, 0], sizes = [32, 512], strides = [1, 1]} : vector<512x512xf32> to vector<32x512xf32>
    %mul3A_2116 = vector.broadcast %get3A_2114 : vector<1x512xf32> to vector<32x512xf32>
    %mul3A_2117 = arith.mulf %mul3A_2116, %slice3A_2115 : vector<32x512xf32>
    %add3A_2118 = arith.addf %add3A_2111, %mul3A_2117 : vector<32x512xf32>
    %get3A_2119 = arith.constant 13 : index
    %get3A_2120 = arith.constant 0 : index
    %get3A_2121 = vector.load %arg4[%get3A_2119, %get3A_2120] : memref<16x512xf32, #tpu.memory_space<vmem>>, vector<1x512xf32>
    %slice3A_2122 = vector.extract_strided_slice %dot_general3A_2025 {offsets = [416, 0], sizes = [32, 512], strides = [1, 1]} : vector<512x512xf32> to vector<32x512xf32>
    %mul3A_2123 = vector.broadcast %get3A_2121 : vector<1x512xf32> to vector<32x512xf32>
    %mul3A_2124 = arith.mulf %mul3A_2123, %slice3A_2122 : vector<32x512xf32>
    %add3A_2125 = arith.addf %add3A_2118, %mul3A_2124 : vector<32x512xf32>
    %get3A_2126 = arith.constant 14 : index
    %get3A_2127 = arith.constant 0 : index
    %get3A_2128 = vector.load %arg4[%get3A_2126, %get3A_2127] : memref<16x512xf32, #tpu.memory_space<vmem>>, vector<1x512xf32>
    %slice3A_2129 = vector.extract_strided_slice %dot_general3A_2025 {offsets = [448, 0], sizes = [32, 512], strides = [1, 1]} : vector<512x512xf32> to vector<32x512xf32>
    %mul3A_2130 = vector.broadcast %get3A_2128 : vector<1x512xf32> to vector<32x512xf32>
    %mul3A_2131 = arith.mulf %mul3A_2130, %slice3A_2129 : vector<32x512xf32>
    %add3A_2132 = arith.addf %add3A_2125, %mul3A_2131 : vector<32x512xf32>
    %get3A_2133 = arith.constant 15 : index
    %get3A_2134 = arith.constant 0 : index
    %get3A_2135 = vector.load %arg4[%get3A_2133, %get3A_2134] : memref<16x512xf32, #tpu.memory_space<vmem>>, vector<1x512xf32>
    %slice3A_2136 = vector.extract_strided_slice %dot_general3A_2025 {offsets = [480, 0], sizes = [32, 512], strides = [1, 1]} : vector<512x512xf32> to vector<32x512xf32>
    %mul3A_2137 = vector.broadcast %get3A_2135 : vector<1x512xf32> to vector<32x512xf32>
    %mul3A_2138 = arith.mulf %mul3A_2137, %slice3A_2136 : vector<32x512xf32>
    %add3A_2139 = arith.addf %add3A_2132, %mul3A_2138 : vector<32x512xf32>
    %convert_element_type3A_2140 = arith.truncf %add3A_2139 : vector<32x512xf32> to vector<32x512xbf16>
    %swap3A_2141 = arith.constant 512 : index
    %swap3A_2142 = arith.constant 0 : index
    %swap3A_2143 = vector.load %arg12[%swap3A_2141, %swap3A_2142] : memref<640x512xbf16, #tpu.memory_space<vmem>>, vector<32x512xbf16>
    tpu.vector_store %arg12[%swap3A_2141, %swap3A_2142], %convert_element_type3A_2140 {strides = array<i32>} : memref<640x512xbf16, #tpu.memory_space<vmem>>, vector<32x512xbf16>,
    %slice3A_2144 = vector.extract_strided_slice %get3A_38 {offsets = [544, 0], sizes = [32, 512], strides = [1, 1]} : vector<640x512xbf16> to vector<32x512xbf16>
    %slice3A_2145 = vector.extract_strided_slice %convert_element_type3A_49 {offsets = [272, 0], sizes = [16, 512], strides = [1, 1]} : vector<320x512xbf16> to vector<16x512xbf16>
    %concatenate3A_2146 = tpu.concatenate %slice3A_2144, %slice3A_2145 in 0 : vector<32x512xbf16>, vector<16x512xbf16> -> vector<48x512xbf16>
    %dot_general3A_2147 = arith.constant dense<0.000000e+00> : vector<512x512xf32>
    %dot_general3A_2148 = tpu.matmul %get3A_52, %concatenate3A_2146, %dot_general3A_2147 {dimension_numbers = #tpu.dot_dimension_numbers<[1], [0], [0], [1], [0, 0, 1, 1], [], []>, transpose_lhs_hint = false} : vector<512x48xbf16>, vector<48x512xbf16>, vector<512x512xf32> -> vector<512x512xf32>
    %broadcast_in_dim3A_2149 = arith.constant 0.000000e+00 : f32
    %broadcast_in_dim3A_2150 = vector.broadcast %broadcast_in_dim3A_2149 : f32 to vector<32x512xf32>
    %get3A_2151 = arith.constant 0 : index
    %get3A_2152 = arith.constant 0 : index
    %get3A_2153 = vector.load %arg4[%get3A_2151, %get3A_2152] : memref<16x512xf32, #tpu.memory_space<vmem>>, vector<1x512xf32>
    %slice3A_2154 = vector.extract_strided_slice %dot_general3A_2148 {offsets = [0, 0], sizes = [32, 512], strides = [1, 1]} : vector<512x512xf32> to vector<32x512xf32>
    %mul3A_2155 = vector.broadcast %get3A_2153 : vector<1x512xf32> to vector<32x512xf32>
    %mul3A_2156 = arith.mulf %mul3A_2155, %slice3A_2154 : vector<32x512xf32>
    %add3A_2157 = arith.addf %broadcast_in_dim3A_2150, %mul3A_2156 : vector<32x512xf32>
    %get3A_2158 = arith.constant 1 : index
    %get3A_2159 = arith.constant 0 : index
    %get3A_2160 = vector.load %arg4[%get3A_2158, %get3A_2159] : memref<16x512xf32, #tpu.memory_space<vmem>>, vector<1x512xf32>
    %slice3A_2161 = vector.extract_strided_slice %dot_general3A_2148 {offsets = [32, 0], sizes = [32, 512], strides = [1, 1]} : vector<512x512xf32> to vector<32x512xf32>
    %mul3A_2162 = vector.broadcast %get3A_2160 : vector<1x512xf32> to vector<32x512xf32>
    %mul3A_2163 = arith.mulf %mul3A_2162, %slice3A_2161 : vector<32x512xf32>
    %add3A_2164 = arith.addf %add3A_2157, %mul3A_2163 : vector<32x512xf32>
    %get3A_2165 = arith.constant 2 : index
    %get3A_2166 = arith.constant 0 : index
    %get3A_2167 = vector.load %arg4[%get3A_2165, %get3A_2166] : memref<16x512xf32, #tpu.memory_space<vmem>>, vector<1x512xf32>
    %slice3A_2168 = vector.extract_strided_slice %dot_general3A_2148 {offsets = [64, 0], sizes = [32, 512], strides = [1, 1]} : vector<512x512xf32> to vector<32x512xf32>
    %mul3A_2169 = vector.broadcast %get3A_2167 : vector<1x512xf32> to vector<32x512xf32>
    %mul3A_2170 = arith.mulf %mul3A_2169, %slice3A_2168 : vector<32x512xf32>
    %add3A_2171 = arith.addf %add3A_2164, %mul3A_2170 : vector<32x512xf32>
    %get3A_2172 = arith.constant 3 : index
    %get3A_2173 = arith.constant 0 : index
    %get3A_2174 = vector.load %arg4[%get3A_2172, %get3A_2173] : memref<16x512xf32, #tpu.memory_space<vmem>>, vector<1x512xf32>
    %slice3A_2175 = vector.extract_strided_slice %dot_general3A_2148 {offsets = [96, 0], sizes = [32, 512], strides = [1, 1]} : vector<512x512xf32> to vector<32x512xf32>
    %mul3A_2176 = vector.broadcast %get3A_2174 : vector<1x512xf32> to vector<32x512xf32>
    %mul3A_2177 = arith.mulf %mul3A_2176, %slice3A_2175 : vector<32x512xf32>
    %add3A_2178 = arith.addf %add3A_2171, %mul3A_2177 : vector<32x512xf32>
    %get3A_2179 = arith.constant 4 : index
    %get3A_2180 = arith.constant 0 : index
    %get3A_2181 = vector.load %arg4[%get3A_2179, %get3A_2180] : memref<16x512xf32, #tpu.memory_space<vmem>>, vector<1x512xf32>
    %slice3A_2182 = vector.extract_strided_slice %dot_general3A_2148 {offsets = [128, 0], sizes = [32, 512], strides = [1, 1]} : vector<512x512xf32> to vector<32x512xf32>
    %mul3A_2183 = vector.broadcast %get3A_2181 : vector<1x512xf32> to vector<32x512xf32>
    %mul3A_2184 = arith.mulf %mul3A_2183, %slice3A_2182 : vector<32x512xf32>
    %add3A_2185 = arith.addf %add3A_2178, %mul3A_2184 : vector<32x512xf32>
    %get3A_2186 = arith.constant 5 : index
    %get3A_2187 = arith.constant 0 : index
    %get3A_2188 = vector.load %arg4[%get3A_2186, %get3A_2187] : memref<16x512xf32, #tpu.memory_space<vmem>>, vector<1x512xf32>
    %slice3A_2189 = vector.extract_strided_slice %dot_general3A_2148 {offsets = [160, 0], sizes = [32, 512], strides = [1, 1]} : vector<512x512xf32> to vector<32x512xf32>
    %mul3A_2190 = vector.broadcast %get3A_2188 : vector<1x512xf32> to vector<32x512xf32>
    %mul3A_2191 = arith.mulf %mul3A_2190, %slice3A_2189 : vector<32x512xf32>
    %add3A_2192 = arith.addf %add3A_2185, %mul3A_2191 : vector<32x512xf32>
    %get3A_2193 = arith.constant 6 : index
    %get3A_2194 = arith.constant 0 : index
    %get3A_2195 = vector.load %arg4[%get3A_2193, %get3A_2194] : memref<16x512xf32, #tpu.memory_space<vmem>>, vector<1x512xf32>
    %slice3A_2196 = vector.extract_strided_slice %dot_general3A_2148 {offsets = [192, 0], sizes = [32, 512], strides = [1, 1]} : vector<512x512xf32> to vector<32x512xf32>
    %mul3A_2197 = vector.broadcast %get3A_2195 : vector<1x512xf32> to vector<32x512xf32>
    %mul3A_2198 = arith.mulf %mul3A_2197, %slice3A_2196 : vector<32x512xf32>
    %add3A_2199 = arith.addf %add3A_2192, %mul3A_2198 : vector<32x512xf32>
    %get3A_2200 = arith.constant 7 : index
    %get3A_2201 = arith.constant 0 : index
    %get3A_2202 = vector.load %arg4[%get3A_2200, %get3A_2201] : memref<16x512xf32, #tpu.memory_space<vmem>>, vector<1x512xf32>
    %slice3A_2203 = vector.extract_strided_slice %dot_general3A_2148 {offsets = [224, 0], sizes = [32, 512], strides = [1, 1]} : vector<512x512xf32> to vector<32x512xf32>
    %mul3A_2204 = vector.broadcast %get3A_2202 : vector<1x512xf32> to vector<32x512xf32>
    %mul3A_2205 = arith.mulf %mul3A_2204, %slice3A_2203 : vector<32x512xf32>
    %add3A_2206 = arith.addf %add3A_2199, %mul3A_2205 : vector<32x512xf32>
    %get3A_2207 = arith.constant 8 : index
    %get3A_2208 = arith.constant 0 : index
    %get3A_2209 = vector.load %arg4[%get3A_2207, %get3A_2208] : memref<16x512xf32, #tpu.memory_space<vmem>>, vector<1x512xf32>
    %slice3A_2210 = vector.extract_strided_slice %dot_general3A_2148 {offsets = [256, 0], sizes = [32, 512], strides = [1, 1]} : vector<512x512xf32> to vector<32x512xf32>
    %mul3A_2211 = vector.broadcast %get3A_2209 : vector<1x512xf32> to vector<32x512xf32>
    %mul3A_2212 = arith.mulf %mul3A_2211, %slice3A_2210 : vector<32x512xf32>
    %add3A_2213 = arith.addf %add3A_2206, %mul3A_2212 : vector<32x512xf32>
    %get3A_2214 = arith.constant 9 : index
    %get3A_2215 = arith.constant 0 : index
    %get3A_2216 = vector.load %arg4[%get3A_2214, %get3A_2215] : memref<16x512xf32, #tpu.memory_space<vmem>>, vector<1x512xf32>
    %slice3A_2217 = vector.extract_strided_slice %dot_general3A_2148 {offsets = [288, 0], sizes = [32, 512], strides = [1, 1]} : vector<512x512xf32> to vector<32x512xf32>
    %mul3A_2218 = vector.broadcast %get3A_2216 : vector<1x512xf32> to vector<32x512xf32>
    %mul3A_2219 = arith.mulf %mul3A_2218, %slice3A_2217 : vector<32x512xf32>
    %add3A_2220 = arith.addf %add3A_2213, %mul3A_2219 : vector<32x512xf32>
    %get3A_2221 = arith.constant 10 : index
    %get3A_2222 = arith.constant 0 : index
    %get3A_2223 = vector.load %arg4[%get3A_2221, %get3A_2222] : memref<16x512xf32, #tpu.memory_space<vmem>>, vector<1x512xf32>
    %slice3A_2224 = vector.extract_strided_slice %dot_general3A_2148 {offsets = [320, 0], sizes = [32, 512], strides = [1, 1]} : vector<512x512xf32> to vector<32x512xf32>
    %mul3A_2225 = vector.broadcast %get3A_2223 : vector<1x512xf32> to vector<32x512xf32>
    %mul3A_2226 = arith.mulf %mul3A_2225, %slice3A_2224 : vector<32x512xf32>
    %add3A_2227 = arith.addf %add3A_2220, %mul3A_2226 : vector<32x512xf32>
    %get3A_2228 = arith.constant 11 : index
    %get3A_2229 = arith.constant 0 : index
    %get3A_2230 = vector.load %arg4[%get3A_2228, %get3A_2229] : memref<16x512xf32, #tpu.memory_space<vmem>>, vector<1x512xf32>
    %slice3A_2231 = vector.extract_strided_slice %dot_general3A_2148 {offsets = [352, 0], sizes = [32, 512], strides = [1, 1]} : vector<512x512xf32> to vector<32x512xf32>
    %mul3A_2232 = vector.broadcast %get3A_2230 : vector<1x512xf32> to vector<32x512xf32>
    %mul3A_2233 = arith.mulf %mul3A_2232, %slice3A_2231 : vector<32x512xf32>
    %add3A_2234 = arith.addf %add3A_2227, %mul3A_2233 : vector<32x512xf32>
    %get3A_2235 = arith.constant 12 : index
    %get3A_2236 = arith.constant 0 : index
    %get3A_2237 = vector.load %arg4[%get3A_2235, %get3A_2236] : memref<16x512xf32, #tpu.memory_space<vmem>>, vector<1x512xf32>
    %slice3A_2238 = vector.extract_strided_slice %dot_general3A_2148 {offsets = [384, 0], sizes = [32, 512], strides = [1, 1]} : vector<512x512xf32> to vector<32x512xf32>
    %mul3A_2239 = vector.broadcast %get3A_2237 : vector<1x512xf32> to vector<32x512xf32>
    %mul3A_2240 = arith.mulf %mul3A_2239, %slice3A_2238 : vector<32x512xf32>
    %add3A_2241 = arith.addf %add3A_2234, %mul3A_2240 : vector<32x512xf32>
    %get3A_2242 = arith.constant 13 : index
    %get3A_2243 = arith.constant 0 : index
    %get3A_2244 = vector.load %arg4[%get3A_2242, %get3A_2243] : memref<16x512xf32, #tpu.memory_space<vmem>>, vector<1x512xf32>
    %slice3A_2245 = vector.extract_strided_slice %dot_general3A_2148 {offsets = [416, 0], sizes = [32, 512], strides = [1, 1]} : vector<512x512xf32> to vector<32x512xf32>
    %mul3A_2246 = vector.broadcast %get3A_2244 : vector<1x512xf32> to vector<32x512xf32>
    %mul3A_2247 = arith.mulf %mul3A_2246, %slice3A_2245 : vector<32x512xf32>
    %add3A_2248 = arith.addf %add3A_2241, %mul3A_2247 : vector<32x512xf32>
    %get3A_2249 = arith.constant 14 : index
    %get3A_2250 = arith.constant 0 : index
    %get3A_2251 = vector.load %arg4[%get3A_2249, %get3A_2250] : memref<16x512xf32, #tpu.memory_space<vmem>>, vector<1x512xf32>
    %slice3A_2252 = vector.extract_strided_slice %dot_general3A_2148 {offsets = [448, 0], sizes = [32, 512], strides = [1, 1]} : vector<512x512xf32> to vector<32x512xf32>
    %mul3A_2253 = vector.broadcast %get3A_2251 : vector<1x512xf32> to vector<32x512xf32>
    %mul3A_2254 = arith.mulf %mul3A_2253, %slice3A_2252 : vector<32x512xf32>
    %add3A_2255 = arith.addf %add3A_2248, %mul3A_2254 : vector<32x512xf32>
    %get3A_2256 = arith.constant 15 : index
    %get3A_2257 = arith.constant 0 : index
    %get3A_2258 = vector.load %arg4[%get3A_2256, %get3A_2257] : memref<16x512xf32, #tpu.memory_space<vmem>>, vector<1x512xf32>
    %slice3A_2259 = vector.extract_strided_slice %dot_general3A_2148 {offsets = [480, 0], sizes = [32, 512], strides = [1, 1]} : vector<512x512xf32> to vector<32x512xf32>
    %mul3A_2260 = vector.broadcast %get3A_2258 : vector<1x512xf32> to vector<32x512xf32>
    %mul3A_2261 = arith.mulf %mul3A_2260, %slice3A_2259 : vector<32x512xf32>
    %add3A_2262 = arith.addf %add3A_2255, %mul3A_2261 : vector<32x512xf32>
    %convert_element_type3A_2263 = arith.truncf %add3A_2262 : vector<32x512xf32> to vector<32x512xbf16>
    %swap3A_2264 = arith.constant 544 : index
    %swap3A_2265 = arith.constant 0 : index
    %swap3A_2266 = vector.load %arg12[%swap3A_2264, %swap3A_2265] : memref<640x512xbf16, #tpu.memory_space<vmem>>, vector<32x512xbf16>
    tpu.vector_store %arg12[%swap3A_2264, %swap3A_2265], %convert_element_type3A_2263 {strides = array<i32>} : memref<640x512xbf16, #tpu.memory_space<vmem>>, vector<32x512xbf16>,
    %slice3A_2267 = vector.extract_strided_slice %get3A_38 {offsets = [576, 0], sizes = [32, 512], strides = [1, 1]} : vector<640x512xbf16> to vector<32x512xbf16>
    %slice3A_2268 = vector.extract_strided_slice %convert_element_type3A_49 {offsets = [288, 0], sizes = [16, 512], strides = [1, 1]} : vector<320x512xbf16> to vector<16x512xbf16>
    %concatenate3A_2269 = tpu.concatenate %slice3A_2267, %slice3A_2268 in 0 : vector<32x512xbf16>, vector<16x512xbf16> -> vector<48x512xbf16>
    %dot_general3A_2270 = arith.constant dense<0.000000e+00> : vector<512x512xf32>
    %dot_general3A_2271 = tpu.matmul %get3A_52, %concatenate3A_2269, %dot_general3A_2270 {dimension_numbers = #tpu.dot_dimension_numbers<[1], [0], [0], [1], [0, 0, 1, 1], [], []>, transpose_lhs_hint = false} : vector<512x48xbf16>, vector<48x512xbf16>, vector<512x512xf32> -> vector<512x512xf32>
    %broadcast_in_dim3A_2272 = arith.constant 0.000000e+00 : f32
    %broadcast_in_dim3A_2273 = vector.broadcast %broadcast_in_dim3A_2272 : f32 to vector<32x512xf32>
    %get3A_2274 = arith.constant 0 : index
    %get3A_2275 = arith.constant 0 : index
    %get3A_2276 = vector.load %arg4[%get3A_2274, %get3A_2275] : memref<16x512xf32, #tpu.memory_space<vmem>>, vector<1x512xf32>
    %slice3A_2277 = vector.extract_strided_slice %dot_general3A_2271 {offsets = [0, 0], sizes = [32, 512], strides = [1, 1]} : vector<512x512xf32> to vector<32x512xf32>
    %mul3A_2278 = vector.broadcast %get3A_2276 : vector<1x512xf32> to vector<32x512xf32>
    %mul3A_2279 = arith.mulf %mul3A_2278, %slice3A_2277 : vector<32x512xf32>
    %add3A_2280 = arith.addf %broadcast_in_dim3A_2273, %mul3A_2279 : vector<32x512xf32>
    %get3A_2281 = arith.constant 1 : index
    %get3A_2282 = arith.constant 0 : index
    %get3A_2283 = vector.load %arg4[%get3A_2281, %get3A_2282] : memref<16x512xf32, #tpu.memory_space<vmem>>, vector<1x512xf32>
    %slice3A_2284 = vector.extract_strided_slice %dot_general3A_2271 {offsets = [32, 0], sizes = [32, 512], strides = [1, 1]} : vector<512x512xf32> to vector<32x512xf32>
    %mul3A_2285 = vector.broadcast %get3A_2283 : vector<1x512xf32> to vector<32x512xf32>
    %mul3A_2286 = arith.mulf %mul3A_2285, %slice3A_2284 : vector<32x512xf32>
    %add3A_2287 = arith.addf %add3A_2280, %mul3A_2286 : vector<32x512xf32>
    %get3A_2288 = arith.constant 2 : index
    %get3A_2289 = arith.constant 0 : index
    %get3A_2290 = vector.load %arg4[%get3A_2288, %get3A_2289] : memref<16x512xf32, #tpu.memory_space<vmem>>, vector<1x512xf32>
    %slice3A_2291 = vector.extract_strided_slice %dot_general3A_2271 {offsets = [64, 0], sizes = [32, 512], strides = [1, 1]} : vector<512x512xf32> to vector<32x512xf32>
    %mul3A_2292 = vector.broadcast %get3A_2290 : vector<1x512xf32> to vector<32x512xf32>
    %mul3A_2293 = arith.mulf %mul3A_2292, %slice3A_2291 : vector<32x512xf32>
    %add3A_2294 = arith.addf %add3A_2287, %mul3A_2293 : vector<32x512xf32>
    %get3A_2295 = arith.constant 3 : index
    %get3A_2296 = arith.constant 0 : index
    %get3A_2297 = vector.load %arg4[%get3A_2295, %get3A_2296] : memref<16x512xf32, #tpu.memory_space<vmem>>, vector<1x512xf32>
    %slice3A_2298 = vector.extract_strided_slice %dot_general3A_2271 {offsets = [96, 0], sizes = [32, 512], strides = [1, 1]} : vector<512x512xf32> to vector<32x512xf32>
    %mul3A_2299 = vector.broadcast %get3A_2297 : vector<1x512xf32> to vector<32x512xf32>
    %mul3A_2300 = arith.mulf %mul3A_2299, %slice3A_2298 : vector<32x512xf32>
    %add3A_2301 = arith.addf %add3A_2294, %mul3A_2300 : vector<32x512xf32>
    %get3A_2302 = arith.constant 4 : index
    %get3A_2303 = arith.constant 0 : index
    %get3A_2304 = vector.load %arg4[%get3A_2302, %get3A_2303] : memref<16x512xf32, #tpu.memory_space<vmem>>, vector<1x512xf32>
    %slice3A_2305 = vector.extract_strided_slice %dot_general3A_2271 {offsets = [128, 0], sizes = [32, 512], strides = [1, 1]} : vector<512x512xf32> to vector<32x512xf32>
    %mul3A_2306 = vector.broadcast %get3A_2304 : vector<1x512xf32> to vector<32x512xf32>
    %mul3A_2307 = arith.mulf %mul3A_2306, %slice3A_2305 : vector<32x512xf32>
    %add3A_2308 = arith.addf %add3A_2301, %mul3A_2307 : vector<32x512xf32>
    %get3A_2309 = arith.constant 5 : index
    %get3A_2310 = arith.constant 0 : index
    %get3A_2311 = vector.load %arg4[%get3A_2309, %get3A_2310] : memref<16x512xf32, #tpu.memory_space<vmem>>, vector<1x512xf32>
    %slice3A_2312 = vector.extract_strided_slice %dot_general3A_2271 {offsets = [160, 0], sizes = [32, 512], strides = [1, 1]} : vector<512x512xf32> to vector<32x512xf32>
    %mul3A_2313 = vector.broadcast %get3A_2311 : vector<1x512xf32> to vector<32x512xf32>
    %mul3A_2314 = arith.mulf %mul3A_2313, %slice3A_2312 : vector<32x512xf32>
    %add3A_2315 = arith.addf %add3A_2308, %mul3A_2314 : vector<32x512xf32>
    %get3A_2316 = arith.constant 6 : index
    %get3A_2317 = arith.constant 0 : index
    %get3A_2318 = vector.load %arg4[%get3A_2316, %get3A_2317] : memref<16x512xf32, #tpu.memory_space<vmem>>, vector<1x512xf32>
    %slice3A_2319 = vector.extract_strided_slice %dot_general3A_2271 {offsets = [192, 0], sizes = [32, 512], strides = [1, 1]} : vector<512x512xf32> to vector<32x512xf32>
    %mul3A_2320 = vector.broadcast %get3A_2318 : vector<1x512xf32> to vector<32x512xf32>
    %mul3A_2321 = arith.mulf %mul3A_2320, %slice3A_2319 : vector<32x512xf32>
    %add3A_2322 = arith.addf %add3A_2315, %mul3A_2321 : vector<32x512xf32>
    %get3A_2323 = arith.constant 7 : index
    %get3A_2324 = arith.constant 0 : index
    %get3A_2325 = vector.load %arg4[%get3A_2323, %get3A_2324] : memref<16x512xf32, #tpu.memory_space<vmem>>, vector<1x512xf32>
    %slice3A_2326 = vector.extract_strided_slice %dot_general3A_2271 {offsets = [224, 0], sizes = [32, 512], strides = [1, 1]} : vector<512x512xf32> to vector<32x512xf32>
    %mul3A_2327 = vector.broadcast %get3A_2325 : vector<1x512xf32> to vector<32x512xf32>
    %mul3A_2328 = arith.mulf %mul3A_2327, %slice3A_2326 : vector<32x512xf32>
    %add3A_2329 = arith.addf %add3A_2322, %mul3A_2328 : vector<32x512xf32>
    %get3A_2330 = arith.constant 8 : index
    %get3A_2331 = arith.constant 0 : index
    %get3A_2332 = vector.load %arg4[%get3A_2330, %get3A_2331] : memref<16x512xf32, #tpu.memory_space<vmem>>, vector<1x512xf32>
    %slice3A_2333 = vector.extract_strided_slice %dot_general3A_2271 {offsets = [256, 0], sizes = [32, 512], strides = [1, 1]} : vector<512x512xf32> to vector<32x512xf32>
    %mul3A_2334 = vector.broadcast %get3A_2332 : vector<1x512xf32> to vector<32x512xf32>
    %mul3A_2335 = arith.mulf %mul3A_2334, %slice3A_2333 : vector<32x512xf32>
    %add3A_2336 = arith.addf %add3A_2329, %mul3A_2335 : vector<32x512xf32>
    %get3A_2337 = arith.constant 9 : index
    %get3A_2338 = arith.constant 0 : index
    %get3A_2339 = vector.load %arg4[%get3A_2337, %get3A_2338] : memref<16x512xf32, #tpu.memory_space<vmem>>, vector<1x512xf32>
    %slice3A_2340 = vector.extract_strided_slice %dot_general3A_2271 {offsets = [288, 0], sizes = [32, 512], strides = [1, 1]} : vector<512x512xf32> to vector<32x512xf32>
    %mul3A_2341 = vector.broadcast %get3A_2339 : vector<1x512xf32> to vector<32x512xf32>
    %mul3A_2342 = arith.mulf %mul3A_2341, %slice3A_2340 : vector<32x512xf32>
    %add3A_2343 = arith.addf %add3A_2336, %mul3A_2342 : vector<32x512xf32>
    %get3A_2344 = arith.constant 10 : index
    %get3A_2345 = arith.constant 0 : index
    %get3A_2346 = vector.load %arg4[%get3A_2344, %get3A_2345] : memref<16x512xf32, #tpu.memory_space<vmem>>, vector<1x512xf32>
    %slice3A_2347 = vector.extract_strided_slice %dot_general3A_2271 {offsets = [320, 0], sizes = [32, 512], strides = [1, 1]} : vector<512x512xf32> to vector<32x512xf32>
    %mul3A_2348 = vector.broadcast %get3A_2346 : vector<1x512xf32> to vector<32x512xf32>
    %mul3A_2349 = arith.mulf %mul3A_2348, %slice3A_2347 : vector<32x512xf32>
    %add3A_2350 = arith.addf %add3A_2343, %mul3A_2349 : vector<32x512xf32>
    %get3A_2351 = arith.constant 11 : index
    %get3A_2352 = arith.constant 0 : index
    %get3A_2353 = vector.load %arg4[%get3A_2351, %get3A_2352] : memref<16x512xf32, #tpu.memory_space<vmem>>, vector<1x512xf32>
    %slice3A_2354 = vector.extract_strided_slice %dot_general3A_2271 {offsets = [352, 0], sizes = [32, 512], strides = [1, 1]} : vector<512x512xf32> to vector<32x512xf32>
    %mul3A_2355 = vector.broadcast %get3A_2353 : vector<1x512xf32> to vector<32x512xf32>
    %mul3A_2356 = arith.mulf %mul3A_2355, %slice3A_2354 : vector<32x512xf32>
    %add3A_2357 = arith.addf %add3A_2350, %mul3A_2356 : vector<32x512xf32>
    %get3A_2358 = arith.constant 12 : index
    %get3A_2359 = arith.constant 0 : index
    %get3A_2360 = vector.load %arg4[%get3A_2358, %get3A_2359] : memref<16x512xf32, #tpu.memory_space<vmem>>, vector<1x512xf32>
    %slice3A_2361 = vector.extract_strided_slice %dot_general3A_2271 {offsets = [384, 0], sizes = [32, 512], strides = [1, 1]} : vector<512x512xf32> to vector<32x512xf32>
    %mul3A_2362 = vector.broadcast %get3A_2360 : vector<1x512xf32> to vector<32x512xf32>
    %mul3A_2363 = arith.mulf %mul3A_2362, %slice3A_2361 : vector<32x512xf32>
    %add3A_2364 = arith.addf %add3A_2357, %mul3A_2363 : vector<32x512xf32>
    %get3A_2365 = arith.constant 13 : index
    %get3A_2366 = arith.constant 0 : index
    %get3A_2367 = vector.load %arg4[%get3A_2365, %get3A_2366] : memref<16x512xf32, #tpu.memory_space<vmem>>, vector<1x512xf32>
    %slice3A_2368 = vector.extract_strided_slice %dot_general3A_2271 {offsets = [416, 0], sizes = [32, 512], strides = [1, 1]} : vector<512x512xf32> to vector<32x512xf32>
    %mul3A_2369 = vector.broadcast %get3A_2367 : vector<1x512xf32> to vector<32x512xf32>
    %mul3A_2370 = arith.mulf %mul3A_2369, %slice3A_2368 : vector<32x512xf32>
    %add3A_2371 = arith.addf %add3A_2364, %mul3A_2370 : vector<32x512xf32>
    %get3A_2372 = arith.constant 14 : index
    %get3A_2373 = arith.constant 0 : index
    %get3A_2374 = vector.load %arg4[%get3A_2372, %get3A_2373] : memref<16x512xf32, #tpu.memory_space<vmem>>, vector<1x512xf32>
    %slice3A_2375 = vector.extract_strided_slice %dot_general3A_2271 {offsets = [448, 0], sizes = [32, 512], strides = [1, 1]} : vector<512x512xf32> to vector<32x512xf32>
    %mul3A_2376 = vector.broadcast %get3A_2374 : vector<1x512xf32> to vector<32x512xf32>
    %mul3A_2377 = arith.mulf %mul3A_2376, %slice3A_2375 : vector<32x512xf32>
    %add3A_2378 = arith.addf %add3A_2371, %mul3A_2377 : vector<32x512xf32>
    %get3A_2379 = arith.constant 15 : index
    %get3A_2380 = arith.constant 0 : index
    %get3A_2381 = vector.load %arg4[%get3A_2379, %get3A_2380] : memref<16x512xf32, #tpu.memory_space<vmem>>, vector<1x512xf32>
    %slice3A_2382 = vector.extract_strided_slice %dot_general3A_2271 {offsets = [480, 0], sizes = [32, 512], strides = [1, 1]} : vector<512x512xf32> to vector<32x512xf32>
    %mul3A_2383 = vector.broadcast %get3A_2381 : vector<1x512xf32> to vector<32x512xf32>
    %mul3A_2384 = arith.mulf %mul3A_2383, %slice3A_2382 : vector<32x512xf32>
    %add3A_2385 = arith.addf %add3A_2378, %mul3A_2384 : vector<32x512xf32>
    %convert_element_type3A_2386 = arith.truncf %add3A_2385 : vector<32x512xf32> to vector<32x512xbf16>
    %swap3A_2387 = arith.constant 576 : index
    %swap3A_2388 = arith.constant 0 : index
    %swap3A_2389 = vector.load %arg12[%swap3A_2387, %swap3A_2388] : memref<640x512xbf16, #tpu.memory_space<vmem>>, vector<32x512xbf16>
    tpu.vector_store %arg12[%swap3A_2387, %swap3A_2388], %convert_element_type3A_2386 {strides = array<i32>} : memref<640x512xbf16, #tpu.memory_space<vmem>>, vector<32x512xbf16>,
    %slice3A_2390 = vector.extract_strided_slice %get3A_38 {offsets = [608, 0], sizes = [32, 512], strides = [1, 1]} : vector<640x512xbf16> to vector<32x512xbf16>
    %slice3A_2391 = vector.extract_strided_slice %convert_element_type3A_49 {offsets = [304, 0], sizes = [16, 512], strides = [1, 1]} : vector<320x512xbf16> to vector<16x512xbf16>
    %concatenate3A_2392 = tpu.concatenate %slice3A_2390, %slice3A_2391 in 0 : vector<32x512xbf16>, vector<16x512xbf16> -> vector<48x512xbf16>
    %dot_general3A_2393 = arith.constant dense<0.000000e+00> : vector<512x512xf32>
    %dot_general3A_2394 = tpu.matmul %get3A_52, %concatenate3A_2392, %dot_general3A_2393 {dimension_numbers = #tpu.dot_dimension_numbers<[1], [0], [0], [1], [0, 0, 1, 1], [], []>, transpose_lhs_hint = false} : vector<512x48xbf16>, vector<48x512xbf16>, vector<512x512xf32> -> vector<512x512xf32>
    %broadcast_in_dim3A_2395 = arith.constant 0.000000e+00 : f32
    %broadcast_in_dim3A_2396 = vector.broadcast %broadcast_in_dim3A_2395 : f32 to vector<32x512xf32>
    %get3A_2397 = arith.constant 0 : index
    %get3A_2398 = arith.constant 0 : index
    %get3A_2399 = vector.load %arg4[%get3A_2397, %get3A_2398] : memref<16x512xf32, #tpu.memory_space<vmem>>, vector<1x512xf32>
    %slice3A_2400 = vector.extract_strided_slice %dot_general3A_2394 {offsets = [0, 0], sizes = [32, 512], strides = [1, 1]} : vector<512x512xf32> to vector<32x512xf32>
    %mul3A_2401 = vector.broadcast %get3A_2399 : vector<1x512xf32> to vector<32x512xf32>
    %mul3A_2402 = arith.mulf %mul3A_2401, %slice3A_2400 : vector<32x512xf32>
    %add3A_2403 = arith.addf %broadcast_in_dim3A_2396, %mul3A_2402 : vector<32x512xf32>
    %get3A_2404 = arith.constant 1 : index
    %get3A_2405 = arith.constant 0 : index
    %get3A_2406 = vector.load %arg4[%get3A_2404, %get3A_2405] : memref<16x512xf32, #tpu.memory_space<vmem>>, vector<1x512xf32>
    %slice3A_2407 = vector.extract_strided_slice %dot_general3A_2394 {offsets = [32, 0], sizes = [32, 512], strides = [1, 1]} : vector<512x512xf32> to vector<32x512xf32>
    %mul3A_2408 = vector.broadcast %get3A_2406 : vector<1x512xf32> to vector<32x512xf32>
    %mul3A_2409 = arith.mulf %mul3A_2408, %slice3A_2407 : vector<32x512xf32>
    %add3A_2410 = arith.addf %add3A_2403, %mul3A_2409 : vector<32x512xf32>
    %get3A_2411 = arith.constant 2 : index
    %get3A_2412 = arith.constant 0 : index
    %get3A_2413 = vector.load %arg4[%get3A_2411, %get3A_2412] : memref<16x512xf32, #tpu.memory_space<vmem>>, vector<1x512xf32>
    %slice3A_2414 = vector.extract_strided_slice %dot_general3A_2394 {offsets = [64, 0], sizes = [32, 512], strides = [1, 1]} : vector<512x512xf32> to vector<32x512xf32>
    %mul3A_2415 = vector.broadcast %get3A_2413 : vector<1x512xf32> to vector<32x512xf32>
    %mul3A_2416 = arith.mulf %mul3A_2415, %slice3A_2414 : vector<32x512xf32>
    %add3A_2417 = arith.addf %add3A_2410, %mul3A_2416 : vector<32x512xf32>
    %get3A_2418 = arith.constant 3 : index
    %get3A_2419 = arith.constant 0 : index
    %get3A_2420 = vector.load %arg4[%get3A_2418, %get3A_2419] : memref<16x512xf32, #tpu.memory_space<vmem>>, vector<1x512xf32>
    %slice3A_2421 = vector.extract_strided_slice %dot_general3A_2394 {offsets = [96, 0], sizes = [32, 512], strides = [1, 1]} : vector<512x512xf32> to vector<32x512xf32>
    %mul3A_2422 = vector.broadcast %get3A_2420 : vector<1x512xf32> to vector<32x512xf32>
    %mul3A_2423 = arith.mulf %mul3A_2422, %slice3A_2421 : vector<32x512xf32>
    %add3A_2424 = arith.addf %add3A_2417, %mul3A_2423 : vector<32x512xf32>
    %get3A_2425 = arith.constant 4 : index
    %get3A_2426 = arith.constant 0 : index
    %get3A_2427 = vector.load %arg4[%get3A_2425, %get3A_2426] : memref<16x512xf32, #tpu.memory_space<vmem>>, vector<1x512xf32>
    %slice3A_2428 = vector.extract_strided_slice %dot_general3A_2394 {offsets = [128, 0], sizes = [32, 512], strides = [1, 1]} : vector<512x512xf32> to vector<32x512xf32>
    %mul3A_2429 = vector.broadcast %get3A_2427 : vector<1x512xf32> to vector<32x512xf32>
    %mul3A_2430 = arith.mulf %mul3A_2429, %slice3A_2428 : vector<32x512xf32>
    %add3A_2431 = arith.addf %add3A_2424, %mul3A_2430 : vector<32x512xf32>
    %get3A_2432 = arith.constant 5 : index
    %get3A_2433 = arith.constant 0 : index
    %get3A_2434 = vector.load %arg4[%get3A_2432, %get3A_2433] : memref<16x512xf32, #tpu.memory_space<vmem>>, vector<1x512xf32>
    %slice3A_2435 = vector.extract_strided_slice %dot_general3A_2394 {offsets = [160, 0], sizes = [32, 512], strides = [1, 1]} : vector<512x512xf32> to vector<32x512xf32>
    %mul3A_2436 = vector.broadcast %get3A_2434 : vector<1x512xf32> to vector<32x512xf32>
    %mul3A_2437 = arith.mulf %mul3A_2436, %slice3A_2435 : vector<32x512xf32>
    %add3A_2438 = arith.addf %add3A_2431, %mul3A_2437 : vector<32x512xf32>
    %get3A_2439 = arith.constant 6 : index
    %get3A_2440 = arith.constant 0 : index
    %get3A_2441 = vector.load %arg4[%get3A_2439, %get3A_2440] : memref<16x512xf32, #tpu.memory_space<vmem>>, vector<1x512xf32>
    %slice3A_2442 = vector.extract_strided_slice %dot_general3A_2394 {offsets = [192, 0], sizes = [32, 512], strides = [1, 1]} : vector<512x512xf32> to vector<32x512xf32>
    %mul3A_2443 = vector.broadcast %get3A_2441 : vector<1x512xf32> to vector<32x512xf32>
    %mul3A_2444 = arith.mulf %mul3A_2443, %slice3A_2442 : vector<32x512xf32>
    %add3A_2445 = arith.addf %add3A_2438, %mul3A_2444 : vector<32x512xf32>
    %get3A_2446 = arith.constant 7 : index
    %get3A_2447 = arith.constant 0 : index
    %get3A_2448 = vector.load %arg4[%get3A_2446, %get3A_2447] : memref<16x512xf32, #tpu.memory_space<vmem>>, vector<1x512xf32>
    %slice3A_2449 = vector.extract_strided_slice %dot_general3A_2394 {offsets = [224, 0], sizes = [32, 512], strides = [1, 1]} : vector<512x512xf32> to vector<32x512xf32>
    %mul3A_2450 = vector.broadcast %get3A_2448 : vector<1x512xf32> to vector<32x512xf32>
    %mul3A_2451 = arith.mulf %mul3A_2450, %slice3A_2449 : vector<32x512xf32>
    %add3A_2452 = arith.addf %add3A_2445, %mul3A_2451 : vector<32x512xf32>
    %get3A_2453 = arith.constant 8 : index
    %get3A_2454 = arith.constant 0 : index
    %get3A_2455 = vector.load %arg4[%get3A_2453, %get3A_2454] : memref<16x512xf32, #tpu.memory_space<vmem>>, vector<1x512xf32>
    %slice3A_2456 = vector.extract_strided_slice %dot_general3A_2394 {offsets = [256, 0], sizes = [32, 512], strides = [1, 1]} : vector<512x512xf32> to vector<32x512xf32>
    %mul3A_2457 = vector.broadcast %get3A_2455 : vector<1x512xf32> to vector<32x512xf32>
    %mul3A_2458 = arith.mulf %mul3A_2457, %slice3A_2456 : vector<32x512xf32>
    %add3A_2459 = arith.addf %add3A_2452, %mul3A_2458 : vector<32x512xf32>
    %get3A_2460 = arith.constant 9 : index
    %get3A_2461 = arith.constant 0 : index
    %get3A_2462 = vector.load %arg4[%get3A_2460, %get3A_2461] : memref<16x512xf32, #tpu.memory_space<vmem>>, vector<1x512xf32>
    %slice3A_2463 = vector.extract_strided_slice %dot_general3A_2394 {offsets = [288, 0], sizes = [32, 512], strides = [1, 1]} : vector<512x512xf32> to vector<32x512xf32>
    %mul3A_2464 = vector.broadcast %get3A_2462 : vector<1x512xf32> to vector<32x512xf32>
    %mul3A_2465 = arith.mulf %mul3A_2464, %slice3A_2463 : vector<32x512xf32>
    %add3A_2466 = arith.addf %add3A_2459, %mul3A_2465 : vector<32x512xf32>
    %get3A_2467 = arith.constant 10 : index
    %get3A_2468 = arith.constant 0 : index
    %get3A_2469 = vector.load %arg4[%get3A_2467, %get3A_2468] : memref<16x512xf32, #tpu.memory_space<vmem>>, vector<1x512xf32>
    %slice3A_2470 = vector.extract_strided_slice %dot_general3A_2394 {offsets = [320, 0], sizes = [32, 512], strides = [1, 1]} : vector<512x512xf32> to vector<32x512xf32>
    %mul3A_2471 = vector.broadcast %get3A_2469 : vector<1x512xf32> to vector<32x512xf32>
    %mul3A_2472 = arith.mulf %mul3A_2471, %slice3A_2470 : vector<32x512xf32>
    %add3A_2473 = arith.addf %add3A_2466, %mul3A_2472 : vector<32x512xf32>
    %get3A_2474 = arith.constant 11 : index
    %get3A_2475 = arith.constant 0 : index
    %get3A_2476 = vector.load %arg4[%get3A_2474, %get3A_2475] : memref<16x512xf32, #tpu.memory_space<vmem>>, vector<1x512xf32>
    %slice3A_2477 = vector.extract_strided_slice %dot_general3A_2394 {offsets = [352, 0], sizes = [32, 512], strides = [1, 1]} : vector<512x512xf32> to vector<32x512xf32>
    %mul3A_2478 = vector.broadcast %get3A_2476 : vector<1x512xf32> to vector<32x512xf32>
    %mul3A_2479 = arith.mulf %mul3A_2478, %slice3A_2477 : vector<32x512xf32>
    %add3A_2480 = arith.addf %add3A_2473, %mul3A_2479 : vector<32x512xf32>
    %get3A_2481 = arith.constant 12 : index
    %get3A_2482 = arith.constant 0 : index
    %get3A_2483 = vector.load %arg4[%get3A_2481, %get3A_2482] : memref<16x512xf32, #tpu.memory_space<vmem>>, vector<1x512xf32>
    %slice3A_2484 = vector.extract_strided_slice %dot_general3A_2394 {offsets = [384, 0], sizes = [32, 512], strides = [1, 1]} : vector<512x512xf32> to vector<32x512xf32>
    %mul3A_2485 = vector.broadcast %get3A_2483 : vector<1x512xf32> to vector<32x512xf32>
    %mul3A_2486 = arith.mulf %mul3A_2485, %slice3A_2484 : vector<32x512xf32>
    %add3A_2487 = arith.addf %add3A_2480, %mul3A_2486 : vector<32x512xf32>
    %get3A_2488 = arith.constant 13 : index
    %get3A_2489 = arith.constant 0 : index
    %get3A_2490 = vector.load %arg4[%get3A_2488, %get3A_2489] : memref<16x512xf32, #tpu.memory_space<vmem>>, vector<1x512xf32>
    %slice3A_2491 = vector.extract_strided_slice %dot_general3A_2394 {offsets = [416, 0], sizes = [32, 512], strides = [1, 1]} : vector<512x512xf32> to vector<32x512xf32>
    %mul3A_2492 = vector.broadcast %get3A_2490 : vector<1x512xf32> to vector<32x512xf32>
    %mul3A_2493 = arith.mulf %mul3A_2492, %slice3A_2491 : vector<32x512xf32>
    %add3A_2494 = arith.addf %add3A_2487, %mul3A_2493 : vector<32x512xf32>
    %get3A_2495 = arith.constant 14 : index
    %get3A_2496 = arith.constant 0 : index
    %get3A_2497 = vector.load %arg4[%get3A_2495, %get3A_2496] : memref<16x512xf32, #tpu.memory_space<vmem>>, vector<1x512xf32>
    %slice3A_2498 = vector.extract_strided_slice %dot_general3A_2394 {offsets = [448, 0], sizes = [32, 512], strides = [1, 1]} : vector<512x512xf32> to vector<32x512xf32>
    %mul3A_2499 = vector.broadcast %get3A_2497 : vector<1x512xf32> to vector<32x512xf32>
    %mul3A_2500 = arith.mulf %mul3A_2499, %slice3A_2498 : vector<32x512xf32>
    %add3A_2501 = arith.addf %add3A_2494, %mul3A_2500 : vector<32x512xf32>
    %get3A_2502 = arith.constant 15 : index
    %get3A_2503 = arith.constant 0 : index
    %get3A_2504 = vector.load %arg4[%get3A_2502, %get3A_2503] : memref<16x512xf32, #tpu.memory_space<vmem>>, vector<1x512xf32>
    %slice3A_2505 = vector.extract_strided_slice %dot_general3A_2394 {offsets = [480, 0], sizes = [32, 512], strides = [1, 1]} : vector<512x512xf32> to vector<32x512xf32>
    %mul3A_2506 = vector.broadcast %get3A_2504 : vector<1x512xf32> to vector<32x512xf32>
    %mul3A_2507 = arith.mulf %mul3A_2506, %slice3A_2505 : vector<32x512xf32>
    %add3A_2508 = arith.addf %add3A_2501, %mul3A_2507 : vector<32x512xf32>
    %convert_element_type3A_2509 = arith.truncf %add3A_2508 : vector<32x512xf32> to vector<32x512xbf16>
    %swap3A_2510 = arith.constant 608 : index
    %swap3A_2511 = arith.constant 0 : index
    %swap3A_2512 = vector.load %arg12[%swap3A_2510, %swap3A_2511] : memref<640x512xbf16, #tpu.memory_space<vmem>>, vector<32x512xbf16>
    tpu.vector_store %arg12[%swap3A_2510, %swap3A_2511], %convert_element_type3A_2509 {strides = array<i32>} : memref<640x512xbf16, #tpu.memory_space<vmem>>, vector<32x512xbf16>,
    %get3A_2513 = arith.constant 0 : index
    %get3A_2514 = arith.constant 0 : index
    %get3A_2515 = vector.load %arg12[%get3A_2513, %get3A_2514] : memref<640x512xbf16, #tpu.memory_space<vmem>>, vector<640x512xbf16>
    %get3A_2516 = arith.constant 0 : index
    %get3A_2517 = arith.constant 0 : index
    %get3A_2518 = vector.load %arg8[%get3A_2516, %get3A_2517] : memref<512x768xbf16, #tpu.memory_space<vmem>>, vector<512x768xbf16>
    %dot_general3A_2519 = arith.constant dense<0.000000e+00> : vector<640x768xf32>
    %dot_general3A_2520 = tpu.matmul %get3A_2515, %get3A_2518, %dot_general3A_2519 {dimension_numbers = #tpu.dot_dimension_numbers<[1], [0], [0], [1], [0, 0, 1, 1], [], []>, transpose_lhs_hint = false} : vector<640x512xbf16>, vector<512x768xbf16>, vector<640x768xf32> -> vector<640x768xf32>
    %eq3A = arith.constant 0 : i32
    %eq3A_2521 = arith.cmpi eq, %arg1, %eq3A : i32
    %convert_element_type3A_2522 = arith.extui %eq3A_2521 : i1 to i32
    %cond3A = arith.constant 0 : i32
    %cond3A_2523 = arith.cmpi ne, %convert_element_type3A_2522, %cond3A : i32
    scf.if %cond3A_2523 {
      %get3A_2528 = arith.constant 0 : index
      %get3A_2529 = arith.constant 0 : index
      %get3A_2530 = vector.load %arg9[%get3A_2528, %get3A_2529] : memref<1x768xf32, #tpu.memory_space<vmem>>, vector<1x768xf32>
      %add3A_2531 = vector.broadcast %get3A_2530 : vector<1x768xf32> to vector<640x768xf32>
      %add3A_2532 = arith.addf %dot_general3A_2520, %add3A_2531 : vector<640x768xf32>
      %swap3A_2533 = arith.constant 0 : index
      %swap3A_2534 = arith.constant 0 : index
      %swap3A_2535 = arith.constant 0 : index
      %swap3A_2536 = vector.load %arg10[%swap3A_2533, %swap3A_2534, %swap3A_2535] : memref<1x640x768xf32, #tpu.memory_space<vmem>>, vector<1x640x768xf32>
      %swap3A_2537 = vector.shape_cast %swap3A_2536 : vector<1x640x768xf32> to vector<640x768xf32>
      %swap3A_2538 = vector.shape_cast %add3A_2532 : vector<640x768xf32> to vector<1x640x768xf32>
      tpu.vector_store %arg10[%swap3A_2533, %swap3A_2534, %swap3A_2535], %swap3A_2538 {strides = array<i32>} : memref<1x640x768xf32, #tpu.memory_space<vmem>>, vector<1x640x768xf32>,
    } else {
    }
    %gt3A = arith.constant 0 : i32
    %gt3A_2524 = arith.cmpi sgt, %arg1, %gt3A : i32
    %convert_element_type3A_2525 = arith.extui %gt3A_2524 : i1 to i32
    %cond3A_2526 = arith.constant 0 : i32
    %cond3A_2527 = arith.cmpi ne, %convert_element_type3A_2525, %cond3A_2526 : i32
    scf.if %cond3A_2527 {
      %get3A_2528 = arith.constant 0 : index
      %get3A_2529 = arith.constant 0 : index
      %get3A_2530 = arith.constant 0 : index
      %get3A_2531 = vector.load %arg10[%get3A_2528, %get3A_2529, %get3A_2530] : memref<1x640x768xf32, #tpu.memory_space<vmem>>, vector<1x640x768xf32>
      %get3A_2532 = vector.shape_cast %get3A_2531 : vector<1x640x768xf32> to vector<640x768xf32>
      %add3A_2533 = arith.addf %get3A_2532, %dot_general3A_2520 : vector<640x768xf32>
      %swap3A_2534 = arith.constant 0 : index
      %swap3A_2535 = arith.constant 0 : index
      %swap3A_2536 = arith.constant 0 : index
      %swap3A_2537 = vector.load %arg10[%swap3A_2534, %swap3A_2535, %swap3A_2536] : memref<1x640x768xf32, #tpu.memory_space<vmem>>, vector<1x640x768xf32>
      %swap3A_2538 = vector.shape_cast %swap3A_2537 : vector<1x640x768xf32> to vector<640x768xf32>
      %swap3A_2539 = vector.shape_cast %add3A_2533 : vector<640x768xf32> to vector<1x640x768xf32>
      tpu.vector_store %arg10[%swap3A_2534, %swap3A_2535, %swap3A_2536], %swap3A_2539 {strides = array<i32>} : memref<1x640x768xf32, #tpu.memory_space<vmem>>, vector<1x640x768xf32>,
    } else {
    }
    return
  }
  func.func @transform_0(%arg0: i32, %arg1: i32) -> (i32, i32, i32) {
    %c0_i32 = arith.constant 0 : i32
    %c0_i32_0 = arith.constant 0 : i32
    return %arg0, %c0_i32, %arg1 : i32, i32, i32
  }
  func.func @transform_1(%arg0: i32, %arg1: i32) -> (i32, i32) {
    %c0_i32 = arith.constant 0 : i32
    %c0_i32_0 = arith.constant 0 : i32
    return %c0_i32, %arg1 : i32, i32
  }
  func.func @transform_2(%arg0: i32, %arg1: i32) -> (i32, i32) {
    %c0_i32 = arith.constant 0 : i32
    %c0_i32_0 = arith.constant 0 : i32
    return %c0_i32, %arg1 : i32, i32
  }
  func.func @transform_3(%arg0: i32, %arg1: i32) -> (i32, i32) {
    %c0_i32 = arith.constant 0 : i32
    %c0_i32_0 = arith.constant 0 : i32
    %c0_i32_1 = arith.constant 0 : i32
    return %c0_i32, %c0_i32_0 : i32, i32
  }
  func.func @transform_4(%arg0: i32, %arg1: i32) -> (i32, i32) {
    %c0_i32 = arith.constant 0 : i32
    %c0_i32_0 = arith.constant 0 : i32
    %c0_i32_1 = arith.constant 0 : i32
    return %c0_i32, %c0_i32_0 : i32, i32
  }
  func.func @transform_5(%arg0: i32, %arg1: i32) -> (i32, i32) {
    %c0_i32 = arith.constant 0 : i32
    %c0_i32_0 = arith.constant 0 : i32
    %c0_i32_1 = arith.constant 0 : i32
    return %c0_i32, %c0_i32_0 : i32, i32
  }
  func.func @transform_6(%arg0: i32, %arg1: i32) -> (i32, i32) {
    %c0_i32 = arith.constant 0 : i32
    %c0_i32_0 = arith.constant 0 : i32
    return %arg1, %c0_i32 : i32, i32
  }
  func.func @transform_7(%arg0: i32, %arg1: i32) -> (i32, i32) {
    %c0_i32 = arith.constant 0 : i32
    %c0_i32_0 = arith.constant 0 : i32
    %c0_i32_1 = arith.constant 0 : i32
    return %c0_i32, %c0_i32_0 : i32, i32
  }
  func.func @transform_8(%arg0: i32, %arg1: i32) -> (i32, i32, i32) {
    %c0_i32 = arith.constant 0 : i32
    %c0_i32_0 = arith.constant 0 : i32
    %c0_i32_1 = arith.constant 0 : i32
    return %arg0, %c0_i32, %c0_i32_0 : i32, i32, i32
  }
}

</mosaic_0001>

<sc_bundles>
// kernel: kernel.8.cloned.1.call-start
scs
__scs_entry_jumppad:
0x0: {  	(pc) =	sbr.rel $0x88, $3  }
0x1: {  	(tag) =	ssettag $0x0;
	lr =	simm.s32 $0x1  }
0x2: {  	[smem:$0x3F97] =	sst lr;
	_ =	strace $0xD0000000  }
0x3: {  	_ = 	snop  }
0x4: {  	_ = 	snop  }
0x5: {  	_ = 	snop  }
0x6: {  	_ = 	snop  }
0x7: {  	_ = 	snop  }
__scs_overlays_trampoline_lowered:
0x8: {  	[smem:$0x3FA6] =	sst s0  }
0x9: {  	[smem:$0x3FA7] =	sst s1  }
0xa: {  	[smem:$0x3FA8] =	sst s2  }
0xb: {  	[smem:$0x3FA9] =	sst s3  }
0xc: {  	[smem:$0x3FAA] =	sst s4  }
0xd: {  	[smem:$0x3FAB] =	sst s5  }
0xe: {  	[smem:$0x3FAC] =	sst s6  }
0xf: {  	[smem:$0x3FAD] =	sst s7  }
0x10: {  	[smem:$0x3FAE] =	sst s8  }
0x11: {  	[smem:$0x3FAF] =	sst s9;
	s0 =	simm.s32 @!p0 $0x0  }
0x12: {  	s1 =	sld [smem:$0x3F95];
	s0 =	simm.s32 @p0 $0x1  }
0x13: {  	[smem:$0x3FB0] =	sst s0;
	s0 =	simm.s32 @!p1 $0x0  }
0x14: {  	s2 =	sld [smem:$0x3F94];
	s0 =	simm.s32 @p1 $0x1  }
0x15: {  	[smem:$0x3FB1] =	sst s0;
	s0 =	simm.s32 @!p2 $0x0  }
0x16: {  	s3 =	sld [smem:$0x3FDB];
	s0 =	simm.s32 @p2 $0x1  }
0x17: {  	s4 =	simm.s32 $0x1BF5;
	[smem:$0x3FB3] =	sst s0  }
0x18: {  	s0 =	sld [smem:$0x3F96];
	_ =	swait.ge [sflag:s4], $0x0  }
0x19: {  	s7 =	sld [smem:$0x3F97]  }
0x1a: {  	s8 =	sadd.s32 $0xFFFFE003, lr  }
0x1b: {  	s9 =	sadd.s32 $0xFFFFFEF7, lr;
	s5 =	simm.s32 $0xFFFFFFFF;
	p2 =	slt.u32 s8, $0xFFFFF086  }
0x1c: {  	p1 =	slt.u32 s9, $0xF7A;
	s5 =	simm.s32 @!p2 $0x0  }
0x1d: {  	s5 =	simm.s32 @p1 $0x1;
	p0 =	seq.s32 s7, s2  }
0x1e: {  	s7 =	smul.u32 @!p0 $0xF7A, s2;
	p2 =	seq.s32 @!p0 s5, $0x0  }
0x1f: {  	s9 =	smul.u32 $0xF7A, s1;
	s8 =	simm.s32 @!p0 $0x1BF5;
	p2 =	por !p2, p0  }
0x20: {  	[sflag:s8] =	ssyncset.s32 @!p0 $0xFFFFF086;
	s6 =	sadd.s32 @!p0 s3, s7;
	s7 =	simm.s32 @!p0 $0x108  }
0x21: {  	s3 =	sadd.s32 s3, s9;
	s6 =	sadd.s32 @!p0 $0x88, s6;
	s7 =	simm.s32 @p2 $0x1082  }
0x22: {  	[simem:s7], [sflag:s8] =	dma.local @!p0 [hbm:s6], $0xF7A  }
0x23: {  	s9 =	sor.u32 $0xD0000000, s2;
	s6 =	simm.s32 $0x108;
	_ =	swait.ge @!p0 [sflag:s8], $0x0  }
0x24: {  	s3 =	sadd.s32 $0x88, s3;
	s6 =	simm.s32 @!p1 $0x1082;
	[sflag:s4] =	ssyncset.s32 $0xFFFFF086  }
0x25: {  	[simem:s6], [sflag:s4] =	dma.local [hbm:s3], $0xF7A  }
0x26: {  	[smem:$0x3F97] =	sst s1;
	(tag) =	ssettag s2;
	_ =	strace s9  }
0x27: {  	s1 =	sld [smem:$0x3FA7]  }
0x28: {  	s2 =	sld [smem:$0x3FA8]  }
0x29: {  	s4 =	sld [smem:$0x3FAA]  }
0x2a: {  	p0 =	seq.s32 s5, $0x0;
	s5 =	sld [smem:$0x3FAB]  }
0x2b: {  	s6 =	sld [smem:$0x3FAC]  }
0x2c: {  	s7 =	sld [smem:$0x3FAD]  }
0x2d: {  	s3 =	simm.s32 $0x108;
	s8 =	sld [smem:$0x3FAE]  }
0x2e: {  	s3 =	simm.s32 @!p0 $0x1082;
	s9 =	sld [smem:$0x3FAF]  }
0x2f: {  	lr =	sadd.s32 s0, s3;
	s0 =	sld [smem:$0x3FA6]  }
0x30: {  	s3 =	sld [smem:$0x3FA9]  }
0x31: {  	[smem:$0x3FB2] =	sst s10  }
0x32: {  	s10 =	sld [smem:$0x3FB0];
	_ =	sdelay $0x3  }
0x33: {  	p0 =	seq.s32 s10, $0x1;
	s10 =	sld [smem:$0x3FB2];
	_ =	sdelay $0x3  }
0x34: {  	[smem:$0x3FB2] =	sst s10  }
0x35: {  	s10 =	sld [smem:$0x3FB1];
	_ =	sdelay $0x3  }
0x36: {  	p1 =	seq.s32 s10, $0x1;
	s10 =	sld [smem:$0x3FB2];
	_ =	sdelay $0x3  }
0x37: {  	[smem:$0x3FB2] =	sst s10  }
0x38: {  	s10 =	sld [smem:$0x3FB3]  }
0x39: {  	_ = 	snop;
	(pc) =	sbr.ind lr, $3  }
0x3a: {  	_ = 	snop  }
0x3b: {  	_ = 	snop  }
0x3c: {  	p2 =	seq.s32 s10, $0x1;
	s10 =	sld [smem:$0x3FB2]  }
0x3d: {  	_ =	shalt  }
0x3e: {  	_ =	shalt  }
0x3f: {  	_ =	shalt  }
0x40: {  	_ =	shalt  }
0x41: {  	_ =	shalt  }
0x42: {  	_ =	shalt  }
0x43: {  	_ =	shalt  }
0x44: {  	_ =	shalt  }
0x45: {  	_ =	shalt  }
0x46: {  	_ =	shalt  }
0x47: {  	_ =	shalt  }
0x48: {  	_ =	shalt  }
0x49: {  	_ =	shalt  }
0x4a: {  	_ =	shalt  }
0x4b: {  	_ =	shalt  }
0x4c: {  	_ =	shalt  }
0x4d: {  	_ =	shalt  }
0x4e: {  	_ =	shalt  }
0x4f: {  	_ =	shalt  }
0x50: {  	_ =	shalt  }
0x51: {  	_ =	shalt  }
0x52: {  	_ =	shalt  }
0x53: {  	_ =	shalt  }
0x54: {  	_ =	shalt  }
0x55: {  	_ =	shalt  }
0x56: {  	_ =	shalt  }
0x57: {  	_ =	shalt  }
0x58: {  	_ =	shalt  }
0x59: {  	_ =	shalt  }
0x5a: {  	_ =	shalt  }
0x5b: {  	_ =	shalt  }
0x5c: {  	_ =	shalt  }
0x5d: {  	_ =	shalt  }
0x5e: {  	_ =	shalt  }
0x5f: {  	_ =	shalt  }
0x60: {  	_ =	shalt  }
0x61: {  	_ =	shalt  }
0x62: {  	_ =	shalt  }
0x63: {  	_ =	shalt  }
0x64: {  	_ =	shalt  }
0x65: {  	_ =	shalt  }
0x66: {  	_ =	shalt  }
0x67: {  	_ =	shalt  }
0x68: {  	_ =	shalt  }
0x69: {  	_ =	shalt  }
0x6a: {  	_ =	shalt  }
0x6b: {  	_ =	shalt  }
0x6c: {  	_ =	shalt  }
0x6d: {  	_ =	shalt  }
0x6e: {  	_ =	shalt  }
0x6f: {  	_ =	shalt  }
0x70: {  	_ =	shalt  }
0x71: {  	_ =	shalt  }
0x72: {  	_ =	shalt  }
0x73: {  	_ =	shalt  }
0x74: {  	_ =	shalt  }
0x75: {  	_ =	shalt  }
0x76: {  	_ =	shalt  }
0x77: {  	_ =	shalt  }
0x78: {  	_ =	shalt  }
0x79: {  	_ =	shalt  }
0x7a: {  	_ =	shalt  }
0x7b: {  	_ =	shalt  }
0x7c: {  	_ =	shalt  }
0x7d: {  	_ =	shalt  }
0x7e: {  	_ =	shalt  }
0x7f: {  	_ =	shalt  }
0x80: {  	_ =	shalt  }
0x81: {  	_ =	shalt  }
0x82: {  	_ =	shalt  }
0x83: {  	_ =	shalt  }
0x84: {  	_ =	shalt  }
0x85: {  	_ =	shalt  }
0x86: {  	_ =	shalt  }
0x87: {  	_ =	shalt  }
.Lfunc_end0:
.L_simem_size_0:
called_computation_lowered:
.L_overlay_start_0:
0x88: {  	s2 =	sld [smem:$0x3FD9]  }
0x89: {  	s3 =	sld [smem:$0x3FFE];
	_ =	sdelay $0x1  }
0x8a: {  	s1 =	srdreg.scid  }
0x8b: {  	s0 =	sand.u32 $0x1, s1  }
0x8c: {  	s17 =	sshll.u32 s0, $0xA;
	s2 =	sadd.s32 s3, s2  }
0x8d: {  	s2 =	sadd.s32 s2, s17  }
0x8e: {  	[smem:$0x3FBE] =	sst s2  }
0x8f: {  	_ = 	snop  }
0x90: {  	s2 =	sld [smem:$0x3FD0];
	(tm) =	ssettm $0x1  }
0x91: {  	s18 =	sld [smem:$0x3FFB];
	_ =	sdelay $0x3  }
0x92: {  	_ =	strace s18  }
0x93: {  	s3 =	sld [smem:$0x3FFC];
	_ =	sdelay $0x3  }
0x94: {  	_ =	strace s3  }
0x95: {  	s3 =	sld [smem:$0x3FFD];
	_ =	sdelay $0x3  }
0x96: {  	_ =	strace s3  }
0x97: {  	_ =	strace $0x8FFFFFFF  }
0x98: {  	s19 =	sld [smem:$0x3FDB];
	_ =	sdelay $0x1  }
0x99: {  	s4 =	simm.s32 $_scs_section_size  }
0x9a: {  	s5 =	simm.s32 $_size__tile_overlayer_lowered;
	s6 =	simm.s32 $_tile_overlayer_lowered  }
0x9b: {  	s22 =	simm.s32 $0x1BFF;
	s21 =	sshll.u32 s6, $0x1;
	s3 =	sadd.s32 s4, s19  }
0x9c: {  	s7 =	simm.s32 $0x0;
	s20 =	sshll.u32 s5, $0x1;
	s5 =	sadd.s32 s21, s3  }
0x9d: {  	[timem:s7], [sflag:s22] =	dma.local [hbm:s5], s20  }
0x9e: {  	_ =	swait.ge [sflag:s22], s20  }
0x9f: {  	s4 =	ssub.s32 $0x0, s20;
	[sflag:s22] =	ssyncset.done $0x0  }
0xa0: {  	[sflag:s22] =	ssyncadd.s32 s4;
	_ =	sdelay $0x1  }
0xa1: {  	s23 =	simm.s32 $0x1B8B  }
0xa2: {  	_ =	swait.ge [sflag:s23], $0x1  }
0xa3: {  	[sflag:s23] =	ssyncset.done $0x0  }
0xa4: {  	s25 =	simm.s32 $0x1B8E;
	s24 =	sld [smem:$0x3FFE];
	[sflag:s23] =	ssyncadd.s32 $0xFFFFFFFF  }
0xa5: {  	s26 =	simm.s32 $execute0_lowered;
	[smem:$0x3FD2] =	sst s25  }
0xa6: {  	s5 =	sshll.u32 s26, $0x1;
	_ =	strace $0x80000046;
	[dreg:$0x1] =	wrdreg $0xFFFFFFFF  }
0xa7: {  	s28 =	simm.s32 $_size_execute0_lowered;
	s3 =	sadd.s32 s3, s5;
	[dreg:$0x0] =	wrdreg $0x0  }
0xa8: {  	s5 =	sshll.u32 s28, $0x1;
	[dreg:$0x2] =	wrdreg s3  }
0xa9: {  	[dreg:$0x3] =	wrdreg s5  }
0xaa: {  	[dreg:$0x4] =	wrdreg $0xC0  }
0xab: {  	_ =	task [dreg:s7], $0x5FFFF  }
0xac: {  	[dreg:$0x1] =	wrdreg $0xFFFFFFFF  }
0xad: {  	[dreg:$0x0] =	wrdreg $0x60  }
0xae: {  	[dreg:$0x2] =	wrdreg s24  }
0xaf: {  	[dreg:$0x3] =	wrdreg s2  }
0xb0: {  	[dreg:$0x4] =	wrdreg $0x9  }
0xb1: {  	_ =	task.clear_ibuf [dreg:s7], $0x5FFFF;
	_ =	strace $0x90000046  }
0xb2: {  	s29 =	simm.s32 $0x9;
	_ =	strace $0x80000048  }
0xb3: {  	_ =	swait.ge [sflag:s29], $0x1  }
0xb4: {  	[sflag:s29] =	ssyncadd.s32 $0xFFFFFFFF  }
0xb5: {  	_ =	strace $0x90000048  }
0xb6: {  	_ =	sfence  }
0xb7: {  	s30 =	sld [smem:$0x0];
	_ =	sdelay $0x2  }
0xb8: {  	s31 =	sshll.u32 s1, $0xD;
	s1 =	sshrl.u32 s1, $0x2  }
0xb9: {  	s3 =	sand.u32 $0x4000, s31;
	s1 =	sadd.s32 s1, s30  }
0xba: {  	s0 =	sor.u32 s3, s0;
	s1 =	sshll.u32 s1, $0x11  }
0xbb: {  	s0 =	sor.u32 s1, s0  }
0xbc: {  	s0 =	sadd.s32 $0x8F2B, s0  }
0xbd: {  	[sflag:s0] =	ssyncadd.remote.s32 $0x1  }
0xbe: {  	_ =	sfence.sel $0xFFFF  }
0xbf: {  	[dreg:$0x0] =	wrdreg $0xFFFFFFFF;
	(pc) =	sbr.abs _section_cstart, $3  }
0xc0: {  	[dreg:$0x1] =	wrdreg $0xFFFFFFFF  }
0xc1: {  	_ =	task.clear_ibuf [dreg:s7], $0x2FFFF;
	_ =	strace $0x9FFFFFFF  }
0xc2: {  	(tm) =	ssettm $0x7FFFFFFF  }
0xc3: {  	_ =	shalt  }
tec
execute0_lowered:
.L_overlay_start_1:
0x0: {  	(tag) =	ssettag $0x1  }
0x1: {  	s1 =	srdreg.scid;
	s0 =	stileid.u32  }
0x2: {  	s5 =	rddreg [dreg:$0x1];
	s4 =	sand.u32 $0x1, s1;
	s2 =	sshll.u32 s0, $0x1  }
0x3: {  	s1 =	rddreg [dreg:$0x0];
	s3 =	sor.u32 s4, s2;
	s2 =	simm.s32 $0x0  }
0x4: {  	s12 =	simm.s32 $0x880;
	[smem:$0x7FF] =	sst s2  }
0x5: {  	s13 =	simm.s32 $0x1080;
	_ =	strace $0x80000047;
	[dreg:$0x5] =	wrdreg s12  }
0x6: {  	s14 =	simm.s32 $0x1880;
	[dreg:$0x6] =	wrdreg s13  }
0x7: {  	s15 =	simm.s32 $0x2080;
	[dreg:$0x7] =	wrdreg s14  }
0x8: {  	s16 =	simm.s32 $0x2880;
	[dreg:$0x8] =	wrdreg s15  }
0x9: {  	s17 =	simm.s32 $0x3080;
	[dreg:$0x9] =	wrdreg s16  }
0xa: {  	s18 =	simm.s32 $0x3880;
	[dreg:$0xa] =	wrdreg s17  }
0xb: {  	s19 =	simm.s32 $0x4080;
	[dreg:$0xb] =	wrdreg s18  }
0xc: {  	s20 =	simm.s32 $0x4880;
	[dreg:$0xc] =	wrdreg s19  }
0xd: {  	s21 =	simm.s32 $0x5080;
	[dreg:$0xd] =	wrdreg s20  }
0xe: {  	s22 =	simm.s32 $0x5880;
	[dreg:$0xe] =	wrdreg s21  }
0xf: {  	s23 =	simm.s32 $0x6080;
	[dreg:$0xf] =	wrdreg s22  }
0x10: {  	s24 =	simm.s32 $0x6880;
	[dreg:$0x10] =	wrdreg s23  }
0x11: {  	s25 =	simm.s32 $0x7080;
	[dreg:$0x11] =	wrdreg s24  }
0x12: {  	s26 =	simm.s32 $0x7880;
	[dreg:$0x12] =	wrdreg s25  }
0x13: {  	s0 =	simm.s32 $0x8080;
	[dreg:$0x13] =	wrdreg s26  }
0x14: {  	s7 =	simm.s32 $0x9880;
	[dreg:$0x14] =	wrdreg s0  }
0x15: {  	s8 =	simm.s32 $0xA080;
	[dreg:$0x17] =	wrdreg s7  }
0x16: {  	s9 =	simm.s32 $0xA880;
	[dreg:$0x18] =	wrdreg s8  }
0x17: {  	s10 =	simm.s32 $0xB080;
	[dreg:$0x19] =	wrdreg s9  }
0x18: {  	s11 =	simm.s32 $0xB880;
	[dreg:$0x1a] =	wrdreg s10  }
0x19: {  	[dreg:$0x1b] =	wrdreg s11;
	s12 =	simm.s32 $0xC080  }
0x1a: {  	s28 =	simm.s32 $0x1C080;
	s13 =	simm.s32 $0xC880;
	[dreg:$0x1c] =	wrdreg s12  }
0x1b: {  	s29 =	simm.s32 $0x1C880;
	s14 =	simm.s32 $0xD080;
	[dreg:$0x1d] =	wrdreg s13  }
0x1c: {  	s30 =	simm.s32 $0x1D080;
	s15 =	simm.s32 $0xD880;
	[dreg:$0x1e] =	wrdreg s14  }
0x1d: {  	s31 =	simm.s32 $0x1D880;
	s16 =	simm.s32 $0xE080;
	[dreg:$0x1f] =	wrdreg s15  }
0x1e: {  	s4 =	ssub.s32 $0x2, s4;
	s17 =	simm.s32 $0xE880;
	[smem:$0x7F1] =	sst s16  }
0x1f: {  	s6 =	smul.u32 $0xA, s3;
	s18 =	simm.s32 $0xF080;
	[smem:$0x7F2] =	sst s17  }
0x20: {  	s3 =	smul.u32 $0x3C00, s3;
	s20 =	simm.s32 $0xF880;
	[smem:$0x7F3] =	sst s18  }
0x21: {  	s19 =	sshrl.u32 s4, $0x1;
	s21 =	simm.s32 $0x10080;
	[smem:$0x7F4] =	sst s20  }
0x22: {  	s22 =	simm.s32 $0x10880;
	s7 =	simm.s32 $0x11080;
	[smem:$0x7F5] =	sst s21  }
0x23: {  	s8 =	simm.s32 $0x11880;
	s10 =	simm.s32 $0x12080;
	[smem:$0x7F6] =	sst s22  }
0x24: {  	s23 =	simm.s32 $0x12880;
	s24 =	simm.s32 $0x13080;
	[smem:$0x7F7] =	sst s7  }
0x25: {  	s25 =	simm.s32 $0x13880;
	s11 =	simm.s32 $0x80;
	[smem:$0x7F8] =	sst s8  }
0x26: {  	s26 =	simm.s32 $0x14080;
	s6 =	sadd.s32 s6, s1;
	[smem:$0x7F9] =	sst s10  }
0x27: {  	s3 =	sadd.s32 s5, s3;
	s5 =	simm.s32 $0x8880;
	[smem:$0x7FA] =	sst s23  }
0x28: {  	s9 =	ssub.s32 s4, s19;
	s4 =	sadd.s32 $0x5D00, s1;
	[smem:$0x7FB] =	sst s24  }
0x29: {  	s7 =	sadd.s32 $0x6000, s1;
	s8 =	sadd.s32 $0x6100, s1;
	[smem:$0x7FC] =	sst s25  }
0x2a: {  	s10 =	simm.s32 $0x2;
	[smem:$0x7FD] =	sst s26;
	s13 =	simm.s32 $0x15080  }
0x2b: {  	s14 =	simm.s32 $0x15880;
	s15 =	simm.s32 $0x16080;
	s16 =	simm.s32 $0x16880  }
0x2c: {  	s17 =	simm.s32 $0x17080;
	s18 =	simm.s32 $0x17880;
	s19 =	simm.s32 $0x18080  }
0x2d: {  	s20 =	simm.s32 $0x18880;
	s21 =	simm.s32 $0x19080;
	s22 =	simm.s32 $0x19880  }
0x2e: {  	s23 =	simm.s32 $0x1A080;
	s24 =	simm.s32 $0x1A880;
	s25 =	simm.s32 $0x1B080  }
0x2f: {  	s26 =	simm.s32 $0x1B880;
	s6 =	sadd.s32 $0x5A00, s6;
	[dreg:$0x4] =	wrdreg s3  }
0x30: {  	v2 =	vlaneseq.u32;
	[dreg:$0x15] =	wrdreg s5;
	s3 =	sadd.s32 $0x5C00, s1;
	s5 =	sadd.s32 $0x5E00, s1  }
0x31: {  	vm0 =	vmmov $0xffff;
	v1 =	vshrl.u32 v2, $0x3;
	s9 =	smax.u32 s9, $0x1;
	[dreg:$0x3] =	wrdreg s6;
	s6 =	simm.s32 $0x9080  }
0x32: {  	v0 =	vand.u32 $0x7, v2;
	v2 =	vor.u32 $0x8, v2;
	v1 =	vmul.u32 $0x8, v1;
	[dreg:$0x16] =	wrdreg s6;
	s6 =	sadd.s32 $0x5F00, s1;
	s1 =	simm.s32 $0x1  }
.LBB2_1:
0x33: {  	s0 =	rddreg [dreg:$0x3]  }
0x34: {  	[tilespmem:s2], [sflag:$0x2] =	stream.linear.gather [hbm4b:s0+s2], $0x50, $0x38;
	[tilespmem:$0x1E080] =	vst v63  }
0x35: {  	_ =	swait.ge [sflag:s10], $0x50  }
0x36: {  	[sflag:s10] =	ssyncset.done $0x0  }
0x37: {  	[sflag:s10] =	ssyncadd.s32 $0xFFFFFFB0  }
0x38: {  	v3 =	vld [tilespmem:$0x0];
	_ =	sdelay $0x4  }
0x39: {  	v4 =	vshrl.u32 v3, $0x3  }
0x3a: {  	v4 =	vmul.u32 $0x60, v4  }
0x3b: {  	v3 =	vand.u32 $0x7, v3  }
0x3c: {  	v3 =	vor.u32 v3, v4  }
0x3d: {  	v4 =	vperm.xlane v3, v0;
	_ =	sdelay $0x1  }
0x3e: {  	v4 =	vadd.s32 v1, v4;
	_ =	sdelay $0x4  }
0x3f: {  	[tilespmem:s11], [sflag:$0x1] =	stream.indirect_vreg.gather [hbm4b:s3+s2], $0x80, v4, vm0, $0xb8;
	[tilespmem:$0x1E080] =	vst v63  }
0x40: {  	s0 =	rddreg [dreg:$0x5]  }
0x41: {  	[tilespmem:s0], [sflag:$0x1] =	stream.indirect_vreg.gather [hbm4b:s4+s2], $0x80, v4, vm0, $0xb8;
	[tilespmem:$0x1E080] =	vst v63  }
0x42: {  	s12 =	rddreg [dreg:$0x6]  }
0x43: {  	[tilespmem:s12], [sflag:$0x1] =	stream.indirect_vreg.gather [hbm4b:s5+s2], $0x80, v4, vm0, $0xb8;
	[tilespmem:$0x1E080] =	vst v63  }
0x44: {  	v3 =	vperm.xlane v3, v2;
	s0 =	rddreg [dreg:$0x7]  }
0x45: {  	[tilespmem:s0], [sflag:$0x1] =	stream.indirect_vreg.gather [hbm4b:s6+s2], $0x80, v4, vm0, $0xb8;
	[tilespmem:$0x1E080] =	vst v63  }
0x46: {  	v3 =	vadd.s32 v1, v3;
	s12 =	rddreg [dreg:$0x8]  }
0x47: {  	[tilespmem:s12], [sflag:$0x1] =	stream.indirect_vreg.gather [hbm4b:s7+s2], $0x80, v4, vm0, $0xb8;
	[tilespmem:$0x1E080] =	vst v63  }
0x48: {  	s0 =	rddreg [dreg:$0x9]  }
0x49: {  	[tilespmem:s0], [sflag:$0x1] =	stream.indirect_vreg.gather [hbm4b:s8+s2], $0x80, v4, vm0, $0xb8;
	[tilespmem:$0x1E080] =	vst v63  }
0x4a: {  	s12 =	rddreg [dreg:$0xa]  }
0x4b: {  	[tilespmem:s12], [sflag:$0x1] =	stream.indirect_vreg.gather [hbm4b:s3+s2], $0x80, v3, vm0, $0xb8;
	[tilespmem:$0x1E080] =	vst v63  }
0x4c: {  	s0 =	rddreg [dreg:$0xb]  }
0x4d: {  	[tilespmem:s0], [sflag:$0x1] =	stream.indirect_vreg.gather [hbm4b:s4+s2], $0x80, v3, vm0, $0xb8;
	[tilespmem:$0x1E080] =	vst v63  }
0x4e: {  	s12 =	rddreg [dreg:$0xc]  }
0x4f: {  	[tilespmem:s12], [sflag:$0x1] =	stream.indirect_vreg.gather [hbm4b:s5+s2], $0x80, v3, vm0, $0xb8;
	[tilespmem:$0x1E080] =	vst v63  }
0x50: {  	s0 =	rddreg [dreg:$0xd]  }
0x51: {  	[tilespmem:s0], [sflag:$0x1] =	stream.indirect_vreg.gather [hbm4b:s6+s2], $0x80, v3, vm0, $0xb8;
	[tilespmem:$0x1E080] =	vst v63  }
0x52: {  	s12 =	rddreg [dreg:$0xe]  }
0x53: {  	[tilespmem:s12], [sflag:$0x1] =	stream.indirect_vreg.gather [hbm4b:s7+s2], $0x80, v3, vm0, $0xb8;
	[tilespmem:$0x1E080] =	vst v63  }
0x54: {  	s0 =	rddreg [dreg:$0xf]  }
0x55: {  	[tilespmem:s0], [sflag:$0x1] =	stream.indirect_vreg.gather [hbm4b:s8+s2], $0x80, v3, vm0, $0xb8;
	[tilespmem:$0x1E080] =	vst v63  }
0x56: {  	v3 =	vld [tilespmem:$0x10];
	_ =	sdelay $0x4  }
0x57: {  	v60 =	vshrl.u32 v3, $0x3  }
0x58: {  	v4 =	vmul.u32 $0x60, v60  }
0x59: {  	v3 =	vand.u32 $0x7, v3  }
0x5a: {  	v3 =	vor.u32 v3, v4  }
0x5b: {  	v4 =	vperm.xlane v3, v0;
	_ =	sdelay $0x1  }
0x5c: {  	v4 =	vadd.s32 v1, v4;
	_ =	sdelay $0x3  }
0x5d: {  	s0 =	rddreg [dreg:$0x10]  }
0x5e: {  	[tilespmem:s0], [sflag:$0x1] =	stream.indirect_vreg.gather [hbm4b:s3+s2], $0x80, v4, vm0, $0xb8;
	[tilespmem:$0x1E080] =	vst v63  }
0x5f: {  	s12 =	rddreg [dreg:$0x11]  }
0x60: {  	[tilespmem:s12], [sflag:$0x1] =	stream.indirect_vreg.gather [hbm4b:s4+s2], $0x80, v4, vm0, $0xb8;
	[tilespmem:$0x1E080] =	vst v63  }
0x61: {  	s0 =	rddreg [dreg:$0x12]  }
0x62: {  	[tilespmem:s0], [sflag:$0x1] =	stream.indirect_vreg.gather [hbm4b:s5+s2], $0x80, v4, vm0, $0xb8;
	[tilespmem:$0x1E080] =	vst v63  }
0x63: {  	v3 =	vperm.xlane v3, v2;
	s12 =	rddreg [dreg:$0x13]  }
0x64: {  	[tilespmem:s12], [sflag:$0x1] =	stream.indirect_vreg.gather [hbm4b:s6+s2], $0x80, v4, vm0, $0xb8;
	[tilespmem:$0x1E080] =	vst v63  }
0x65: {  	v3 =	vadd.s32 v1, v3;
	s0 =	rddreg [dreg:$0x14]  }
0x66: {  	[tilespmem:s0], [sflag:$0x1] =	stream.indirect_vreg.gather [hbm4b:s7+s2], $0x80, v4, vm0, $0xb8;
	[tilespmem:$0x1E080] =	vst v63  }
0x67: {  	s12 =	rddreg [dreg:$0x15]  }
0x68: {  	[tilespmem:s12], [sflag:$0x1] =	stream.indirect_vreg.gather [hbm4b:s8+s2], $0x80, v4, vm0, $0xb8;
	[tilespmem:$0x1E080] =	vst v63  }
0x69: {  	s0 =	rddreg [dreg:$0x16]  }
0x6a: {  	[tilespmem:s0], [sflag:$0x1] =	stream.indirect_vreg.gather [hbm4b:s3+s2], $0x80, v3, vm0, $0xb8;
	[tilespmem:$0x1E080] =	vst v63  }
0x6b: {  	s12 =	rddreg [dreg:$0x17]  }
0x6c: {  	[tilespmem:s12], [sflag:$0x1] =	stream.indirect_vreg.gather [hbm4b:s4+s2], $0x80, v3, vm0, $0xb8;
	[tilespmem:$0x1E080] =	vst v63  }
0x6d: {  	s0 =	rddreg [dreg:$0x18]  }
0x6e: {  	[tilespmem:s0], [sflag:$0x1] =	stream.indirect_vreg.gather [hbm4b:s5+s2], $0x80, v3, vm0, $0xb8;
	[tilespmem:$0x1E080] =	vst v63  }
0x6f: {  	s12 =	rddreg [dreg:$0x19]  }
0x70: {  	[tilespmem:s12], [sflag:$0x1] =	stream.indirect_vreg.gather [hbm4b:s6+s2], $0x80, v3, vm0, $0xb8;
	[tilespmem:$0x1E080] =	vst v63  }
0x71: {  	s0 =	rddreg [dreg:$0x1a]  }
0x72: {  	[tilespmem:s0], [sflag:$0x1] =	stream.indirect_vreg.gather [hbm4b:s7+s2], $0x80, v3, vm0, $0xb8;
	[tilespmem:$0x1E080] =	vst v63  }
0x73: {  	s12 =	rddreg [dreg:$0x1b]  }
0x74: {  	[tilespmem:s12], [sflag:$0x1] =	stream.indirect_vreg.gather [hbm4b:s8+s2], $0x80, v3, vm0, $0xb8;
	[tilespmem:$0x1E080] =	vst v63  }
0x75: {  	v3 =	vld [tilespmem:$0x20];
	_ =	sdelay $0x4  }
0x76: {  	v61 =	vshrl.u32 v3, $0x3  }
0x77: {  	v4 =	vmul.u32 $0x60, v61  }
0x78: {  	v3 =	vand.u32 $0x7, v3  }
0x79: {  	v3 =	vor.u32 v3, v4  }
0x7a: {  	v4 =	vperm.xlane v3, v0;
	_ =	sdelay $0x1  }
0x7b: {  	v4 =	vadd.s32 v1, v4;
	_ =	sdelay $0x2  }
0x7c: {  	s0 =	rddreg [dreg:$0x1c]  }
0x7d: {  	s12 =	rddreg [dreg:$0x1d]  }
0x7e: {  	[tilespmem:s0], [sflag:$0x1] =	stream.indirect_vreg.gather [hbm4b:s3+s2], $0x80, v4, vm0, $0xb8;
	[tilespmem:$0x1E080] =	vst v63  }
0x7f: {  	s0 =	rddreg [dreg:$0x1e]  }
0x80: {  	[tilespmem:s12], [sflag:$0x1] =	stream.indirect_vreg.gather [hbm4b:s4+s2], $0x80, v4, vm0, $0xb8;
	[tilespmem:$0x1E080] =	vst v63  }
0x81: {  	s12 =	rddreg [dreg:$0x1f]  }
0x82: {  	[tilespmem:s0], [sflag:$0x1] =	stream.indirect_vreg.gather [hbm4b:s5+s2], $0x80, v4, vm0, $0xb8;
	[tilespmem:$0x1E080] =	vst v63  }
0x83: {  	v3 =	vperm.xlane v3, v2;
	s0 =	sld [smem:$0x7F1]  }
0x84: {  	[tilespmem:s12], [sflag:$0x1] =	stream.indirect_vreg.gather [hbm4b:s6+s2], $0x80, v4, vm0, $0xb8;
	[tilespmem:$0x1E080] =	vst v63  }
0x85: {  	v3 =	vadd.s32 v1, v3;
	s12 =	sld [smem:$0x7F2]  }
0x86: {  	[tilespmem:s0], [sflag:$0x1] =	stream.indirect_vreg.gather [hbm4b:s7+s2], $0x80, v4, vm0, $0xb8;
	[tilespmem:$0x1E080] =	vst v63  }
0x87: {  	s0 =	sld [smem:$0x7F3]  }
0x88: {  	[tilespmem:s12], [sflag:$0x1] =	stream.indirect_vreg.gather [hbm4b:s8+s2], $0x80, v4, vm0, $0xb8;
	[tilespmem:$0x1E080] =	vst v63  }
0x89: {  	s12 =	sld [smem:$0x7F4]  }
0x8a: {  	[tilespmem:s0], [sflag:$0x1] =	stream.indirect_vreg.gather [hbm4b:s3+s2], $0x80, v3, vm0, $0xb8;
	[tilespmem:$0x1E080] =	vst v63  }
0x8b: {  	s0 =	sld [smem:$0x7F5]  }
0x8c: {  	[tilespmem:s12], [sflag:$0x1] =	stream.indirect_vreg.gather [hbm4b:s4+s2], $0x80, v3, vm0, $0xb8;
	[tilespmem:$0x1E080] =	vst v63  }
0x8d: {  	s12 =	sld [smem:$0x7F6]  }
0x8e: {  	[tilespmem:s0], [sflag:$0x1] =	stream.indirect_vreg.gather [hbm4b:s5+s2], $0x80, v3, vm0, $0xb8;
	[tilespmem:$0x1E080] =	vst v63  }
0x8f: {  	s0 =	sld [smem:$0x7F7]  }
0x90: {  	[tilespmem:s12], [sflag:$0x1] =	stream.indirect_vreg.gather [hbm4b:s6+s2], $0x80, v3, vm0, $0xb8;
	[tilespmem:$0x1E080] =	vst v63  }
0x91: {  	s12 =	sld [smem:$0x7F8]  }
0x92: {  	[tilespmem:s0], [sflag:$0x1] =	stream.indirect_vreg.gather [hbm4b:s7+s2], $0x80, v3, vm0, $0xb8;
	[tilespmem:$0x1E080] =	vst v63  }
0x93: {  	_ = 	snop  }
0x94: {  	[tilespmem:s12], [sflag:$0x1] =	stream.indirect_vreg.gather [hbm4b:s8+s2], $0x80, v3, vm0, $0xb8;
	[tilespmem:$0x1E080] =	vst v63  }
0x95: {  	v3 =	vld [tilespmem:$0x30];
	_ =	sdelay $0x4  }
0x96: {  	v62 =	vshrl.u32 v3, $0x3  }
0x97: {  	v4 =	vmul.u32 $0x60, v62  }
0x98: {  	v3 =	vand.u32 $0x7, v3  }
0x99: {  	v3 =	vor.u32 v3, v4  }
0x9a: {  	v4 =	vperm.xlane v3, v0;
	_ =	sdelay $0x1  }
0x9b: {  	v4 =	vadd.s32 v1, v4;
	_ =	sdelay $0x1  }
0x9c: {  	s0 =	sld [smem:$0x7F9];
	_ =	sdelay $0x1  }
0x9d: {  	s12 =	sld [smem:$0x7FA]  }
0x9e: {  	[tilespmem:s0], [sflag:$0x1] =	stream.indirect_vreg.gather [hbm4b:s3+s2], $0x80, v4, vm0, $0xb8;
	[tilespmem:$0x1E080] =	vst v63  }
0x9f: {  	s0 =	sld [smem:$0x7FB]  }
0xa0: {  	[tilespmem:s12], [sflag:$0x1] =	stream.indirect_vreg.gather [hbm4b:s4+s2], $0x80, v4, vm0, $0xb8;
	[tilespmem:$0x1E080] =	vst v63  }
0xa1: {  	s12 =	sld [smem:$0x7FC]  }
0xa2: {  	[tilespmem:s0], [sflag:$0x1] =	stream.indirect_vreg.gather [hbm4b:s5+s2], $0x80, v4, vm0, $0xb8;
	[tilespmem:$0x1E080] =	vst v63  }
0xa3: {  	v3 =	vperm.xlane v3, v2;
	s0 =	sld [smem:$0x7FD]  }
0xa4: {  	[tilespmem:s12], [sflag:$0x1] =	stream.indirect_vreg.gather [hbm4b:s6+s2], $0x80, v4, vm0, $0xb8;
	[tilespmem:$0x1E080] =	vst v63  }
0xa5: {  	v3 =	vadd.s32 v1, v3  }
0xa6: {  	[tilespmem:s0], [sflag:$0x1] =	stream.indirect_vreg.gather [hbm4b:s7+s2], $0x80, v4, vm0, $0xb8;
	[tilespmem:$0x1E080] =	vst v63  }
0xa7: {  	s12 =	simm.s32 $0x14880  }
0xa8: {  	[tilespmem:s12], [sflag:$0x1] =	stream.indirect_vreg.gather [hbm4b:s8+s2], $0x80, v4, vm0, $0xb8;
	[tilespmem:$0x1E080] =	vst v63  }
0xa9: {  	_ = 	snop  }
0xaa: {  	[tilespmem:s13], [sflag:$0x1] =	stream.indirect_vreg.gather [hbm4b:s3+s2], $0x80, v3, vm0, $0xb8;
	[tilespmem:$0x1E080] =	vst v63  }
0xab: {  	_ = 	snop  }
0xac: {  	[tilespmem:s14], [sflag:$0x1] =	stream.indirect_vreg.gather [hbm4b:s4+s2], $0x80, v3, vm0, $0xb8;
	[tilespmem:$0x1E080] =	vst v63  }
0xad: {  	_ = 	snop  }
0xae: {  	[tilespmem:s15], [sflag:$0x1] =	stream.indirect_vreg.gather [hbm4b:s5+s2], $0x80, v3, vm0, $0xb8;
	[tilespmem:$0x1E080] =	vst v63  }
0xaf: {  	_ = 	snop  }
0xb0: {  	[tilespmem:s16], [sflag:$0x1] =	stream.indirect_vreg.gather [hbm4b:s6+s2], $0x80, v3, vm0, $0xb8;
	[tilespmem:$0x1E080] =	vst v63  }
0xb1: {  	_ = 	snop  }
0xb2: {  	[tilespmem:s17], [sflag:$0x1] =	stream.indirect_vreg.gather [hbm4b:s7+s2], $0x80, v3, vm0, $0xb8;
	[tilespmem:$0x1E080] =	vst v63  }
0xb3: {  	_ = 	snop  }
0xb4: {  	[tilespmem:s18], [sflag:$0x1] =	stream.indirect_vreg.gather [hbm4b:s8+s2], $0x80, v3, vm0, $0xb8;
	[tilespmem:$0x1E080] =	vst v63  }
0xb5: {  	v3 =	vld [tilespmem:$0x40];
	_ =	sdelay $0x4  }
0xb6: {  	v63 =	vshrl.u32 v3, $0x3  }
0xb7: {  	v4 =	vmul.u32 $0x60, v63  }
0xb8: {  	v3 =	vand.u32 $0x7, v3  }
0xb9: {  	v3 =	vor.u32 v3, v4  }
0xba: {  	v4 =	vperm.xlane v3, v0;
	_ =	sdelay $0x1  }
0xbb: {  	v4 =	vadd.s32 v1, v4;
	_ =	sdelay $0x4  }
0xbc: {  	[tilespmem:s19], [sflag:$0x1] =	stream.indirect_vreg.gather [hbm4b:s3+s2], $0x80, v4, vm0, $0xb8;
	[tilespmem:$0x1E080] =	vst v63  }
0xbd: {  	_ = 	snop  }
0xbe: {  	[tilespmem:s20], [sflag:$0x1] =	stream.indirect_vreg.gather [hbm4b:s4+s2], $0x80, v4, vm0, $0xb8;
	[tilespmem:$0x1E080] =	vst v63  }
0xbf: {  	_ = 	snop  }
0xc0: {  	[tilespmem:s21], [sflag:$0x1] =	stream.indirect_vreg.gather [hbm4b:s5+s2], $0x80, v4, vm0, $0xb8;
	[tilespmem:$0x1E080] =	vst v63  }
0xc1: {  	v3 =	vperm.xlane v3, v2  }
0xc2: {  	[tilespmem:s22], [sflag:$0x1] =	stream.indirect_vreg.gather [hbm4b:s6+s2], $0x80, v4, vm0, $0xb8;
	[tilespmem:$0x1E080] =	vst v63  }
0xc3: {  	v3 =	vadd.s32 v1, v3  }
0xc4: {  	[tilespmem:s23], [sflag:$0x1] =	stream.indirect_vreg.gather [hbm4b:s7+s2], $0x80, v4, vm0, $0xb8;
	[tilespmem:$0x1E080] =	vst v63  }
0xc5: {  	_ = 	snop  }
0xc6: {  	[tilespmem:s24], [sflag:$0x1] =	stream.indirect_vreg.gather [hbm4b:s8+s2], $0x80, v4, vm0, $0xb8;
	[tilespmem:$0x1E080] =	vst v63  }
0xc7: {  	_ = 	snop  }
0xc8: {  	[tilespmem:s25], [sflag:$0x1] =	stream.indirect_vreg.gather [hbm4b:s3+s2], $0x80, v3, vm0, $0xb8;
	[tilespmem:$0x1E080] =	vst v63  }
0xc9: {  	_ = 	snop  }
0xca: {  	[tilespmem:s26], [sflag:$0x1] =	stream.indirect_vreg.gather [hbm4b:s4+s2], $0x80, v3, vm0, $0xb8;
	[tilespmem:$0x1E080] =	vst v63  }
0xcb: {  	_ = 	snop  }
0xcc: {  	[tilespmem:s28], [sflag:$0x1] =	stream.indirect_vreg.gather [hbm4b:s5+s2], $0x80, v3, vm0, $0xb8;
	[tilespmem:$0x1E080] =	vst v63  }
0xcd: {  	_ = 	snop  }
0xce: {  	[tilespmem:s29], [sflag:$0x1] =	stream.indirect_vreg.gather [hbm4b:s6+s2], $0x80, v3, vm0, $0xb8;
	[tilespmem:$0x1E080] =	vst v63  }
0xcf: {  	_ = 	snop  }
0xd0: {  	[tilespmem:s30], [sflag:$0x1] =	stream.indirect_vreg.gather [hbm4b:s7+s2], $0x80, v3, vm0, $0xb8;
	[tilespmem:$0x1E080] =	vst v63  }
0xd1: {  	_ = 	snop  }
0xd2: {  	[tilespmem:s31], [sflag:$0x1] =	stream.indirect_vreg.gather [hbm4b:s8+s2], $0x80, v3, vm0, $0xb8;
	[tilespmem:$0x1E080] =	vst v63  }
0xd3: {  	_ =	swait.ge [sflag:s1], $0x1E000  }
0xd4: {  	p0 =	sne.s32 s9, $0x1;
	[sflag:s1] =	ssyncset.done $0x0  }
.Ltmp0:
0xd5: {  	s12 =	rddreg [dreg:$0x4];
	[sflag:s1] =	ssyncadd.s32 $0xFFFE2000;
	(pc) =	sbr.rel @p0 .LBB2_1-.Ltmp0, $4  }
0xd6: {  	[hbm4b:s12+s2] =	stream.linear.scatter [tilespmem:s11], [sflag:$0x2], $0x1E000, $0x38;
	[tilespmem:$0x1E080] =	vst v63  }
0xd7: {  	_ =	swait.ge [sflag:s10], $0x1E000  }
0xd8: {  	[sflag:s10] =	ssyncset.done $0x0  }
0xd9: {  	s9 =	sadd.s32 $0xFFFFFFFF, s9;
	[sflag:s10] =	ssyncadd.s32 $0xFFFE2000  }
0xda: {  	_ =	sfence.sel $0x180000  }
0xdb: {  	[bflag:$0x0] =	sbarrier.arrive $0xFFFF  }
0xdc: {  	_ =	strace $0x90000047  }
0xdd: {  	s0 =	stileid.u32;
	[bflag:$0x2] =	sbarrier.arrive $0xFFFF  }
0xde: {  	p0 =	sne.s32 s0, $0x0;
	s0 =	rddreg [dreg:$0x2]  }
0xdf: {  	s0 =	sadd.s32 @!p0 $0x100000, s0  }
0xe0: {  	[sflag:s0] =	ssyncadd.tile.s32 @!p0 $0x1;
	_ =	shalt  }
.Lfunc_end2:
_tile_overlayer_lowered:
.L_overlay_start_2:
0xe1: {  	(tag) =	ssettag $0x2  }
0xe2: {  	s0 =	rddreg [dreg:$0x0];
	s2 =	stileid.u32  }
0xe3: {  	s1 =	rddreg [dreg:$0x1];
	p0 =	sne.s32 s2, $0x0  }
0xe4: {  	s3 =	rddreg [dreg:$0x2];
	[bflag:$0x3] =	sbarrier.arrive $0xFFFF;
	s2 =	simm.s32 @!p0 $0x1C02  }
0xe5: {  	[timem:s3], [sflag:s2] =	dma.local @!p0 [hbm:s0], s1  }
0xe6: {  	s0 =	simm.s32 @!p0 $0x2  }
0xe7: {  	_ =	swait.ge @!p0 [sflag:s0], s1  }
0xe8: {  	s1 =	ssub.s32 @!p0 $0x0, s1;
	[sflag:s0] =	ssyncset.done @!p0 $0x0  }
0xe9: {  	[sflag:s0] =	ssyncadd.s32 @!p0 s1  }
0xea: {  	[bflag:$0x3] =	sbarrier.arrive $0xFFFF  }
0xeb: {  	_ =	shalt  }

</sc_bundles>
